<compile_context>
chip_gen: v7x
topology: tpu7x:2x2x1
jax: 0.10.2.dev20260603
libtpu: 0.0.44.dev20260713+nightly
codegen_flags: <defaults>
</compile_context>

<pallas_src>
import functools

import jax
import jax.numpy as jnp
from jax import lax
from jax.experimental import pallas as pl
from jax.experimental.pallas import tpu as pltpu
from jax.experimental.pallas import tpu_sc as plsc

N = 10000
NP = 10240
E = 320000
G = 128
F1 = 16
NC, NS = 2, 16
NT = NC * NS
EPT = E // NT
RPS = NP // NS
CH = 80
NCH = EPT // CH
NBUF = 4

_MESH = plsc.VectorSubcoreMesh(
    core_axis_name="c", subcore_axis_name="s", num_cores=NC, num_subcores=NS
)


def _zero_1d(ref, nwords):
    z16 = jnp.zeros((16,), jnp.float32)

    def body(i, _):
        ref[pl.ds(i * 16, 16)] = z16
        return 0

    lax.fori_loop(0, nwords // 16, body, 0)


def _fill_identity(ref, nwords):
    i16 = lax.broadcasted_iota(jnp.int32, (16,), 0)

    def body(i, _):
        ref[pl.ds(i * 16, 16)] = i * 16 + i16
        return 0

    lax.fori_loop(0, nwords // 16, body, 0)


@functools.partial(
    pl.kernel,
    out_type=jax.ShapeDtypeStruct((NC, NP), jnp.float32),
    mesh=_MESH,
    scratch_types=[
        pltpu.VMEM((EPT,), jnp.int32),
        pltpu.VMEM((NP,), jnp.float32),
        pltpu.VMEM((NP,), jnp.int32),
        pltpu.VMEM_SHARED((NP,), jnp.float32),
    ],
    compiler_params=pltpu.CompilerParams(needs_layout_passes=False),
)
def _sc_deg(dst_hbm, out_hbm, dstbuf, degp, idn, spdeg):
    c = lax.axis_index("c")
    s = lax.axis_index("s")
    t = c * NS + s

    _zero_1d(degp, NP)
    _fill_identity(idn, NP)
    pltpu.sync_copy(degp.at[pl.ds(s * RPS, RPS)], spdeg.at[pl.ds(s * RPS, RPS)])
    plsc.subcore_barrier()

    pltpu.sync_copy(dst_hbm.at[pl.ds(t * EPT, EPT)], dstbuf)
    ones = jnp.ones((16,), jnp.float32)

    def body(i, _):
        idx = dstbuf[pl.ds(i * 16, 16)]
        plsc.addupdate_scatter(degp, [idx], ones)
        return 0

    lax.fori_loop(0, EPT // 16, body, 0)

    pltpu.sync_copy(degp, spdeg.at[idn], add=True)
    plsc.subcore_barrier()
    pltpu.sync_copy(spdeg.at[pl.ds(s * RPS, RPS)], out_hbm.at[c, pl.ds(s * RPS, RPS)])


@functools.partial(
    pl.kernel,
    out_type=jax.ShapeDtypeStruct((NC, NP, F1), jnp.float32),
    mesh=_MESH,
    scratch_types=[
        pltpu.VMEM((EPT,), jnp.int32),
        pltpu.VMEM((EPT,), jnp.int32),
        pltpu.VMEM((NBUF, CH), jnp.int32),
        pltpu.VMEM((NBUF, CH), jnp.int32),
        pltpu.VMEM((NBUF, CH, F1), jnp.float32),
        pltpu.VMEM((RPS, F1), jnp.float32),
        pltpu.VMEM_SHARED((NP, F1), jnp.float32),
        pltpu.VMEM_SHARED((NP, F1), jnp.float32),
        pltpu.SemaphoreType.DMA,
        pltpu.SemaphoreType.DMA,
        pltpu.SemaphoreType.DMA,
        pltpu.SemaphoreType.DMA,
    ],
    compiler_params=pltpu.CompilerParams(use_tc_tiling_on_sc=False),
)
def _sc_agg(xs_hbm, src_hbm, dst_hbm, out_hbm,
            srcbuf, dstbuf, idxg, idxs, rows, zblk, spagg, spxs, sm0, sm1, sm2, sm3):
    sems = (sm0, sm1, sm2, sm3)
    c = lax.axis_index("c")
    s = lax.axis_index("s")
    t = c * NS + s

    z16 = jnp.zeros((16,), jnp.float32)

    def zbody(i, _):
        zblk[i, :] = z16
        return 0

    lax.fori_loop(0, RPS, zbody, 0)
    pltpu.sync_copy(zblk, spagg.at[pl.ds(s * RPS, RPS)])
    pltpu.sync_copy(xs_hbm.at[pl.ds(s * RPS, RPS)], spxs.at[pl.ds(s * RPS, RPS)])
    plsc.subcore_barrier()

    pltpu.sync_copy(src_hbm.at[pl.ds(t * EPT, EPT)], srcbuf)
    pltpu.sync_copy(dst_hbm.at[pl.ds(t * EPT, EPT)], dstbuf)

    def stage(k, b):
        def cp(j, _):
            idxg[b, pl.ds(j * 16, 16)] = srcbuf[pl.ds(k * CH + j * 16, 16)]
            idxs[b, pl.ds(j * 16, 16)] = dstbuf[pl.ds(k * CH + j * 16, 16)]
            return 0

        lax.fori_loop(0, CH // 16, cp, 0)
        pltpu.async_copy(spxs.at[idxg.at[b]], rows.at[b], sems[b])

    for b in range(NBUF - 1):
        stage(b, b)

    def body(i, _):
        for b in range(NBUF):
            k = i * NBUF + b
            pltpu.make_async_copy(spxs.at[idxg.at[b]], rows.at[b], sems[b]).wait()
            pltpu.sync_copy(rows.at[b], spagg.at[idxs.at[b]], add=True)

            @pl.when(k + NBUF - 1 < NCH)
            def _():
                stage(k + NBUF - 1, (b + NBUF - 1) % NBUF)

        return 0

    lax.fori_loop(0, NCH // NBUF, body, 0)
    for k in range(NCH - NCH % NBUF, NCH):
        b = k % NBUF
        pltpu.make_async_copy(spxs.at[idxg.at[b]], rows.at[b], sems[b]).wait()
        pltpu.sync_copy(rows.at[b], spagg.at[idxs.at[b]], add=True)

    plsc.subcore_barrier()
    pltpu.sync_copy(spagg.at[pl.ds(s * RPS, RPS)], out_hbm.at[c, pl.ds(s * RPS, RPS)])


@functools.partial(
    pl.kernel,
    out_type=jax.ShapeDtypeStruct((NC, G), jnp.float32),
    mesh=_MESH,
    scratch_types=[
        pltpu.VMEM((RPS, F1), jnp.float32),
        pltpu.VMEM((RPS, F1), jnp.float32),
        pltpu.VMEM((RPS, F1), jnp.float32),
        pltpu.VMEM((RPS,), jnp.float32),
        pltpu.VMEM((RPS,), jnp.int32),
        pltpu.VMEM((RPS,), jnp.float32),
        pltpu.VMEM((RPS,), jnp.float32),
        pltpu.VMEM((NP,), jnp.float32),
        pltpu.VMEM((EPT,), jnp.int32),
        pltpu.VMEM((EPT,), jnp.int32),
        pltpu.VMEM((NP,), jnp.float32),
        pltpu.VMEM((NP,), jnp.int32),
        pltpu.VMEM((G,), jnp.float32),
        pltpu.VMEM((G,), jnp.int32),
        pltpu.VMEM((F1, 16), jnp.float32),
        pltpu.VMEM((F1, 16), jnp.float32),
        pltpu.VMEM((F1,), jnp.float32),
        pltpu.VMEM_SHARED((NP,), jnp.float32),
        pltpu.VMEM_SHARED((NP,), jnp.float32),
        pltpu.VMEM_SHARED((G,), jnp.float32),
    ],
    compiler_params=pltpu.CompilerParams(
        needs_layout_passes=False, use_tc_tiling_on_sc=False
    ),
)
def _sc_zu(agg2_hbm, xs_hbm, dinv_hbm, batch_hbm, src_hbm, dst_hbm,
           w2_hbm, b1_hbm, b2_hbm, out_hbm,
           a0, a1, xsl, dvl, btl, uloc, zl, ubuf, srcbuf, dstbuf,
           zp, idn, bins, binidn, w2m, b1m, b2b, spu, spz, spbins):
    c = lax.axis_index("c")
    s = lax.axis_index("s")
    t = c * NS + s
    base = s * RPS

    _zero_1d(zp, NP)
    _fill_identity(idn, NP)
    _zero_1d(bins, G)
    _fill_identity(binidn, G)
    pltpu.sync_copy(zp.at[pl.ds(base, RPS)], spz.at[pl.ds(base, RPS)])

    @pl.when(s == 0)
    def _():
        pltpu.sync_copy(bins, spbins)

    pltpu.sync_copy(agg2_hbm.at[0, pl.ds(base, RPS)], a0)
    pltpu.sync_copy(agg2_hbm.at[1, pl.ds(base, RPS)], a1)
    pltpu.sync_copy(xs_hbm.at[pl.ds(base, RPS)], xsl)
    pltpu.sync_copy(dinv_hbm.at[pl.ds(base, RPS)], dvl)
    pltpu.sync_copy(batch_hbm.at[pl.ds(base, RPS)], btl)
    pltpu.sync_copy(w2_hbm, w2m)
    pltpu.sync_copy(b1_hbm, b1m)
    pltpu.sync_copy(b2_hbm, b2b)
    pltpu.sync_copy(src_hbm.at[pl.ds(t * EPT, EPT)], srcbuf)
    pltpu.sync_copy(dst_hbm.at[pl.ds(t * EPT, EPT)], dstbuf)

    i16a = lax.broadcasted_iota(jnp.int32, (16,), 0)
    b1rows = [b1m[f, :] for f in range(F1)]
    w2rows = [w2m[f, :] for f in range(F1)]

    def ub(i, _):
        rows = i * 16 + i16a
        d16 = dvl[pl.ds(i * 16, 16)]
        acc = jnp.zeros((16,), jnp.float32)
        for f in range(F1):
            cf = jnp.full((16,), f, jnp.int32)
            g = (plsc.load_gather(a0, [rows, cf])
                 + plsc.load_gather(a1, [rows, cf])
                 + plsc.load_gather(xsl, [rows, cf]))
            hf = jnp.maximum(g * d16 + b1rows[f], 0.0)
            bits = plsc.bitcast(hf, jnp.int32)
            lsb = jnp.bitwise_and(lax.shift_right_logical(bits, 16), 1)
            rb = jnp.bitwise_and(bits + 0x7FFF + lsb, jnp.int32(-65536))
            acc = acc + plsc.bitcast(rb, jnp.float32) * w2rows[f]
        uloc[pl.ds(i * 16, 16)] = acc * d16
        return 0

    lax.fori_loop(0, RPS // 16, ub, 0)
    pltpu.sync_copy(uloc, spu.at[pl.ds(base, RPS)])
    plsc.subcore_barrier()

    pltpu.sync_copy(spu, ubuf)

    def eb(i, _):
        si = srcbuf[pl.ds(i * 16, 16)]
        di = dstbuf[pl.ds(i * 16, 16)]
        vals = plsc.load_gather(ubuf, [si])
        plsc.addupdate_scatter(zp, [di], vals)
        return 0

    lax.fori_loop(0, EPT // 16, eb, 0)
    pltpu.sync_copy(zp, spz.at[idn], add=True)
    plsc.subcore_barrier()

    pltpu.sync_copy(spz.at[pl.ds(base, RPS)], zl)
    hb2 = b2b[...] * 0.5
    i16 = lax.broadcasted_iota(jnp.int32, (16,), 0)

    def wb(i, _):
        z16 = zl[pl.ds(i * 16, 16)]
        u16 = ubuf[pl.ds(base + i * 16, 16)]
        d16 = dvl[pl.ds(i * 16, 16)]
        b16 = btl[pl.ds(i * 16, 16)]
        row = base + i * 16 + i16
        w16 = d16 * (z16 + 0.5 * u16) + hb2
        w16 = jnp.where(row < N, w16, 0.0)
        plsc.addupdate_scatter(bins, [b16], w16)
        return 0

    lax.fori_loop(0, RPS // 16, wb, 0)
    pltpu.sync_copy(bins, spbins.at[binidn], add=True)
    plsc.subcore_barrier()

    @pl.when(s == 0)
    def _():
        pltpu.sync_copy(spbins, out_hbm.at[c])


def _tc1_body(x_ref, w1_ref, dinv_ref, xs_ref):
    xw = jnp.dot(x_ref[...], w1_ref[...], preferred_element_type=jnp.float32)
    xs_ref[...] = xw * dinv_ref[...]


def _tc1(x, W1, dinv):
    return pl.pallas_call(
        _tc1_body,
        out_shape=jax.ShapeDtypeStruct((NP, F1), jnp.float32),
    )(x, W1, dinv)


def kernel(x, edge_index, batch, W1, b1, W2, b2):
    ei = edge_index.astype(jnp.int32)
    src = ei[0]
    dst = ei[1]
    x_p = jnp.pad(x, ((0, NP - N), (0, 0)))
    batch_p = jnp.pad(batch.astype(jnp.int32), (0, NP - N))

    deg2 = _sc_deg(dst)
    dinv = lax.rsqrt(deg2[0] + deg2[1] + 1.0)

    xs = _tc1(x_p, W1, dinv[:, None])
    agg2 = _sc_agg(xs, src, dst)

    w2r = W2.astype(jnp.bfloat16).astype(jnp.float32).reshape(F1)
    out2 = _sc_zu(agg2, xs, dinv, batch_p, src, dst,
                  jnp.broadcast_to(w2r[:, None], (F1, 16)),
                  jnp.broadcast_to(b1[:, None], (F1, 16)),
                  jnp.broadcast_to(b2, (F1,)))
    return (out2[0] + out2[1]).reshape(G, 1)

# --- scband reference (transcript-rebuilt; emitter-appended) ---
"""Pipeline reference for scband-my-net-3496103379504 (READ-ONLY COPY).

The authoritative reference and input builder live on the scoring server;
editing this copy changes nothing except your own understanding.
"""

import jax, jax.numpy as jnp
import numpy as np

N_NODES = 10000
NUM_GRAPHS = 128


def gcn_conv(x, edge_index, W, b, num_nodes):
    # PyG GCNConv: x' = x @ W, then symmetric-normalized aggregation with self-loops, then + bias
    x = x @ W
    src = edge_index[0]
    dst = edge_index[1]
    loop = jnp.arange(num_nodes, dtype=edge_index.dtype)
    src = jnp.concatenate([src, loop])
    dst = jnp.concatenate([dst, loop])
    ones = jnp.ones(src.shape[0], dtype=x.dtype)
    deg = jnp.zeros((num_nodes,), dtype=x.dtype).at[dst].add(ones)
    dinv = jnp.where(deg > 0, jax.lax.rsqrt(deg), 0.0)
    norm = dinv[src] * dinv[dst]
    msg = x[src] * norm[:, None]
    out = jnp.zeros_like(x).at[dst].add(msg)
    return out + b


def setup_inputs(seed: int = 0) -> dict:
    key = jax.random.key(seed)
    k1, k2, k3, k4, k5, k6, k7 = jax.random.split(key, 7)
    x = jax.random.normal(k1, (N_NODES, 128), dtype=jnp.float32)
    edge_index = jax.random.randint(k2, (2, 320000), 0, N_NODES, dtype=jnp.int64)
    batch = jnp.sort(jax.random.randint(k3, (N_NODES,), 0, NUM_GRAPHS, dtype=jnp.int64))
    # Glorot init for GCN weights
    W1 = jax.random.normal(k4, (128, 16), dtype=jnp.float32) * float(np.sqrt(2.0 / (128 + 16)))
    b1 = jnp.zeros((16,), dtype=jnp.float32)
    W2 = jax.random.normal(k5, (16, 1), dtype=jnp.float32) * float(np.sqrt(2.0 / (16 + 1)))
    b2 = jnp.zeros((1,), dtype=jnp.float32)
    return {"x": x, "edge_index": edge_index, "batch": batch, "W1": W1, "b1": b1, "W2": W2, "b2": b2}


def reference(x, edge_index, batch, W1, b1, W2, b2):
    h = gcn_conv(x, edge_index, W1, b1, N_NODES)
    h = jax.nn.relu(h)
    h = gcn_conv(h, edge_index, W2, b2, N_NODES)
    out = jax.ops.segment_sum(h, batch, num_segments=NUM_GRAPHS)
    return out

if __name__ == "__main__":
    import jax
    _d = setup_inputs()
    print(jax.jit(kernel)(*tuple(_d.values())))

</pallas_src>

<mosaic_0001>
#map = affine_map<(d0, d1) -> (0, 0, 0)>
#map1 = affine_map<(d0, d1) -> (0, 0)>
#map2 = affine_map<(d0, d1) -> (0)>
module attributes {stable_mosaic.version = 14 : i64} {
  func.func @_sc_zu(%arg0: i32, %arg1: i32, %arg2: memref<2x10240x16xf32, #tpu.memory_space<hbm>>, %arg3: memref<10240x16xf32, #tpu.memory_space<hbm>>, %arg4: memref<10240xf32, #tpu.memory_space<hbm>>, %arg5: memref<10240xi32, #tpu.memory_space<hbm>>, %arg6: memref<320000xi32, #tpu.memory_space<hbm>>, %arg7: memref<320000xi32, #tpu.memory_space<hbm>>, %arg8: memref<16x16xf32, #tpu.memory_space<hbm>>, %arg9: memref<16x16xf32, #tpu.memory_space<hbm>>, %arg10: memref<16xf32, #tpu.memory_space<hbm>>, %arg11: memref<2x128xf32, #tpu.memory_space<hbm>>, %arg12: memref<640x16xf32, #tpu.memory_space<vmem>>, %arg13: memref<640x16xf32, #tpu.memory_space<vmem>>, %arg14: memref<640x16xf32, #tpu.memory_space<vmem>>, %arg15: memref<640xf32, #tpu.memory_space<vmem>>, %arg16: memref<640xi32, #tpu.memory_space<vmem>>, %arg17: memref<640xf32, #tpu.memory_space<vmem>>, %arg18: memref<640xf32, #tpu.memory_space<vmem>>, %arg19: memref<10240xf32, #tpu.memory_space<vmem>>, %arg20: memref<10000xi32, #tpu.memory_space<vmem>>, %arg21: memref<10000xi32, #tpu.memory_space<vmem>>, %arg22: memref<10240xf32, #tpu.memory_space<vmem>>, %arg23: memref<10240xi32, #tpu.memory_space<vmem>>, %arg24: memref<128xf32, #tpu.memory_space<vmem>>, %arg25: memref<128xi32, #tpu.memory_space<vmem>>, %arg26: memref<16x16xf32, #tpu.memory_space<vmem>>, %arg27: memref<16x16xf32, #tpu.memory_space<vmem>>, %arg28: memref<16xf32, #tpu.memory_space<vmem>>, %arg29: memref<10240xf32, #tpu.memory_space<vmem_shared>>, %arg30: memref<10240xf32, #tpu.memory_space<vmem_shared>>, %arg31: memref<128xf32, #tpu.memory_space<vmem_shared>>) attributes {dimension_semantics = [#tpu.dimension_semantics<core_parallel>, #tpu.dimension_semantics<subcore_parallel>], iteration_bounds = array<i64: 2, 16>, scalar_prefetch = 0 : i64, scratch_operands = 20 : i64, tpu.core_type = #tpu.core_type<sc_vector_subcore>, window_params = [{transform_indices = #map}, {transform_indices = #map1}, {transform_indices = #map2}, {transform_indices = #map2}, {transform_indices = #map2}, {transform_indices = #map2}, {transform_indices = #map1}, {transform_indices = #map1}, {transform_indices = #map2}, {transform_indices = #map1}]} {
    %mul3A = arith.constant 16 : i32
    %mul3A_0 = arith.muli %arg0, %mul3A : i32
    %add3A = arith.addi %mul3A_0, %arg1 : i32
    %mul3A_1 = arith.constant 640 : i32
    %mul3A_2 = arith.muli %arg1, %mul3A_1 : i32
    %broadcast_in_dim3A = arith.constant 0.000000e+00 : f32
    %broadcast_in_dim3A_3 = vector.broadcast %broadcast_in_dim3A : f32 to vector<16xf32>
    %scan3A = arith.constant 0 : i32
    %scan3A_4 = arith.constant 0 : i32
    %scan3A_5 = arith.constant 640 : i32
    %scan3A_6 = arith.addi %scan3A_4, %scan3A_5 : i32
    %scan3A_7 = arith.constant 1 : i32
    %scan3A_8 = scf.for %scan3A_203 = %scan3A_4 to %scan3A_6 step %scan3A_7 iter_args(%scan3A_204 = %scan3A) -> (i32)  : i32 {
      %mul3A_205 = arith.constant 16 : i32
      %mul3A_206 = arith.muli %scan3A_203, %mul3A_205 : i32
      %swap3A = arith.index_cast %mul3A_206 : i32 to index
      %swap3A_207 = tpu.vector_load %arg22[%swap3A] {strides = array<i32>} : memref<10240xf32, #tpu.memory_space<vmem>>, vector<16xf32>,
      tpu.vector_store %arg22[%swap3A], %broadcast_in_dim3A_3 {strides = array<i32>} : memref<10240xf32, #tpu.memory_space<vmem>>, vector<16xf32>,
      %scan3A_208 = arith.constant 0 : i32
      scf.yield %scan3A_208 : i32
    }
    %scan3A_9 = arith.constant 640 : i32
    %iota3A = tpu.iota {dimensions = array<i32: 0>} : vector<16xi32>
    %scan3A_10 = arith.constant 0 : i32
    %scan3A_11 = arith.constant 0 : i32
    %scan3A_12 = arith.constant 640 : i32
    %scan3A_13 = arith.addi %scan3A_11, %scan3A_12 : i32
    %scan3A_14 = arith.constant 1 : i32
    %scan3A_15 = scf.for %scan3A_203 = %scan3A_11 to %scan3A_13 step %scan3A_14 iter_args(%scan3A_204 = %scan3A_10) -> (i32)  : i32 {
      %mul3A_205 = arith.constant 16 : i32
      %mul3A_206 = arith.muli %scan3A_203, %mul3A_205 : i32
      %add3A_207 = vector.broadcast %mul3A_206 : i32 to vector<16xi32>
      %add3A_208 = arith.addi %add3A_207, %iota3A : vector<16xi32>
      %mul3A_209 = arith.constant 16 : i32
      %mul3A_210 = arith.muli %scan3A_203, %mul3A_209 : i32
      %swap3A = arith.index_cast %mul3A_210 : i32 to index
      %swap3A_211 = tpu.vector_load %arg23[%swap3A] {strides = array<i32>} : memref<10240xi32, #tpu.memory_space<vmem>>, vector<16xi32>,
      tpu.vector_store %arg23[%swap3A], %add3A_208 {strides = array<i32>} : memref<10240xi32, #tpu.memory_space<vmem>>, vector<16xi32>,
      %scan3A_212 = arith.constant 0 : i32
      scf.yield %scan3A_212 : i32
    }
    %scan3A_16 = arith.constant 640 : i32
    %broadcast_in_dim3A_17 = arith.constant 0.000000e+00 : f32
    %broadcast_in_dim3A_18 = vector.broadcast %broadcast_in_dim3A_17 : f32 to vector<16xf32>
    %scan3A_19 = arith.constant 0 : i32
    %scan3A_20 = arith.constant 0 : i32
    %scan3A_21 = arith.constant 8 : i32
    %scan3A_22 = arith.addi %scan3A_20, %scan3A_21 : i32
    %scan3A_23 = arith.constant 1 : i32
    %scan3A_24 = scf.for %scan3A_203 = %scan3A_20 to %scan3A_22 step %scan3A_23 iter_args(%scan3A_204 = %scan3A_19) -> (i32)  : i32 {
      %mul3A_205 = arith.constant 16 : i32
      %mul3A_206 = arith.muli %scan3A_203, %mul3A_205 : i32
      %swap3A = arith.index_cast %mul3A_206 : i32 to index
      %swap3A_207 = tpu.vector_load %arg24[%swap3A] {strides = array<i32>} : memref<128xf32, #tpu.memory_space<vmem>>, vector<16xf32>,
      tpu.vector_store %arg24[%swap3A], %broadcast_in_dim3A_18 {strides = array<i32>} : memref<128xf32, #tpu.memory_space<vmem>>, vector<16xf32>,
      %scan3A_208 = arith.constant 0 : i32
      scf.yield %scan3A_208 : i32
    }
    %scan3A_25 = arith.constant 8 : i32
    %iota3A_26 = tpu.iota {dimensions = array<i32: 0>} : vector<16xi32>
    %scan3A_27 = arith.constant 0 : i32
    %scan3A_28 = arith.constant 0 : i32
    %scan3A_29 = arith.constant 8 : i32
    %scan3A_30 = arith.addi %scan3A_28, %scan3A_29 : i32
    %scan3A_31 = arith.constant 1 : i32
    %scan3A_32 = scf.for %scan3A_203 = %scan3A_28 to %scan3A_30 step %scan3A_31 iter_args(%scan3A_204 = %scan3A_27) -> (i32)  : i32 {
      %mul3A_205 = arith.constant 16 : i32
      %mul3A_206 = arith.muli %scan3A_203, %mul3A_205 : i32
      %add3A_207 = vector.broadcast %mul3A_206 : i32 to vector<16xi32>
      %add3A_208 = arith.addi %add3A_207, %iota3A_26 : vector<16xi32>
      %mul3A_209 = arith.constant 16 : i32
      %mul3A_210 = arith.muli %scan3A_203, %mul3A_209 : i32
      %swap3A = arith.index_cast %mul3A_210 : i32 to index
      %swap3A_211 = tpu.vector_load %arg25[%swap3A] {strides = array<i32>} : memref<128xi32, #tpu.memory_space<vmem>>, vector<16xi32>,
      tpu.vector_store %arg25[%swap3A], %add3A_208 {strides = array<i32>} : memref<128xi32, #tpu.memory_space<vmem>>, vector<16xi32>,
      %scan3A_212 = arith.constant 0 : i32
      scf.yield %scan3A_212 : i32
    }
    %scan3A_33 = arith.constant 8 : i32
    "tpu.region"() ({
      %run_scoped3A_203 = tpu.sem_alloc : memref<!tpu.dma_semaphore, #tpu.memory_space<semaphore_mem>>
      %dma_start3A = tpu.memref_slice %arg22[%mul3A_2] : memref<10240xf32, #tpu.memory_space<vmem>> -> memref<640xf32, #tpu.memory_space<vmem>>
      %dma_start3A_204 = tpu.memref_slice %arg30[%mul3A_2] : memref<10240xf32, #tpu.memory_space<vmem_shared>> -> memref<640xf32, #tpu.memory_space<vmem_shared>>
      %dma_start3A_205 = tpu.memref_slice %arg30[%mul3A_2] : memref<10240xf32, #tpu.memory_space<vmem_shared>> -> memref<640xf32, #tpu.memory_space<vmem_shared>>
      %dma_start3A_206 = tpu.memref_slice %arg22[%mul3A_2] : memref<10240xf32, #tpu.memory_space<vmem>> -> memref<640xf32, #tpu.memory_space<vmem>>
      tpu.enqueue_dma source(%dma_start3A_206 : memref<640xf32, #tpu.memory_space<vmem>>) target(%dma_start3A_205 : memref<640xf32, #tpu.memory_space<vmem_shared>>) target_semaphore(%run_scoped3A_203 : memref<!tpu.dma_semaphore, #tpu.memory_space<semaphore_mem>>)
      %dma_wait3A = tpu.memref_slice %arg22[%mul3A_2] : memref<10240xf32, #tpu.memory_space<vmem>> -> memref<640xf32, #tpu.memory_space<vmem>>
      %dma_wait3A_207 = tpu.memref_slice %arg30[%mul3A_2] : memref<10240xf32, #tpu.memory_space<vmem_shared>> -> memref<640xf32, #tpu.memory_space<vmem_shared>>
      %dma_wait3A_208 = tpu.memref_slice %arg30[%mul3A_2] : memref<10240xf32, #tpu.memory_space<vmem_shared>> -> memref<640xf32, #tpu.memory_space<vmem_shared>>
      %dma_wait3A_209 = tpu.memref_slice %arg22[%mul3A_2] : memref<10240xf32, #tpu.memory_space<vmem>> -> memref<640xf32, #tpu.memory_space<vmem>>
      tpu.wait_dma2 semaphore(%run_scoped3A_203 : memref<!tpu.dma_semaphore, #tpu.memory_space<semaphore_mem>>) src(%dma_wait3A_209 : memref<640xf32, #tpu.memory_space<vmem>>) dst(%dma_wait3A_208 : memref<640xf32, #tpu.memory_space<vmem_shared>>)
      tpu.yield
    }) : () -> ()
    %eq3A = arith.constant 0 : i32
    %eq3A_34 = arith.cmpi eq, %arg1, %eq3A : i32
    %convert_element_type3A = arith.extui %eq3A_34 : i1 to i32
    %cond3A = arith.constant 0 : i32
    %cond3A_35 = arith.cmpi ne, %convert_element_type3A, %cond3A : i32
    scf.if %cond3A_35 {
      "tpu.region"() ({
        %run_scoped3A_203 = tpu.sem_alloc : memref<!tpu.dma_semaphore, #tpu.memory_space<semaphore_mem>>
        tpu.enqueue_dma source(%arg24 : memref<128xf32, #tpu.memory_space<vmem>>) target(%arg31 : memref<128xf32, #tpu.memory_space<vmem_shared>>) target_semaphore(%run_scoped3A_203 : memref<!tpu.dma_semaphore, #tpu.memory_space<semaphore_mem>>)
        tpu.wait_dma2 semaphore(%run_scoped3A_203 : memref<!tpu.dma_semaphore, #tpu.memory_space<semaphore_mem>>) src(%arg24 : memref<128xf32, #tpu.memory_space<vmem>>) dst(%arg31 : memref<128xf32, #tpu.memory_space<vmem_shared>>)
        tpu.yield
      }) : () -> ()
    } else {
    }
    %run_scoped3A = arith.constant 0 : i32
    "tpu.region"() ({
      %run_scoped3A_203 = tpu.sem_alloc : memref<!tpu.dma_semaphore, #tpu.memory_space<semaphore_mem>>
      %dma_start3A = arith.constant 0 : i32
      %dma_start3A_204 = tpu.memref_slice %arg2[%run_scoped3A, %mul3A_2, %dma_start3A] : memref<2x10240x16xf32, #tpu.memory_space<hbm>> -> memref<1x640x16xf32, #tpu.memory_space<hbm>>
      %dma_start3A_205 = tpu.memref_squeeze %dma_start3A_204 : memref<1x640x16xf32, #tpu.memory_space<hbm>> -> memref<640x16xf32, #tpu.memory_space<hbm>>
      %dma_start3A_206 = arith.constant 0 : i32
      %dma_start3A_207 = tpu.memref_slice %arg2[%run_scoped3A, %mul3A_2, %dma_start3A_206] : memref<2x10240x16xf32, #tpu.memory_space<hbm>> -> memref<1x640x16xf32, #tpu.memory_space<hbm>>
      %dma_start3A_208 = tpu.memref_squeeze %dma_start3A_207 : memref<1x640x16xf32, #tpu.memory_space<hbm>> -> memref<640x16xf32, #tpu.memory_space<hbm>>
      tpu.enqueue_dma source(%dma_start3A_208 : memref<640x16xf32, #tpu.memory_space<hbm>>) target(%arg12 : memref<640x16xf32, #tpu.memory_space<vmem>>) target_semaphore(%run_scoped3A_203 : memref<!tpu.dma_semaphore, #tpu.memory_space<semaphore_mem>>)
      %dma_wait3A = arith.constant 0 : i32
      %dma_wait3A_209 = tpu.memref_slice %arg2[%run_scoped3A, %mul3A_2, %dma_wait3A] : memref<2x10240x16xf32, #tpu.memory_space<hbm>> -> memref<1x640x16xf32, #tpu.memory_space<hbm>>
      %dma_wait3A_210 = tpu.memref_squeeze %dma_wait3A_209 : memref<1x640x16xf32, #tpu.memory_space<hbm>> -> memref<640x16xf32, #tpu.memory_space<hbm>>
      %dma_wait3A_211 = arith.constant 0 : i32
      %dma_wait3A_212 = tpu.memref_slice %arg2[%run_scoped3A, %mul3A_2, %dma_wait3A_211] : memref<2x10240x16xf32, #tpu.memory_space<hbm>> -> memref<1x640x16xf32, #tpu.memory_space<hbm>>
      %dma_wait3A_213 = tpu.memref_squeeze %dma_wait3A_212 : memref<1x640x16xf32, #tpu.memory_space<hbm>> -> memref<640x16xf32, #tpu.memory_space<hbm>>
      tpu.wait_dma2 semaphore(%run_scoped3A_203 : memref<!tpu.dma_semaphore, #tpu.memory_space<semaphore_mem>>) src(%dma_wait3A_213 : memref<640x16xf32, #tpu.memory_space<hbm>>) dst(%arg12 : memref<640x16xf32, #tpu.memory_space<vmem>>)
      tpu.yield
    }) : () -> ()
    %run_scoped3A_36 = arith.constant 1 : i32
    "tpu.region"() ({
      %run_scoped3A_203 = tpu.sem_alloc : memref<!tpu.dma_semaphore, #tpu.memory_space<semaphore_mem>>
      %dma_start3A = arith.constant 0 : i32
      %dma_start3A_204 = tpu.memref_slice %arg2[%run_scoped3A_36, %mul3A_2, %dma_start3A] : memref<2x10240x16xf32, #tpu.memory_space<hbm>> -> memref<1x640x16xf32, #tpu.memory_space<hbm>>
      %dma_start3A_205 = tpu.memref_squeeze %dma_start3A_204 : memref<1x640x16xf32, #tpu.memory_space<hbm>> -> memref<640x16xf32, #tpu.memory_space<hbm>>
      %dma_start3A_206 = arith.constant 0 : i32
      %dma_start3A_207 = tpu.memref_slice %arg2[%run_scoped3A_36, %mul3A_2, %dma_start3A_206] : memref<2x10240x16xf32, #tpu.memory_space<hbm>> -> memref<1x640x16xf32, #tpu.memory_space<hbm>>
      %dma_start3A_208 = tpu.memref_squeeze %dma_start3A_207 : memref<1x640x16xf32, #tpu.memory_space<hbm>> -> memref<640x16xf32, #tpu.memory_space<hbm>>
      tpu.enqueue_dma source(%dma_start3A_208 : memref<640x16xf32, #tpu.memory_space<hbm>>) target(%arg13 : memref<640x16xf32, #tpu.memory_space<vmem>>) target_semaphore(%run_scoped3A_203 : memref<!tpu.dma_semaphore, #tpu.memory_space<semaphore_mem>>)
      %dma_wait3A = arith.constant 0 : i32
      %dma_wait3A_209 = tpu.memref_slice %arg2[%run_scoped3A_36, %mul3A_2, %dma_wait3A] : memref<2x10240x16xf32, #tpu.memory_space<hbm>> -> memref<1x640x16xf32, #tpu.memory_space<hbm>>
      %dma_wait3A_210 = tpu.memref_squeeze %dma_wait3A_209 : memref<1x640x16xf32, #tpu.memory_space<hbm>> -> memref<640x16xf32, #tpu.memory_space<hbm>>
      %dma_wait3A_211 = arith.constant 0 : i32
      %dma_wait3A_212 = tpu.memref_slice %arg2[%run_scoped3A_36, %mul3A_2, %dma_wait3A_211] : memref<2x10240x16xf32, #tpu.memory_space<hbm>> -> memref<1x640x16xf32, #tpu.memory_space<hbm>>
      %dma_wait3A_213 = tpu.memref_squeeze %dma_wait3A_212 : memref<1x640x16xf32, #tpu.memory_space<hbm>> -> memref<640x16xf32, #tpu.memory_space<hbm>>
      tpu.wait_dma2 semaphore(%run_scoped3A_203 : memref<!tpu.dma_semaphore, #tpu.memory_space<semaphore_mem>>) src(%dma_wait3A_213 : memref<640x16xf32, #tpu.memory_space<hbm>>) dst(%arg13 : memref<640x16xf32, #tpu.memory_space<vmem>>)
      tpu.yield
    }) : () -> ()
    "tpu.region"() ({
      %run_scoped3A_203 = tpu.sem_alloc : memref<!tpu.dma_semaphore, #tpu.memory_space<semaphore_mem>>
      %dma_start3A = arith.constant 0 : i32
      %dma_start3A_204 = tpu.memref_slice %arg3[%mul3A_2, %dma_start3A] : memref<10240x16xf32, #tpu.memory_space<hbm>> -> memref<640x16xf32, #tpu.memory_space<hbm>>
      %dma_start3A_205 = arith.constant 0 : i32
      %dma_start3A_206 = tpu.memref_slice %arg3[%mul3A_2, %dma_start3A_205] : memref<10240x16xf32, #tpu.memory_space<hbm>> -> memref<640x16xf32, #tpu.memory_space<hbm>>
      tpu.enqueue_dma source(%dma_start3A_206 : memref<640x16xf32, #tpu.memory_space<hbm>>) target(%arg14 : memref<640x16xf32, #tpu.memory_space<vmem>>) target_semaphore(%run_scoped3A_203 : memref<!tpu.dma_semaphore, #tpu.memory_space<semaphore_mem>>)
      %dma_wait3A = arith.constant 0 : i32
      %dma_wait3A_207 = tpu.memref_slice %arg3[%mul3A_2, %dma_wait3A] : memref<10240x16xf32, #tpu.memory_space<hbm>> -> memref<640x16xf32, #tpu.memory_space<hbm>>
      %dma_wait3A_208 = arith.constant 0 : i32
      %dma_wait3A_209 = tpu.memref_slice %arg3[%mul3A_2, %dma_wait3A_208] : memref<10240x16xf32, #tpu.memory_space<hbm>> -> memref<640x16xf32, #tpu.memory_space<hbm>>
      tpu.wait_dma2 semaphore(%run_scoped3A_203 : memref<!tpu.dma_semaphore, #tpu.memory_space<semaphore_mem>>) src(%dma_wait3A_209 : memref<640x16xf32, #tpu.memory_space<hbm>>) dst(%arg14 : memref<640x16xf32, #tpu.memory_space<vmem>>)
      tpu.yield
    }) : () -> ()
    "tpu.region"() ({
      %run_scoped3A_203 = tpu.sem_alloc : memref<!tpu.dma_semaphore, #tpu.memory_space<semaphore_mem>>
      %dma_start3A = tpu.memref_slice %arg4[%mul3A_2] : memref<10240xf32, #tpu.memory_space<hbm>> -> memref<640xf32, #tpu.memory_space<hbm>>
      %dma_start3A_204 = tpu.memref_slice %arg4[%mul3A_2] : memref<10240xf32, #tpu.memory_space<hbm>> -> memref<640xf32, #tpu.memory_space<hbm>>
      tpu.enqueue_dma source(%dma_start3A_204 : memref<640xf32, #tpu.memory_space<hbm>>) target(%arg15 : memref<640xf32, #tpu.memory_space<vmem>>) target_semaphore(%run_scoped3A_203 : memref<!tpu.dma_semaphore, #tpu.memory_space<semaphore_mem>>)
      %dma_wait3A = tpu.memref_slice %arg4[%mul3A_2] : memref<10240xf32, #tpu.memory_space<hbm>> -> memref<640xf32, #tpu.memory_space<hbm>>
      %dma_wait3A_205 = tpu.memref_slice %arg4[%mul3A_2] : memref<10240xf32, #tpu.memory_space<hbm>> -> memref<640xf32, #tpu.memory_space<hbm>>
      tpu.wait_dma2 semaphore(%run_scoped3A_203 : memref<!tpu.dma_semaphore, #tpu.memory_space<semaphore_mem>>) src(%dma_wait3A_205 : memref<640xf32, #tpu.memory_space<hbm>>) dst(%arg15 : memref<640xf32, #tpu.memory_space<vmem>>)
      tpu.yield
    }) : () -> ()
    "tpu.region"() ({
      %run_scoped3A_203 = tpu.sem_alloc : memref<!tpu.dma_semaphore, #tpu.memory_space<semaphore_mem>>
      %dma_start3A = tpu.memref_slice %arg5[%mul3A_2] : memref<10240xi32, #tpu.memory_space<hbm>> -> memref<640xi32, #tpu.memory_space<hbm>>
      %dma_start3A_204 = tpu.memref_slice %arg5[%mul3A_2] : memref<10240xi32, #tpu.memory_space<hbm>> -> memref<640xi32, #tpu.memory_space<hbm>>
      tpu.enqueue_dma source(%dma_start3A_204 : memref<640xi32, #tpu.memory_space<hbm>>) target(%arg16 : memref<640xi32, #tpu.memory_space<vmem>>) target_semaphore(%run_scoped3A_203 : memref<!tpu.dma_semaphore, #tpu.memory_space<semaphore_mem>>)
      %dma_wait3A = tpu.memref_slice %arg5[%mul3A_2] : memref<10240xi32, #tpu.memory_space<hbm>> -> memref<640xi32, #tpu.memory_space<hbm>>
      %dma_wait3A_205 = tpu.memref_slice %arg5[%mul3A_2] : memref<10240xi32, #tpu.memory_space<hbm>> -> memref<640xi32, #tpu.memory_space<hbm>>
      tpu.wait_dma2 semaphore(%run_scoped3A_203 : memref<!tpu.dma_semaphore, #tpu.memory_space<semaphore_mem>>) src(%dma_wait3A_205 : memref<640xi32, #tpu.memory_space<hbm>>) dst(%arg16 : memref<640xi32, #tpu.memory_space<vmem>>)
      tpu.yield
    }) : () -> ()
    "tpu.region"() ({
      %run_scoped3A_203 = tpu.sem_alloc : memref<!tpu.dma_semaphore, #tpu.memory_space<semaphore_mem>>
      tpu.enqueue_dma source(%arg8 : memref<16x16xf32, #tpu.memory_space<hbm>>) target(%arg26 : memref<16x16xf32, #tpu.memory_space<vmem>>) target_semaphore(%run_scoped3A_203 : memref<!tpu.dma_semaphore, #tpu.memory_space<semaphore_mem>>)
      tpu.wait_dma2 semaphore(%run_scoped3A_203 : memref<!tpu.dma_semaphore, #tpu.memory_space<semaphore_mem>>) src(%arg8 : memref<16x16xf32, #tpu.memory_space<hbm>>) dst(%arg26 : memref<16x16xf32, #tpu.memory_space<vmem>>)
      tpu.yield
    }) : () -> ()
    "tpu.region"() ({
      %run_scoped3A_203 = tpu.sem_alloc : memref<!tpu.dma_semaphore, #tpu.memory_space<semaphore_mem>>
      tpu.enqueue_dma source(%arg9 : memref<16x16xf32, #tpu.memory_space<hbm>>) target(%arg27 : memref<16x16xf32, #tpu.memory_space<vmem>>) target_semaphore(%run_scoped3A_203 : memref<!tpu.dma_semaphore, #tpu.memory_space<semaphore_mem>>)
      tpu.wait_dma2 semaphore(%run_scoped3A_203 : memref<!tpu.dma_semaphore, #tpu.memory_space<semaphore_mem>>) src(%arg9 : memref<16x16xf32, #tpu.memory_space<hbm>>) dst(%arg27 : memref<16x16xf32, #tpu.memory_space<vmem>>)
      tpu.yield
    }) : () -> ()
    "tpu.region"() ({
      %run_scoped3A_203 = tpu.sem_alloc : memref<!tpu.dma_semaphore, #tpu.memory_space<semaphore_mem>>
      tpu.enqueue_dma source(%arg10 : memref<16xf32, #tpu.memory_space<hbm>>) target(%arg28 : memref<16xf32, #tpu.memory_space<vmem>>) target_semaphore(%run_scoped3A_203 : memref<!tpu.dma_semaphore, #tpu.memory_space<semaphore_mem>>)
      tpu.wait_dma2 semaphore(%run_scoped3A_203 : memref<!tpu.dma_semaphore, #tpu.memory_space<semaphore_mem>>) src(%arg10 : memref<16xf32, #tpu.memory_space<hbm>>) dst(%arg28 : memref<16xf32, #tpu.memory_space<vmem>>)
      tpu.yield
    }) : () -> ()
    %mul3A_37 = arith.constant 10000 : i32
    %mul3A_38 = arith.muli %add3A, %mul3A_37 : i32
    "tpu.region"() ({
      %run_scoped3A_203 = tpu.sem_alloc : memref<!tpu.dma_semaphore, #tpu.memory_space<semaphore_mem>>
      %dma_start3A = tpu.memref_slice %arg6[%mul3A_38] : memref<320000xi32, #tpu.memory_space<hbm>> -> memref<10000xi32, #tpu.memory_space<hbm>>
      %dma_start3A_204 = tpu.memref_slice %arg6[%mul3A_38] : memref<320000xi32, #tpu.memory_space<hbm>> -> memref<10000xi32, #tpu.memory_space<hbm>>
      tpu.enqueue_dma source(%dma_start3A_204 : memref<10000xi32, #tpu.memory_space<hbm>>) target(%arg20 : memref<10000xi32, #tpu.memory_space<vmem>>) target_semaphore(%run_scoped3A_203 : memref<!tpu.dma_semaphore, #tpu.memory_space<semaphore_mem>>)
      %dma_wait3A = tpu.memref_slice %arg6[%mul3A_38] : memref<320000xi32, #tpu.memory_space<hbm>> -> memref<10000xi32, #tpu.memory_space<hbm>>
      %dma_wait3A_205 = tpu.memref_slice %arg6[%mul3A_38] : memref<320000xi32, #tpu.memory_space<hbm>> -> memref<10000xi32, #tpu.memory_space<hbm>>
      tpu.wait_dma2 semaphore(%run_scoped3A_203 : memref<!tpu.dma_semaphore, #tpu.memory_space<semaphore_mem>>) src(%dma_wait3A_205 : memref<10000xi32, #tpu.memory_space<hbm>>) dst(%arg20 : memref<10000xi32, #tpu.memory_space<vmem>>)
      tpu.yield
    }) : () -> ()
    %mul3A_39 = arith.constant 10000 : i32
    %mul3A_40 = arith.muli %add3A, %mul3A_39 : i32
    "tpu.region"() ({
      %run_scoped3A_203 = tpu.sem_alloc : memref<!tpu.dma_semaphore, #tpu.memory_space<semaphore_mem>>
      %dma_start3A = tpu.memref_slice %arg7[%mul3A_40] : memref<320000xi32, #tpu.memory_space<hbm>> -> memref<10000xi32, #tpu.memory_space<hbm>>
      %dma_start3A_204 = tpu.memref_slice %arg7[%mul3A_40] : memref<320000xi32, #tpu.memory_space<hbm>> -> memref<10000xi32, #tpu.memory_space<hbm>>
      tpu.enqueue_dma source(%dma_start3A_204 : memref<10000xi32, #tpu.memory_space<hbm>>) target(%arg21 : memref<10000xi32, #tpu.memory_space<vmem>>) target_semaphore(%run_scoped3A_203 : memref<!tpu.dma_semaphore, #tpu.memory_space<semaphore_mem>>)
      %dma_wait3A = tpu.memref_slice %arg7[%mul3A_40] : memref<320000xi32, #tpu.memory_space<hbm>> -> memref<10000xi32, #tpu.memory_space<hbm>>
      %dma_wait3A_205 = tpu.memref_slice %arg7[%mul3A_40] : memref<320000xi32, #tpu.memory_space<hbm>> -> memref<10000xi32, #tpu.memory_space<hbm>>
      tpu.wait_dma2 semaphore(%run_scoped3A_203 : memref<!tpu.dma_semaphore, #tpu.memory_space<semaphore_mem>>) src(%dma_wait3A_205 : memref<10000xi32, #tpu.memory_space<hbm>>) dst(%arg21 : memref<10000xi32, #tpu.memory_space<vmem>>)
      tpu.yield
    }) : () -> ()
    %iota3A_41 = tpu.iota {dimensions = array<i32: 0>} : vector<16xi32>
    %get3A = arith.constant 0 : i32
    %get3A_42 = arith.index_cast %get3A : i32 to index
    %get3A_43 = arith.constant 0 : index
    %get3A_44 = tpu.vector_load %arg27[%get3A_42, %get3A_43] {strides = array<i32>} : memref<16x16xf32, #tpu.memory_space<vmem>>, vector<16xf32>,
    %get3A_45 = arith.constant 1 : i32
    %get3A_46 = arith.index_cast %get3A_45 : i32 to index
    %get3A_47 = arith.constant 0 : index
    %get3A_48 = tpu.vector_load %arg27[%get3A_46, %get3A_47] {strides = array<i32>} : memref<16x16xf32, #tpu.memory_space<vmem>>, vector<16xf32>,
    %get3A_49 = arith.constant 2 : i32
    %get3A_50 = arith.index_cast %get3A_49 : i32 to index
    %get3A_51 = arith.constant 0 : index
    %get3A_52 = tpu.vector_load %arg27[%get3A_50, %get3A_51] {strides = array<i32>} : memref<16x16xf32, #tpu.memory_space<vmem>>, vector<16xf32>,
    %get3A_53 = arith.constant 3 : i32
    %get3A_54 = arith.index_cast %get3A_53 : i32 to index
    %get3A_55 = arith.constant 0 : index
    %get3A_56 = tpu.vector_load %arg27[%get3A_54, %get3A_55] {strides = array<i32>} : memref<16x16xf32, #tpu.memory_space<vmem>>, vector<16xf32>,
    %get3A_57 = arith.constant 4 : i32
    %get3A_58 = arith.index_cast %get3A_57 : i32 to index
    %get3A_59 = arith.constant 0 : index
    %get3A_60 = tpu.vector_load %arg27[%get3A_58, %get3A_59] {strides = array<i32>} : memref<16x16xf32, #tpu.memory_space<vmem>>, vector<16xf32>,
    %get3A_61 = arith.constant 5 : i32
    %get3A_62 = arith.index_cast %get3A_61 : i32 to index
    %get3A_63 = arith.constant 0 : index
    %get3A_64 = tpu.vector_load %arg27[%get3A_62, %get3A_63] {strides = array<i32>} : memref<16x16xf32, #tpu.memory_space<vmem>>, vector<16xf32>,
    %get3A_65 = arith.constant 6 : i32
    %get3A_66 = arith.index_cast %get3A_65 : i32 to index
    %get3A_67 = arith.constant 0 : index
    %get3A_68 = tpu.vector_load %arg27[%get3A_66, %get3A_67] {strides = array<i32>} : memref<16x16xf32, #tpu.memory_space<vmem>>, vector<16xf32>,
    %get3A_69 = arith.constant 7 : i32
    %get3A_70 = arith.index_cast %get3A_69 : i32 to index
    %get3A_71 = arith.constant 0 : index
    %get3A_72 = tpu.vector_load %arg27[%get3A_70, %get3A_71] {strides = array<i32>} : memref<16x16xf32, #tpu.memory_space<vmem>>, vector<16xf32>,
    %get3A_73 = arith.constant 8 : i32
    %get3A_74 = arith.index_cast %get3A_73 : i32 to index
    %get3A_75 = arith.constant 0 : index
    %get3A_76 = tpu.vector_load %arg27[%get3A_74, %get3A_75] {strides = array<i32>} : memref<16x16xf32, #tpu.memory_space<vmem>>, vector<16xf32>,
    %get3A_77 = arith.constant 9 : i32
    %get3A_78 = arith.index_cast %get3A_77 : i32 to index
    %get3A_79 = arith.constant 0 : index
    %get3A_80 = tpu.vector_load %arg27[%get3A_78, %get3A_79] {strides = array<i32>} : memref<16x16xf32, #tpu.memory_space<vmem>>, vector<16xf32>,
    %get3A_81 = arith.constant 10 : i32
    %get3A_82 = arith.index_cast %get3A_81 : i32 to index
    %get3A_83 = arith.constant 0 : index
    %get3A_84 = tpu.vector_load %arg27[%get3A_82, %get3A_83] {strides = array<i32>} : memref<16x16xf32, #tpu.memory_space<vmem>>, vector<16xf32>,
    %get3A_85 = arith.constant 11 : i32
    %get3A_86 = arith.index_cast %get3A_85 : i32 to index
    %get3A_87 = arith.constant 0 : index
    %get3A_88 = tpu.vector_load %arg27[%get3A_86, %get3A_87] {strides = array<i32>} : memref<16x16xf32, #tpu.memory_space<vmem>>, vector<16xf32>,
    %get3A_89 = arith.constant 12 : i32
    %get3A_90 = arith.index_cast %get3A_89 : i32 to index
    %get3A_91 = arith.constant 0 : index
    %get3A_92 = tpu.vector_load %arg27[%get3A_90, %get3A_91] {strides = array<i32>} : memref<16x16xf32, #tpu.memory_space<vmem>>, vector<16xf32>,
    %get3A_93 = arith.constant 13 : i32
    %get3A_94 = arith.index_cast %get3A_93 : i32 to index
    %get3A_95 = arith.constant 0 : index
    %get3A_96 = tpu.vector_load %arg27[%get3A_94, %get3A_95] {strides = array<i32>} : memref<16x16xf32, #tpu.memory_space<vmem>>, vector<16xf32>,
    %get3A_97 = arith.constant 14 : i32
    %get3A_98 = arith.index_cast %get3A_97 : i32 to index
    %get3A_99 = arith.constant 0 : index
    %get3A_100 = tpu.vector_load %arg27[%get3A_98, %get3A_99] {strides = array<i32>} : memref<16x16xf32, #tpu.memory_space<vmem>>, vector<16xf32>,
    %get3A_101 = arith.constant 15 : i32
    %get3A_102 = arith.index_cast %get3A_101 : i32 to index
    %get3A_103 = arith.constant 0 : index
    %get3A_104 = tpu.vector_load %arg27[%get3A_102, %get3A_103] {strides = array<i32>} : memref<16x16xf32, #tpu.memory_space<vmem>>, vector<16xf32>,
    %get3A_105 = arith.constant 0 : i32
    %get3A_106 = arith.index_cast %get3A_105 : i32 to index
    %get3A_107 = arith.constant 0 : index
    %get3A_108 = tpu.vector_load %arg26[%get3A_106, %get3A_107] {strides = array<i32>} : memref<16x16xf32, #tpu.memory_space<vmem>>, vector<16xf32>,
    %get3A_109 = arith.constant 1 : i32
    %get3A_110 = arith.index_cast %get3A_109 : i32 to index
    %get3A_111 = arith.constant 0 : index
    %get3A_112 = tpu.vector_load %arg26[%get3A_110, %get3A_111] {strides = array<i32>} : memref<16x16xf32, #tpu.memory_space<vmem>>, vector<16xf32>,
    %get3A_113 = arith.constant 2 : i32
    %get3A_114 = arith.index_cast %get3A_113 : i32 to index
    %get3A_115 = arith.constant 0 : index
    %get3A_116 = tpu.vector_load %arg26[%get3A_114, %get3A_115] {strides = array<i32>} : memref<16x16xf32, #tpu.memory_space<vmem>>, vector<16xf32>,
    %get3A_117 = arith.constant 3 : i32
    %get3A_118 = arith.index_cast %get3A_117 : i32 to index
    %get3A_119 = arith.constant 0 : index
    %get3A_120 = tpu.vector_load %arg26[%get3A_118, %get3A_119] {strides = array<i32>} : memref<16x16xf32, #tpu.memory_space<vmem>>, vector<16xf32>,
    %get3A_121 = arith.constant 4 : i32
    %get3A_122 = arith.index_cast %get3A_121 : i32 to index
    %get3A_123 = arith.constant 0 : index
    %get3A_124 = tpu.vector_load %arg26[%get3A_122, %get3A_123] {strides = array<i32>} : memref<16x16xf32, #tpu.memory_space<vmem>>, vector<16xf32>,
    %get3A_125 = arith.constant 5 : i32
    %get3A_126 = arith.index_cast %get3A_125 : i32 to index
    %get3A_127 = arith.constant 0 : index
    %get3A_128 = tpu.vector_load %arg26[%get3A_126, %get3A_127] {strides = array<i32>} : memref<16x16xf32, #tpu.memory_space<vmem>>, vector<16xf32>,
    %get3A_129 = arith.constant 6 : i32
    %get3A_130 = arith.index_cast %get3A_129 : i32 to index
    %get3A_131 = arith.constant 0 : index
    %get3A_132 = tpu.vector_load %arg26[%get3A_130, %get3A_131] {strides = array<i32>} : memref<16x16xf32, #tpu.memory_space<vmem>>, vector<16xf32>,
    %get3A_133 = arith.constant 7 : i32
    %get3A_134 = arith.index_cast %get3A_133 : i32 to index
    %get3A_135 = arith.constant 0 : index
    %get3A_136 = tpu.vector_load %arg26[%get3A_134, %get3A_135] {strides = array<i32>} : memref<16x16xf32, #tpu.memory_space<vmem>>, vector<16xf32>,
    %get3A_137 = arith.constant 8 : i32
    %get3A_138 = arith.index_cast %get3A_137 : i32 to index
    %get3A_139 = arith.constant 0 : index
    %get3A_140 = tpu.vector_load %arg26[%get3A_138, %get3A_139] {strides = array<i32>} : memref<16x16xf32, #tpu.memory_space<vmem>>, vector<16xf32>,
    %get3A_141 = arith.constant 9 : i32
    %get3A_142 = arith.index_cast %get3A_141 : i32 to index
    %get3A_143 = arith.constant 0 : index
    %get3A_144 = tpu.vector_load %arg26[%get3A_142, %get3A_143] {strides = array<i32>} : memref<16x16xf32, #tpu.memory_space<vmem>>, vector<16xf32>,
    %get3A_145 = arith.constant 10 : i32
    %get3A_146 = arith.index_cast %get3A_145 : i32 to index
    %get3A_147 = arith.constant 0 : index
    %get3A_148 = tpu.vector_load %arg26[%get3A_146, %get3A_147] {strides = array<i32>} : memref<16x16xf32, #tpu.memory_space<vmem>>, vector<16xf32>,
    %get3A_149 = arith.constant 11 : i32
    %get3A_150 = arith.index_cast %get3A_149 : i32 to index
    %get3A_151 = arith.constant 0 : index
    %get3A_152 = tpu.vector_load %arg26[%get3A_150, %get3A_151] {strides = array<i32>} : memref<16x16xf32, #tpu.memory_space<vmem>>, vector<16xf32>,
    %get3A_153 = arith.constant 12 : i32
    %get3A_154 = arith.index_cast %get3A_153 : i32 to index
    %get3A_155 = arith.constant 0 : index
    %get3A_156 = tpu.vector_load %arg26[%get3A_154, %get3A_155] {strides = array<i32>} : memref<16x16xf32, #tpu.memory_space<vmem>>, vector<16xf32>,
    %get3A_157 = arith.constant 13 : i32
    %get3A_158 = arith.index_cast %get3A_157 : i32 to index
    %get3A_159 = arith.constant 0 : index
    %get3A_160 = tpu.vector_load %arg26[%get3A_158, %get3A_159] {strides = array<i32>} : memref<16x16xf32, #tpu.memory_space<vmem>>, vector<16xf32>,
    %get3A_161 = arith.constant 14 : i32
    %get3A_162 = arith.index_cast %get3A_161 : i32 to index
    %get3A_163 = arith.constant 0 : index
    %get3A_164 = tpu.vector_load %arg26[%get3A_162, %get3A_163] {strides = array<i32>} : memref<16x16xf32, #tpu.memory_space<vmem>>, vector<16xf32>,
    %get3A_165 = arith.constant 15 : i32
    %get3A_166 = arith.index_cast %get3A_165 : i32 to index
    %get3A_167 = arith.constant 0 : index
    %get3A_168 = tpu.vector_load %arg26[%get3A_166, %get3A_167] {strides = array<i32>} : memref<16x16xf32, #tpu.memory_space<vmem>>, vector<16xf32>,
    %scan3A_169 = arith.constant 0 : i32
    %scan3A_170 = arith.constant 0 : i32
    %scan3A_171 = arith.constant 40 : i32
    %scan3A_172 = arith.addi %scan3A_170, %scan3A_171 : i32
    %scan3A_173 = arith.constant 1 : i32
    %scan3A_174 = scf.for %scan3A_203 = %scan3A_170 to %scan3A_172 step %scan3A_173 iter_args(%scan3A_204 = %scan3A_169) -> (i32)  : i32 {
      %mul3A_205 = arith.constant 16 : i32
      %mul3A_206 = arith.muli %scan3A_203, %mul3A_205 : i32
      %add3A_207 = vector.broadcast %mul3A_206 : i32 to vector<16xi32>
      %add3A_208 = arith.addi %add3A_207, %iota3A_41 : vector<16xi32>
      %mul3A_209 = arith.constant 16 : i32
      %mul3A_210 = arith.muli %scan3A_203, %mul3A_209 : i32
      %get3A_211 = arith.index_cast %mul3A_210 : i32 to index
      %get3A_212 = tpu.vector_load %arg15[%get3A_211] {strides = array<i32>} : memref<640xf32, #tpu.memory_space<vmem>>, vector<16xf32>,
      %broadcast_in_dim3A_213 = arith.constant 0.000000e+00 : f32
      %broadcast_in_dim3A_214 = vector.broadcast %broadcast_in_dim3A_213 : f32 to vector<16xf32>
      %broadcast_in_dim3A_215 = arith.constant 0 : i32
      %broadcast_in_dim3A_216 = vector.broadcast %broadcast_in_dim3A_215 : i32 to vector<16xi32>
      %gather3A = tpu.vector_load_idx %arg12[%add3A_208, %broadcast_in_dim3A_216] : memref<640x16xf32, #tpu.memory_space<vmem>>[vector<16xi32>, vector<16xi32>], vector<16xf32>,
      %gather3A_217 = tpu.vector_load_idx %arg13[%add3A_208, %broadcast_in_dim3A_216] : memref<640x16xf32, #tpu.memory_space<vmem>>[vector<16xi32>, vector<16xi32>], vector<16xf32>,
      %add3A_218 = arith.addf %gather3A, %gather3A_217 : vector<16xf32>
      %gather3A_219 = tpu.vector_load_idx %arg14[%add3A_208, %broadcast_in_dim3A_216] : memref<640x16xf32, #tpu.memory_space<vmem>>[vector<16xi32>, vector<16xi32>], vector<16xf32>,
      %add3A_220 = arith.addf %add3A_218, %gather3A_219 : vector<16xf32>
      %mul3A_221 = arith.mulf %add3A_220, %get3A_212 : vector<16xf32>
      %add3A_222 = arith.addf %mul3A_221, %get3A_44 : vector<16xf32>
      %max3A = arith.constant 0.000000e+00 : f32
      %max3A_223 = vector.broadcast %max3A : f32 to vector<16xf32>
      %max3A_224 = arith.maximumf %add3A_222, %max3A_223 : vector<16xf32>
      %bitcast3A = vector.bitcast %max3A_224 : vector<16xf32> to vector<16xi32>
      %shift_right_logical3A = arith.constant 16 : i32
      %shift_right_logical3A_225 = vector.broadcast %shift_right_logical3A : i32 to vector<16xi32>
      %shift_right_logical3A_226 = arith.shrui %bitcast3A, %shift_right_logical3A_225 : vector<16xi32>
      %and3A = arith.constant 1 : i32
      %and3A_227 = vector.broadcast %and3A : i32 to vector<16xi32>
      %and3A_228 = arith.andi %shift_right_logical3A_226, %and3A_227 : vector<16xi32>
      %add3A_229 = arith.constant 32767 : i32
      %add3A_230 = vector.broadcast %add3A_229 : i32 to vector<16xi32>
      %add3A_231 = arith.addi %bitcast3A, %add3A_230 : vector<16xi32>
      %add3A_232 = arith.addi %add3A_231, %and3A_228 : vector<16xi32>
      %and3A_233 = arith.constant -65536 : i32
      %and3A_234 = vector.broadcast %and3A_233 : i32 to vector<16xi32>
      %and3A_235 = arith.andi %add3A_232, %and3A_234 : vector<16xi32>
      %bitcast3A_236 = vector.bitcast %and3A_235 : vector<16xi32> to vector<16xf32>
      %mul3A_237 = arith.mulf %bitcast3A_236, %get3A_108 : vector<16xf32>
      %add3A_238 = arith.addf %broadcast_in_dim3A_214, %mul3A_237 : vector<16xf32>
      %broadcast_in_dim3A_239 = arith.constant 1 : i32
      %broadcast_in_dim3A_240 = vector.broadcast %broadcast_in_dim3A_239 : i32 to vector<16xi32>
      %gather3A_241 = tpu.vector_load_idx %arg12[%add3A_208, %broadcast_in_dim3A_240] : memref<640x16xf32, #tpu.memory_space<vmem>>[vector<16xi32>, vector<16xi32>], vector<16xf32>,
      %gather3A_242 = tpu.vector_load_idx %arg13[%add3A_208, %broadcast_in_dim3A_240] : memref<640x16xf32, #tpu.memory_space<vmem>>[vector<16xi32>, vector<16xi32>], vector<16xf32>,
      %add3A_243 = arith.addf %gather3A_241, %gather3A_242 : vector<16xf32>
      %gather3A_244 = tpu.vector_load_idx %arg14[%add3A_208, %broadcast_in_dim3A_240] : memref<640x16xf32, #tpu.memory_space<vmem>>[vector<16xi32>, vector<16xi32>], vector<16xf32>,
      %add3A_245 = arith.addf %add3A_243, %gather3A_244 : vector<16xf32>
      %mul3A_246 = arith.mulf %add3A_245, %get3A_212 : vector<16xf32>
      %add3A_247 = arith.addf %mul3A_246, %get3A_48 : vector<16xf32>
      %max3A_248 = arith.constant 0.000000e+00 : f32
      %max3A_249 = vector.broadcast %max3A_248 : f32 to vector<16xf32>
      %max3A_250 = arith.maximumf %add3A_247, %max3A_249 : vector<16xf32>
      %bitcast3A_251 = vector.bitcast %max3A_250 : vector<16xf32> to vector<16xi32>
      %shift_right_logical3A_252 = arith.constant 16 : i32
      %shift_right_logical3A_253 = vector.broadcast %shift_right_logical3A_252 : i32 to vector<16xi32>
      %shift_right_logical3A_254 = arith.shrui %bitcast3A_251, %shift_right_logical3A_253 : vector<16xi32>
      %and3A_255 = arith.constant 1 : i32
      %and3A_256 = vector.broadcast %and3A_255 : i32 to vector<16xi32>
      %and3A_257 = arith.andi %shift_right_logical3A_254, %and3A_256 : vector<16xi32>
      %add3A_258 = arith.constant 32767 : i32
      %add3A_259 = vector.broadcast %add3A_258 : i32 to vector<16xi32>
      %add3A_260 = arith.addi %bitcast3A_251, %add3A_259 : vector<16xi32>
      %add3A_261 = arith.addi %add3A_260, %and3A_257 : vector<16xi32>
      %and3A_262 = arith.constant -65536 : i32
      %and3A_263 = vector.broadcast %and3A_262 : i32 to vector<16xi32>
      %and3A_264 = arith.andi %add3A_261, %and3A_263 : vector<16xi32>
      %bitcast3A_265 = vector.bitcast %and3A_264 : vector<16xi32> to vector<16xf32>
      %mul3A_266 = arith.mulf %bitcast3A_265, %get3A_112 : vector<16xf32>
      %add3A_267 = arith.addf %add3A_238, %mul3A_266 : vector<16xf32>
      %broadcast_in_dim3A_268 = arith.constant 2 : i32
      %broadcast_in_dim3A_269 = vector.broadcast %broadcast_in_dim3A_268 : i32 to vector<16xi32>
      %gather3A_270 = tpu.vector_load_idx %arg12[%add3A_208, %broadcast_in_dim3A_269] : memref<640x16xf32, #tpu.memory_space<vmem>>[vector<16xi32>, vector<16xi32>], vector<16xf32>,
      %gather3A_271 = tpu.vector_load_idx %arg13[%add3A_208, %broadcast_in_dim3A_269] : memref<640x16xf32, #tpu.memory_space<vmem>>[vector<16xi32>, vector<16xi32>], vector<16xf32>,
      %add3A_272 = arith.addf %gather3A_270, %gather3A_271 : vector<16xf32>
      %gather3A_273 = tpu.vector_load_idx %arg14[%add3A_208, %broadcast_in_dim3A_269] : memref<640x16xf32, #tpu.memory_space<vmem>>[vector<16xi32>, vector<16xi32>], vector<16xf32>,
      %add3A_274 = arith.addf %add3A_272, %gather3A_273 : vector<16xf32>
      %mul3A_275 = arith.mulf %add3A_274, %get3A_212 : vector<16xf32>
      %add3A_276 = arith.addf %mul3A_275, %get3A_52 : vector<16xf32>
      %max3A_277 = arith.constant 0.000000e+00 : f32
      %max3A_278 = vector.broadcast %max3A_277 : f32 to vector<16xf32>
      %max3A_279 = arith.maximumf %add3A_276, %max3A_278 : vector<16xf32>
      %bitcast3A_280 = vector.bitcast %max3A_279 : vector<16xf32> to vector<16xi32>
      %shift_right_logical3A_281 = arith.constant 16 : i32
      %shift_right_logical3A_282 = vector.broadcast %shift_right_logical3A_281 : i32 to vector<16xi32>
      %shift_right_logical3A_283 = arith.shrui %bitcast3A_280, %shift_right_logical3A_282 : vector<16xi32>
      %and3A_284 = arith.constant 1 : i32
      %and3A_285 = vector.broadcast %and3A_284 : i32 to vector<16xi32>
      %and3A_286 = arith.andi %shift_right_logical3A_283, %and3A_285 : vector<16xi32>
      %add3A_287 = arith.constant 32767 : i32
      %add3A_288 = vector.broadcast %add3A_287 : i32 to vector<16xi32>
      %add3A_289 = arith.addi %bitcast3A_280, %add3A_288 : vector<16xi32>
      %add3A_290 = arith.addi %add3A_289, %and3A_286 : vector<16xi32>
      %and3A_291 = arith.constant -65536 : i32
      %and3A_292 = vector.broadcast %and3A_291 : i32 to vector<16xi32>
      %and3A_293 = arith.andi %add3A_290, %and3A_292 : vector<16xi32>
      %bitcast3A_294 = vector.bitcast %and3A_293 : vector<16xi32> to vector<16xf32>
      %mul3A_295 = arith.mulf %bitcast3A_294, %get3A_116 : vector<16xf32>
      %add3A_296 = arith.addf %add3A_267, %mul3A_295 : vector<16xf32>
      %broadcast_in_dim3A_297 = arith.constant 3 : i32
      %broadcast_in_dim3A_298 = vector.broadcast %broadcast_in_dim3A_297 : i32 to vector<16xi32>
      %gather3A_299 = tpu.vector_load_idx %arg12[%add3A_208, %broadcast_in_dim3A_298] : memref<640x16xf32, #tpu.memory_space<vmem>>[vector<16xi32>, vector<16xi32>], vector<16xf32>,
      %gather3A_300 = tpu.vector_load_idx %arg13[%add3A_208, %broadcast_in_dim3A_298] : memref<640x16xf32, #tpu.memory_space<vmem>>[vector<16xi32>, vector<16xi32>], vector<16xf32>,
      %add3A_301 = arith.addf %gather3A_299, %gather3A_300 : vector<16xf32>
      %gather3A_302 = tpu.vector_load_idx %arg14[%add3A_208, %broadcast_in_dim3A_298] : memref<640x16xf32, #tpu.memory_space<vmem>>[vector<16xi32>, vector<16xi32>], vector<16xf32>,
      %add3A_303 = arith.addf %add3A_301, %gather3A_302 : vector<16xf32>
      %mul3A_304 = arith.mulf %add3A_303, %get3A_212 : vector<16xf32>
      %add3A_305 = arith.addf %mul3A_304, %get3A_56 : vector<16xf32>
      %max3A_306 = arith.constant 0.000000e+00 : f32
      %max3A_307 = vector.broadcast %max3A_306 : f32 to vector<16xf32>
      %max3A_308 = arith.maximumf %add3A_305, %max3A_307 : vector<16xf32>
      %bitcast3A_309 = vector.bitcast %max3A_308 : vector<16xf32> to vector<16xi32>
      %shift_right_logical3A_310 = arith.constant 16 : i32
      %shift_right_logical3A_311 = vector.broadcast %shift_right_logical3A_310 : i32 to vector<16xi32>
      %shift_right_logical3A_312 = arith.shrui %bitcast3A_309, %shift_right_logical3A_311 : vector<16xi32>
      %and3A_313 = arith.constant 1 : i32
      %and3A_314 = vector.broadcast %and3A_313 : i32 to vector<16xi32>
      %and3A_315 = arith.andi %shift_right_logical3A_312, %and3A_314 : vector<16xi32>
      %add3A_316 = arith.constant 32767 : i32
      %add3A_317 = vector.broadcast %add3A_316 : i32 to vector<16xi32>
      %add3A_318 = arith.addi %bitcast3A_309, %add3A_317 : vector<16xi32>
      %add3A_319 = arith.addi %add3A_318, %and3A_315 : vector<16xi32>
      %and3A_320 = arith.constant -65536 : i32
      %and3A_321 = vector.broadcast %and3A_320 : i32 to vector<16xi32>
      %and3A_322 = arith.andi %add3A_319, %and3A_321 : vector<16xi32>
      %bitcast3A_323 = vector.bitcast %and3A_322 : vector<16xi32> to vector<16xf32>
      %mul3A_324 = arith.mulf %bitcast3A_323, %get3A_120 : vector<16xf32>
      %add3A_325 = arith.addf %add3A_296, %mul3A_324 : vector<16xf32>
      %broadcast_in_dim3A_326 = arith.constant 4 : i32
      %broadcast_in_dim3A_327 = vector.broadcast %broadcast_in_dim3A_326 : i32 to vector<16xi32>
      %gather3A_328 = tpu.vector_load_idx %arg12[%add3A_208, %broadcast_in_dim3A_327] : memref<640x16xf32, #tpu.memory_space<vmem>>[vector<16xi32>, vector<16xi32>], vector<16xf32>,
      %gather3A_329 = tpu.vector_load_idx %arg13[%add3A_208, %broadcast_in_dim3A_327] : memref<640x16xf32, #tpu.memory_space<vmem>>[vector<16xi32>, vector<16xi32>], vector<16xf32>,
      %add3A_330 = arith.addf %gather3A_328, %gather3A_329 : vector<16xf32>
      %gather3A_331 = tpu.vector_load_idx %arg14[%add3A_208, %broadcast_in_dim3A_327] : memref<640x16xf32, #tpu.memory_space<vmem>>[vector<16xi32>, vector<16xi32>], vector<16xf32>,
      %add3A_332 = arith.addf %add3A_330, %gather3A_331 : vector<16xf32>
      %mul3A_333 = arith.mulf %add3A_332, %get3A_212 : vector<16xf32>
      %add3A_334 = arith.addf %mul3A_333, %get3A_60 : vector<16xf32>
      %max3A_335 = arith.constant 0.000000e+00 : f32
      %max3A_336 = vector.broadcast %max3A_335 : f32 to vector<16xf32>
      %max3A_337 = arith.maximumf %add3A_334, %max3A_336 : vector<16xf32>
      %bitcast3A_338 = vector.bitcast %max3A_337 : vector<16xf32> to vector<16xi32>
      %shift_right_logical3A_339 = arith.constant 16 : i32
      %shift_right_logical3A_340 = vector.broadcast %shift_right_logical3A_339 : i32 to vector<16xi32>
      %shift_right_logical3A_341 = arith.shrui %bitcast3A_338, %shift_right_logical3A_340 : vector<16xi32>
      %and3A_342 = arith.constant 1 : i32
      %and3A_343 = vector.broadcast %and3A_342 : i32 to vector<16xi32>
      %and3A_344 = arith.andi %shift_right_logical3A_341, %and3A_343 : vector<16xi32>
      %add3A_345 = arith.constant 32767 : i32
      %add3A_346 = vector.broadcast %add3A_345 : i32 to vector<16xi32>
      %add3A_347 = arith.addi %bitcast3A_338, %add3A_346 : vector<16xi32>
      %add3A_348 = arith.addi %add3A_347, %and3A_344 : vector<16xi32>
      %and3A_349 = arith.constant -65536 : i32
      %and3A_350 = vector.broadcast %and3A_349 : i32 to vector<16xi32>
      %and3A_351 = arith.andi %add3A_348, %and3A_350 : vector<16xi32>
      %bitcast3A_352 = vector.bitcast %and3A_351 : vector<16xi32> to vector<16xf32>
      %mul3A_353 = arith.mulf %bitcast3A_352, %get3A_124 : vector<16xf32>
      %add3A_354 = arith.addf %add3A_325, %mul3A_353 : vector<16xf32>
      %broadcast_in_dim3A_355 = arith.constant 5 : i32
      %broadcast_in_dim3A_356 = vector.broadcast %broadcast_in_dim3A_355 : i32 to vector<16xi32>
      %gather3A_357 = tpu.vector_load_idx %arg12[%add3A_208, %broadcast_in_dim3A_356] : memref<640x16xf32, #tpu.memory_space<vmem>>[vector<16xi32>, vector<16xi32>], vector<16xf32>,
      %gather3A_358 = tpu.vector_load_idx %arg13[%add3A_208, %broadcast_in_dim3A_356] : memref<640x16xf32, #tpu.memory_space<vmem>>[vector<16xi32>, vector<16xi32>], vector<16xf32>,
      %add3A_359 = arith.addf %gather3A_357, %gather3A_358 : vector<16xf32>
      %gather3A_360 = tpu.vector_load_idx %arg14[%add3A_208, %broadcast_in_dim3A_356] : memref<640x16xf32, #tpu.memory_space<vmem>>[vector<16xi32>, vector<16xi32>], vector<16xf32>,
      %add3A_361 = arith.addf %add3A_359, %gather3A_360 : vector<16xf32>
      %mul3A_362 = arith.mulf %add3A_361, %get3A_212 : vector<16xf32>
      %add3A_363 = arith.addf %mul3A_362, %get3A_64 : vector<16xf32>
      %max3A_364 = arith.constant 0.000000e+00 : f32
      %max3A_365 = vector.broadcast %max3A_364 : f32 to vector<16xf32>
      %max3A_366 = arith.maximumf %add3A_363, %max3A_365 : vector<16xf32>
      %bitcast3A_367 = vector.bitcast %max3A_366 : vector<16xf32> to vector<16xi32>
      %shift_right_logical3A_368 = arith.constant 16 : i32
      %shift_right_logical3A_369 = vector.broadcast %shift_right_logical3A_368 : i32 to vector<16xi32>
      %shift_right_logical3A_370 = arith.shrui %bitcast3A_367, %shift_right_logical3A_369 : vector<16xi32>
      %and3A_371 = arith.constant 1 : i32
      %and3A_372 = vector.broadcast %and3A_371 : i32 to vector<16xi32>
      %and3A_373 = arith.andi %shift_right_logical3A_370, %and3A_372 : vector<16xi32>
      %add3A_374 = arith.constant 32767 : i32
      %add3A_375 = vector.broadcast %add3A_374 : i32 to vector<16xi32>
      %add3A_376 = arith.addi %bitcast3A_367, %add3A_375 : vector<16xi32>
      %add3A_377 = arith.addi %add3A_376, %and3A_373 : vector<16xi32>
      %and3A_378 = arith.constant -65536 : i32
      %and3A_379 = vector.broadcast %and3A_378 : i32 to vector<16xi32>
      %and3A_380 = arith.andi %add3A_377, %and3A_379 : vector<16xi32>
      %bitcast3A_381 = vector.bitcast %and3A_380 : vector<16xi32> to vector<16xf32>
      %mul3A_382 = arith.mulf %bitcast3A_381, %get3A_128 : vector<16xf32>
      %add3A_383 = arith.addf %add3A_354, %mul3A_382 : vector<16xf32>
      %broadcast_in_dim3A_384 = arith.constant 6 : i32
      %broadcast_in_dim3A_385 = vector.broadcast %broadcast_in_dim3A_384 : i32 to vector<16xi32>
      %gather3A_386 = tpu.vector_load_idx %arg12[%add3A_208, %broadcast_in_dim3A_385] : memref<640x16xf32, #tpu.memory_space<vmem>>[vector<16xi32>, vector<16xi32>], vector<16xf32>,
      %gather3A_387 = tpu.vector_load_idx %arg13[%add3A_208, %broadcast_in_dim3A_385] : memref<640x16xf32, #tpu.memory_space<vmem>>[vector<16xi32>, vector<16xi32>], vector<16xf32>,
      %add3A_388 = arith.addf %gather3A_386, %gather3A_387 : vector<16xf32>
      %gather3A_389 = tpu.vector_load_idx %arg14[%add3A_208, %broadcast_in_dim3A_385] : memref<640x16xf32, #tpu.memory_space<vmem>>[vector<16xi32>, vector<16xi32>], vector<16xf32>,
      %add3A_390 = arith.addf %add3A_388, %gather3A_389 : vector<16xf32>
      %mul3A_391 = arith.mulf %add3A_390, %get3A_212 : vector<16xf32>
      %add3A_392 = arith.addf %mul3A_391, %get3A_68 : vector<16xf32>
      %max3A_393 = arith.constant 0.000000e+00 : f32
      %max3A_394 = vector.broadcast %max3A_393 : f32 to vector<16xf32>
      %max3A_395 = arith.maximumf %add3A_392, %max3A_394 : vector<16xf32>
      %bitcast3A_396 = vector.bitcast %max3A_395 : vector<16xf32> to vector<16xi32>
      %shift_right_logical3A_397 = arith.constant 16 : i32
      %shift_right_logical3A_398 = vector.broadcast %shift_right_logical3A_397 : i32 to vector<16xi32>
      %shift_right_logical3A_399 = arith.shrui %bitcast3A_396, %shift_right_logical3A_398 : vector<16xi32>
      %and3A_400 = arith.constant 1 : i32
      %and3A_401 = vector.broadcast %and3A_400 : i32 to vector<16xi32>
      %and3A_402 = arith.andi %shift_right_logical3A_399, %and3A_401 : vector<16xi32>
      %add3A_403 = arith.constant 32767 : i32
      %add3A_404 = vector.broadcast %add3A_403 : i32 to vector<16xi32>
      %add3A_405 = arith.addi %bitcast3A_396, %add3A_404 : vector<16xi32>
      %add3A_406 = arith.addi %add3A_405, %and3A_402 : vector<16xi32>
      %and3A_407 = arith.constant -65536 : i32
      %and3A_408 = vector.broadcast %and3A_407 : i32 to vector<16xi32>
      %and3A_409 = arith.andi %add3A_406, %and3A_408 : vector<16xi32>
      %bitcast3A_410 = vector.bitcast %and3A_409 : vector<16xi32> to vector<16xf32>
      %mul3A_411 = arith.mulf %bitcast3A_410, %get3A_132 : vector<16xf32>
      %add3A_412 = arith.addf %add3A_383, %mul3A_411 : vector<16xf32>
      %broadcast_in_dim3A_413 = arith.constant 7 : i32
      %broadcast_in_dim3A_414 = vector.broadcast %broadcast_in_dim3A_413 : i32 to vector<16xi32>
      %gather3A_415 = tpu.vector_load_idx %arg12[%add3A_208, %broadcast_in_dim3A_414] : memref<640x16xf32, #tpu.memory_space<vmem>>[vector<16xi32>, vector<16xi32>], vector<16xf32>,
      %gather3A_416 = tpu.vector_load_idx %arg13[%add3A_208, %broadcast_in_dim3A_414] : memref<640x16xf32, #tpu.memory_space<vmem>>[vector<16xi32>, vector<16xi32>], vector<16xf32>,
      %add3A_417 = arith.addf %gather3A_415, %gather3A_416 : vector<16xf32>
      %gather3A_418 = tpu.vector_load_idx %arg14[%add3A_208, %broadcast_in_dim3A_414] : memref<640x16xf32, #tpu.memory_space<vmem>>[vector<16xi32>, vector<16xi32>], vector<16xf32>,
      %add3A_419 = arith.addf %add3A_417, %gather3A_418 : vector<16xf32>
      %mul3A_420 = arith.mulf %add3A_419, %get3A_212 : vector<16xf32>
      %add3A_421 = arith.addf %mul3A_420, %get3A_72 : vector<16xf32>
      %max3A_422 = arith.constant 0.000000e+00 : f32
      %max3A_423 = vector.broadcast %max3A_422 : f32 to vector<16xf32>
      %max3A_424 = arith.maximumf %add3A_421, %max3A_423 : vector<16xf32>
      %bitcast3A_425 = vector.bitcast %max3A_424 : vector<16xf32> to vector<16xi32>
      %shift_right_logical3A_426 = arith.constant 16 : i32
      %shift_right_logical3A_427 = vector.broadcast %shift_right_logical3A_426 : i32 to vector<16xi32>
      %shift_right_logical3A_428 = arith.shrui %bitcast3A_425, %shift_right_logical3A_427 : vector<16xi32>
      %and3A_429 = arith.constant 1 : i32
      %and3A_430 = vector.broadcast %and3A_429 : i32 to vector<16xi32>
      %and3A_431 = arith.andi %shift_right_logical3A_428, %and3A_430 : vector<16xi32>
      %add3A_432 = arith.constant 32767 : i32
      %add3A_433 = vector.broadcast %add3A_432 : i32 to vector<16xi32>
      %add3A_434 = arith.addi %bitcast3A_425, %add3A_433 : vector<16xi32>
      %add3A_435 = arith.addi %add3A_434, %and3A_431 : vector<16xi32>
      %and3A_436 = arith.constant -65536 : i32
      %and3A_437 = vector.broadcast %and3A_436 : i32 to vector<16xi32>
      %and3A_438 = arith.andi %add3A_435, %and3A_437 : vector<16xi32>
      %bitcast3A_439 = vector.bitcast %and3A_438 : vector<16xi32> to vector<16xf32>
      %mul3A_440 = arith.mulf %bitcast3A_439, %get3A_136 : vector<16xf32>
      %add3A_441 = arith.addf %add3A_412, %mul3A_440 : vector<16xf32>
      %broadcast_in_dim3A_442 = arith.constant 8 : i32
      %broadcast_in_dim3A_443 = vector.broadcast %broadcast_in_dim3A_442 : i32 to vector<16xi32>
      %gather3A_444 = tpu.vector_load_idx %arg12[%add3A_208, %broadcast_in_dim3A_443] : memref<640x16xf32, #tpu.memory_space<vmem>>[vector<16xi32>, vector<16xi32>], vector<16xf32>,
      %gather3A_445 = tpu.vector_load_idx %arg13[%add3A_208, %broadcast_in_dim3A_443] : memref<640x16xf32, #tpu.memory_space<vmem>>[vector<16xi32>, vector<16xi32>], vector<16xf32>,
      %add3A_446 = arith.addf %gather3A_444, %gather3A_445 : vector<16xf32>
      %gather3A_447 = tpu.vector_load_idx %arg14[%add3A_208, %broadcast_in_dim3A_443] : memref<640x16xf32, #tpu.memory_space<vmem>>[vector<16xi32>, vector<16xi32>], vector<16xf32>,
      %add3A_448 = arith.addf %add3A_446, %gather3A_447 : vector<16xf32>
      %mul3A_449 = arith.mulf %add3A_448, %get3A_212 : vector<16xf32>
      %add3A_450 = arith.addf %mul3A_449, %get3A_76 : vector<16xf32>
      %max3A_451 = arith.constant 0.000000e+00 : f32
      %max3A_452 = vector.broadcast %max3A_451 : f32 to vector<16xf32>
      %max3A_453 = arith.maximumf %add3A_450, %max3A_452 : vector<16xf32>
      %bitcast3A_454 = vector.bitcast %max3A_453 : vector<16xf32> to vector<16xi32>
      %shift_right_logical3A_455 = arith.constant 16 : i32
      %shift_right_logical3A_456 = vector.broadcast %shift_right_logical3A_455 : i32 to vector<16xi32>
      %shift_right_logical3A_457 = arith.shrui %bitcast3A_454, %shift_right_logical3A_456 : vector<16xi32>
      %and3A_458 = arith.constant 1 : i32
      %and3A_459 = vector.broadcast %and3A_458 : i32 to vector<16xi32>
      %and3A_460 = arith.andi %shift_right_logical3A_457, %and3A_459 : vector<16xi32>
      %add3A_461 = arith.constant 32767 : i32
      %add3A_462 = vector.broadcast %add3A_461 : i32 to vector<16xi32>
      %add3A_463 = arith.addi %bitcast3A_454, %add3A_462 : vector<16xi32>
      %add3A_464 = arith.addi %add3A_463, %and3A_460 : vector<16xi32>
      %and3A_465 = arith.constant -65536 : i32
      %and3A_466 = vector.broadcast %and3A_465 : i32 to vector<16xi32>
      %and3A_467 = arith.andi %add3A_464, %and3A_466 : vector<16xi32>
      %bitcast3A_468 = vector.bitcast %and3A_467 : vector<16xi32> to vector<16xf32>
      %mul3A_469 = arith.mulf %bitcast3A_468, %get3A_140 : vector<16xf32>
      %add3A_470 = arith.addf %add3A_441, %mul3A_469 : vector<16xf32>
      %broadcast_in_dim3A_471 = arith.constant 9 : i32
      %broadcast_in_dim3A_472 = vector.broadcast %broadcast_in_dim3A_471 : i32 to vector<16xi32>
      %gather3A_473 = tpu.vector_load_idx %arg12[%add3A_208, %broadcast_in_dim3A_472] : memref<640x16xf32, #tpu.memory_space<vmem>>[vector<16xi32>, vector<16xi32>], vector<16xf32>,
      %gather3A_474 = tpu.vector_load_idx %arg13[%add3A_208, %broadcast_in_dim3A_472] : memref<640x16xf32, #tpu.memory_space<vmem>>[vector<16xi32>, vector<16xi32>], vector<16xf32>,
      %add3A_475 = arith.addf %gather3A_473, %gather3A_474 : vector<16xf32>
      %gather3A_476 = tpu.vector_load_idx %arg14[%add3A_208, %broadcast_in_dim3A_472] : memref<640x16xf32, #tpu.memory_space<vmem>>[vector<16xi32>, vector<16xi32>], vector<16xf32>,
      %add3A_477 = arith.addf %add3A_475, %gather3A_476 : vector<16xf32>
      %mul3A_478 = arith.mulf %add3A_477, %get3A_212 : vector<16xf32>
      %add3A_479 = arith.addf %mul3A_478, %get3A_80 : vector<16xf32>
      %max3A_480 = arith.constant 0.000000e+00 : f32
      %max3A_481 = vector.broadcast %max3A_480 : f32 to vector<16xf32>
      %max3A_482 = arith.maximumf %add3A_479, %max3A_481 : vector<16xf32>
      %bitcast3A_483 = vector.bitcast %max3A_482 : vector<16xf32> to vector<16xi32>
      %shift_right_logical3A_484 = arith.constant 16 : i32
      %shift_right_logical3A_485 = vector.broadcast %shift_right_logical3A_484 : i32 to vector<16xi32>
      %shift_right_logical3A_486 = arith.shrui %bitcast3A_483, %shift_right_logical3A_485 : vector<16xi32>
      %and3A_487 = arith.constant 1 : i32
      %and3A_488 = vector.broadcast %and3A_487 : i32 to vector<16xi32>
      %and3A_489 = arith.andi %shift_right_logical3A_486, %and3A_488 : vector<16xi32>
      %add3A_490 = arith.constant 32767 : i32
      %add3A_491 = vector.broadcast %add3A_490 : i32 to vector<16xi32>
      %add3A_492 = arith.addi %bitcast3A_483, %add3A_491 : vector<16xi32>
      %add3A_493 = arith.addi %add3A_492, %and3A_489 : vector<16xi32>
      %and3A_494 = arith.constant -65536 : i32
      %and3A_495 = vector.broadcast %and3A_494 : i32 to vector<16xi32>
      %and3A_496 = arith.andi %add3A_493, %and3A_495 : vector<16xi32>
      %bitcast3A_497 = vector.bitcast %and3A_496 : vector<16xi32> to vector<16xf32>
      %mul3A_498 = arith.mulf %bitcast3A_497, %get3A_144 : vector<16xf32>
      %add3A_499 = arith.addf %add3A_470, %mul3A_498 : vector<16xf32>
      %broadcast_in_dim3A_500 = arith.constant 10 : i32
      %broadcast_in_dim3A_501 = vector.broadcast %broadcast_in_dim3A_500 : i32 to vector<16xi32>
      %gather3A_502 = tpu.vector_load_idx %arg12[%add3A_208, %broadcast_in_dim3A_501] : memref<640x16xf32, #tpu.memory_space<vmem>>[vector<16xi32>, vector<16xi32>], vector<16xf32>,
      %gather3A_503 = tpu.vector_load_idx %arg13[%add3A_208, %broadcast_in_dim3A_501] : memref<640x16xf32, #tpu.memory_space<vmem>>[vector<16xi32>, vector<16xi32>], vector<16xf32>,
      %add3A_504 = arith.addf %gather3A_502, %gather3A_503 : vector<16xf32>
      %gather3A_505 = tpu.vector_load_idx %arg14[%add3A_208, %broadcast_in_dim3A_501] : memref<640x16xf32, #tpu.memory_space<vmem>>[vector<16xi32>, vector<16xi32>], vector<16xf32>,
      %add3A_506 = arith.addf %add3A_504, %gather3A_505 : vector<16xf32>
      %mul3A_507 = arith.mulf %add3A_506, %get3A_212 : vector<16xf32>
      %add3A_508 = arith.addf %mul3A_507, %get3A_84 : vector<16xf32>
      %max3A_509 = arith.constant 0.000000e+00 : f32
      %max3A_510 = vector.broadcast %max3A_509 : f32 to vector<16xf32>
      %max3A_511 = arith.maximumf %add3A_508, %max3A_510 : vector<16xf32>
      %bitcast3A_512 = vector.bitcast %max3A_511 : vector<16xf32> to vector<16xi32>
      %shift_right_logical3A_513 = arith.constant 16 : i32
      %shift_right_logical3A_514 = vector.broadcast %shift_right_logical3A_513 : i32 to vector<16xi32>
      %shift_right_logical3A_515 = arith.shrui %bitcast3A_512, %shift_right_logical3A_514 : vector<16xi32>
      %and3A_516 = arith.constant 1 : i32
      %and3A_517 = vector.broadcast %and3A_516 : i32 to vector<16xi32>
      %and3A_518 = arith.andi %shift_right_logical3A_515, %and3A_517 : vector<16xi32>
      %add3A_519 = arith.constant 32767 : i32
      %add3A_520 = vector.broadcast %add3A_519 : i32 to vector<16xi32>
      %add3A_521 = arith.addi %bitcast3A_512, %add3A_520 : vector<16xi32>
      %add3A_522 = arith.addi %add3A_521, %and3A_518 : vector<16xi32>
      %and3A_523 = arith.constant -65536 : i32
      %and3A_524 = vector.broadcast %and3A_523 : i32 to vector<16xi32>
      %and3A_525 = arith.andi %add3A_522, %and3A_524 : vector<16xi32>
      %bitcast3A_526 = vector.bitcast %and3A_525 : vector<16xi32> to vector<16xf32>
      %mul3A_527 = arith.mulf %bitcast3A_526, %get3A_148 : vector<16xf32>
      %add3A_528 = arith.addf %add3A_499, %mul3A_527 : vector<16xf32>
      %broadcast_in_dim3A_529 = arith.constant 11 : i32
      %broadcast_in_dim3A_530 = vector.broadcast %broadcast_in_dim3A_529 : i32 to vector<16xi32>
      %gather3A_531 = tpu.vector_load_idx %arg12[%add3A_208, %broadcast_in_dim3A_530] : memref<640x16xf32, #tpu.memory_space<vmem>>[vector<16xi32>, vector<16xi32>], vector<16xf32>,
      %gather3A_532 = tpu.vector_load_idx %arg13[%add3A_208, %broadcast_in_dim3A_530] : memref<640x16xf32, #tpu.memory_space<vmem>>[vector<16xi32>, vector<16xi32>], vector<16xf32>,
      %add3A_533 = arith.addf %gather3A_531, %gather3A_532 : vector<16xf32>
      %gather3A_534 = tpu.vector_load_idx %arg14[%add3A_208, %broadcast_in_dim3A_530] : memref<640x16xf32, #tpu.memory_space<vmem>>[vector<16xi32>, vector<16xi32>], vector<16xf32>,
      %add3A_535 = arith.addf %add3A_533, %gather3A_534 : vector<16xf32>
      %mul3A_536 = arith.mulf %add3A_535, %get3A_212 : vector<16xf32>
      %add3A_537 = arith.addf %mul3A_536, %get3A_88 : vector<16xf32>
      %max3A_538 = arith.constant 0.000000e+00 : f32
      %max3A_539 = vector.broadcast %max3A_538 : f32 to vector<16xf32>
      %max3A_540 = arith.maximumf %add3A_537, %max3A_539 : vector<16xf32>
      %bitcast3A_541 = vector.bitcast %max3A_540 : vector<16xf32> to vector<16xi32>
      %shift_right_logical3A_542 = arith.constant 16 : i32
      %shift_right_logical3A_543 = vector.broadcast %shift_right_logical3A_542 : i32 to vector<16xi32>
      %shift_right_logical3A_544 = arith.shrui %bitcast3A_541, %shift_right_logical3A_543 : vector<16xi32>
      %and3A_545 = arith.constant 1 : i32
      %and3A_546 = vector.broadcast %and3A_545 : i32 to vector<16xi32>
      %and3A_547 = arith.andi %shift_right_logical3A_544, %and3A_546 : vector<16xi32>
      %add3A_548 = arith.constant 32767 : i32
      %add3A_549 = vector.broadcast %add3A_548 : i32 to vector<16xi32>
      %add3A_550 = arith.addi %bitcast3A_541, %add3A_549 : vector<16xi32>
      %add3A_551 = arith.addi %add3A_550, %and3A_547 : vector<16xi32>
      %and3A_552 = arith.constant -65536 : i32
      %and3A_553 = vector.broadcast %and3A_552 : i32 to vector<16xi32>
      %and3A_554 = arith.andi %add3A_551, %and3A_553 : vector<16xi32>
      %bitcast3A_555 = vector.bitcast %and3A_554 : vector<16xi32> to vector<16xf32>
      %mul3A_556 = arith.mulf %bitcast3A_555, %get3A_152 : vector<16xf32>
      %add3A_557 = arith.addf %add3A_528, %mul3A_556 : vector<16xf32>
      %broadcast_in_dim3A_558 = arith.constant 12 : i32
      %broadcast_in_dim3A_559 = vector.broadcast %broadcast_in_dim3A_558 : i32 to vector<16xi32>
      %gather3A_560 = tpu.vector_load_idx %arg12[%add3A_208, %broadcast_in_dim3A_559] : memref<640x16xf32, #tpu.memory_space<vmem>>[vector<16xi32>, vector<16xi32>], vector<16xf32>,
      %gather3A_561 = tpu.vector_load_idx %arg13[%add3A_208, %broadcast_in_dim3A_559] : memref<640x16xf32, #tpu.memory_space<vmem>>[vector<16xi32>, vector<16xi32>], vector<16xf32>,
      %add3A_562 = arith.addf %gather3A_560, %gather3A_561 : vector<16xf32>
      %gather3A_563 = tpu.vector_load_idx %arg14[%add3A_208, %broadcast_in_dim3A_559] : memref<640x16xf32, #tpu.memory_space<vmem>>[vector<16xi32>, vector<16xi32>], vector<16xf32>,
      %add3A_564 = arith.addf %add3A_562, %gather3A_563 : vector<16xf32>
      %mul3A_565 = arith.mulf %add3A_564, %get3A_212 : vector<16xf32>
      %add3A_566 = arith.addf %mul3A_565, %get3A_92 : vector<16xf32>
      %max3A_567 = arith.constant 0.000000e+00 : f32
      %max3A_568 = vector.broadcast %max3A_567 : f32 to vector<16xf32>
      %max3A_569 = arith.maximumf %add3A_566, %max3A_568 : vector<16xf32>
      %bitcast3A_570 = vector.bitcast %max3A_569 : vector<16xf32> to vector<16xi32>
      %shift_right_logical3A_571 = arith.constant 16 : i32
      %shift_right_logical3A_572 = vector.broadcast %shift_right_logical3A_571 : i32 to vector<16xi32>
      %shift_right_logical3A_573 = arith.shrui %bitcast3A_570, %shift_right_logical3A_572 : vector<16xi32>
      %and3A_574 = arith.constant 1 : i32
      %and3A_575 = vector.broadcast %and3A_574 : i32 to vector<16xi32>
      %and3A_576 = arith.andi %shift_right_logical3A_573, %and3A_575 : vector<16xi32>
      %add3A_577 = arith.constant 32767 : i32
      %add3A_578 = vector.broadcast %add3A_577 : i32 to vector<16xi32>
      %add3A_579 = arith.addi %bitcast3A_570, %add3A_578 : vector<16xi32>
      %add3A_580 = arith.addi %add3A_579, %and3A_576 : vector<16xi32>
      %and3A_581 = arith.constant -65536 : i32
      %and3A_582 = vector.broadcast %and3A_581 : i32 to vector<16xi32>
      %and3A_583 = arith.andi %add3A_580, %and3A_582 : vector<16xi32>
      %bitcast3A_584 = vector.bitcast %and3A_583 : vector<16xi32> to vector<16xf32>
      %mul3A_585 = arith.mulf %bitcast3A_584, %get3A_156 : vector<16xf32>
      %add3A_586 = arith.addf %add3A_557, %mul3A_585 : vector<16xf32>
      %broadcast_in_dim3A_587 = arith.constant 13 : i32
      %broadcast_in_dim3A_588 = vector.broadcast %broadcast_in_dim3A_587 : i32 to vector<16xi32>
      %gather3A_589 = tpu.vector_load_idx %arg12[%add3A_208, %broadcast_in_dim3A_588] : memref<640x16xf32, #tpu.memory_space<vmem>>[vector<16xi32>, vector<16xi32>], vector<16xf32>,
      %gather3A_590 = tpu.vector_load_idx %arg13[%add3A_208, %broadcast_in_dim3A_588] : memref<640x16xf32, #tpu.memory_space<vmem>>[vector<16xi32>, vector<16xi32>], vector<16xf32>,
      %add3A_591 = arith.addf %gather3A_589, %gather3A_590 : vector<16xf32>
      %gather3A_592 = tpu.vector_load_idx %arg14[%add3A_208, %broadcast_in_dim3A_588] : memref<640x16xf32, #tpu.memory_space<vmem>>[vector<16xi32>, vector<16xi32>], vector<16xf32>,
      %add3A_593 = arith.addf %add3A_591, %gather3A_592 : vector<16xf32>
      %mul3A_594 = arith.mulf %add3A_593, %get3A_212 : vector<16xf32>
      %add3A_595 = arith.addf %mul3A_594, %get3A_96 : vector<16xf32>
      %max3A_596 = arith.constant 0.000000e+00 : f32
      %max3A_597 = vector.broadcast %max3A_596 : f32 to vector<16xf32>
      %max3A_598 = arith.maximumf %add3A_595, %max3A_597 : vector<16xf32>
      %bitcast3A_599 = vector.bitcast %max3A_598 : vector<16xf32> to vector<16xi32>
      %shift_right_logical3A_600 = arith.constant 16 : i32
      %shift_right_logical3A_601 = vector.broadcast %shift_right_logical3A_600 : i32 to vector<16xi32>
      %shift_right_logical3A_602 = arith.shrui %bitcast3A_599, %shift_right_logical3A_601 : vector<16xi32>
      %and3A_603 = arith.constant 1 : i32
      %and3A_604 = vector.broadcast %and3A_603 : i32 to vector<16xi32>
      %and3A_605 = arith.andi %shift_right_logical3A_602, %and3A_604 : vector<16xi32>
      %add3A_606 = arith.constant 32767 : i32
      %add3A_607 = vector.broadcast %add3A_606 : i32 to vector<16xi32>
      %add3A_608 = arith.addi %bitcast3A_599, %add3A_607 : vector<16xi32>
      %add3A_609 = arith.addi %add3A_608, %and3A_605 : vector<16xi32>
      %and3A_610 = arith.constant -65536 : i32
      %and3A_611 = vector.broadcast %and3A_610 : i32 to vector<16xi32>
      %and3A_612 = arith.andi %add3A_609, %and3A_611 : vector<16xi32>
      %bitcast3A_613 = vector.bitcast %and3A_612 : vector<16xi32> to vector<16xf32>
      %mul3A_614 = arith.mulf %bitcast3A_613, %get3A_160 : vector<16xf32>
      %add3A_615 = arith.addf %add3A_586, %mul3A_614 : vector<16xf32>
      %broadcast_in_dim3A_616 = arith.constant 14 : i32
      %broadcast_in_dim3A_617 = vector.broadcast %broadcast_in_dim3A_616 : i32 to vector<16xi32>
      %gather3A_618 = tpu.vector_load_idx %arg12[%add3A_208, %broadcast_in_dim3A_617] : memref<640x16xf32, #tpu.memory_space<vmem>>[vector<16xi32>, vector<16xi32>], vector<16xf32>,
      %gather3A_619 = tpu.vector_load_idx %arg13[%add3A_208, %broadcast_in_dim3A_617] : memref<640x16xf32, #tpu.memory_space<vmem>>[vector<16xi32>, vector<16xi32>], vector<16xf32>,
      %add3A_620 = arith.addf %gather3A_618, %gather3A_619 : vector<16xf32>
      %gather3A_621 = tpu.vector_load_idx %arg14[%add3A_208, %broadcast_in_dim3A_617] : memref<640x16xf32, #tpu.memory_space<vmem>>[vector<16xi32>, vector<16xi32>], vector<16xf32>,
      %add3A_622 = arith.addf %add3A_620, %gather3A_621 : vector<16xf32>
      %mul3A_623 = arith.mulf %add3A_622, %get3A_212 : vector<16xf32>
      %add3A_624 = arith.addf %mul3A_623, %get3A_100 : vector<16xf32>
      %max3A_625 = arith.constant 0.000000e+00 : f32
      %max3A_626 = vector.broadcast %max3A_625 : f32 to vector<16xf32>
      %max3A_627 = arith.maximumf %add3A_624, %max3A_626 : vector<16xf32>
      %bitcast3A_628 = vector.bitcast %max3A_627 : vector<16xf32> to vector<16xi32>
      %shift_right_logical3A_629 = arith.constant 16 : i32
      %shift_right_logical3A_630 = vector.broadcast %shift_right_logical3A_629 : i32 to vector<16xi32>
      %shift_right_logical3A_631 = arith.shrui %bitcast3A_628, %shift_right_logical3A_630 : vector<16xi32>
      %and3A_632 = arith.constant 1 : i32
      %and3A_633 = vector.broadcast %and3A_632 : i32 to vector<16xi32>
      %and3A_634 = arith.andi %shift_right_logical3A_631, %and3A_633 : vector<16xi32>
      %add3A_635 = arith.constant 32767 : i32
      %add3A_636 = vector.broadcast %add3A_635 : i32 to vector<16xi32>
      %add3A_637 = arith.addi %bitcast3A_628, %add3A_636 : vector<16xi32>
      %add3A_638 = arith.addi %add3A_637, %and3A_634 : vector<16xi32>
      %and3A_639 = arith.constant -65536 : i32
      %and3A_640 = vector.broadcast %and3A_639 : i32 to vector<16xi32>
      %and3A_641 = arith.andi %add3A_638, %and3A_640 : vector<16xi32>
      %bitcast3A_642 = vector.bitcast %and3A_641 : vector<16xi32> to vector<16xf32>
      %mul3A_643 = arith.mulf %bitcast3A_642, %get3A_164 : vector<16xf32>
      %add3A_644 = arith.addf %add3A_615, %mul3A_643 : vector<16xf32>
      %broadcast_in_dim3A_645 = arith.constant 15 : i32
      %broadcast_in_dim3A_646 = vector.broadcast %broadcast_in_dim3A_645 : i32 to vector<16xi32>
      %gather3A_647 = tpu.vector_load_idx %arg12[%add3A_208, %broadcast_in_dim3A_646] : memref<640x16xf32, #tpu.memory_space<vmem>>[vector<16xi32>, vector<16xi32>], vector<16xf32>,
      %gather3A_648 = tpu.vector_load_idx %arg13[%add3A_208, %broadcast_in_dim3A_646] : memref<640x16xf32, #tpu.memory_space<vmem>>[vector<16xi32>, vector<16xi32>], vector<16xf32>,
      %add3A_649 = arith.addf %gather3A_647, %gather3A_648 : vector<16xf32>
      %gather3A_650 = tpu.vector_load_idx %arg14[%add3A_208, %broadcast_in_dim3A_646] : memref<640x16xf32, #tpu.memory_space<vmem>>[vector<16xi32>, vector<16xi32>], vector<16xf32>,
      %add3A_651 = arith.addf %add3A_649, %gather3A_650 : vector<16xf32>
      %mul3A_652 = arith.mulf %add3A_651, %get3A_212 : vector<16xf32>
      %add3A_653 = arith.addf %mul3A_652, %get3A_104 : vector<16xf32>
      %max3A_654 = arith.constant 0.000000e+00 : f32
      %max3A_655 = vector.broadcast %max3A_654 : f32 to vector<16xf32>
      %max3A_656 = arith.maximumf %add3A_653, %max3A_655 : vector<16xf32>
      %bitcast3A_657 = vector.bitcast %max3A_656 : vector<16xf32> to vector<16xi32>
      %shift_right_logical3A_658 = arith.constant 16 : i32
      %shift_right_logical3A_659 = vector.broadcast %shift_right_logical3A_658 : i32 to vector<16xi32>
      %shift_right_logical3A_660 = arith.shrui %bitcast3A_657, %shift_right_logical3A_659 : vector<16xi32>
      %and3A_661 = arith.constant 1 : i32
      %and3A_662 = vector.broadcast %and3A_661 : i32 to vector<16xi32>
      %and3A_663 = arith.andi %shift_right_logical3A_660, %and3A_662 : vector<16xi32>
      %add3A_664 = arith.constant 32767 : i32
      %add3A_665 = vector.broadcast %add3A_664 : i32 to vector<16xi32>
      %add3A_666 = arith.addi %bitcast3A_657, %add3A_665 : vector<16xi32>
      %add3A_667 = arith.addi %add3A_666, %and3A_663 : vector<16xi32>
      %and3A_668 = arith.constant -65536 : i32
      %and3A_669 = vector.broadcast %and3A_668 : i32 to vector<16xi32>
      %and3A_670 = arith.andi %add3A_667, %and3A_669 : vector<16xi32>
      %bitcast3A_671 = vector.bitcast %and3A_670 : vector<16xi32> to vector<16xf32>
      %mul3A_672 = arith.mulf %bitcast3A_671, %get3A_168 : vector<16xf32>
      %add3A_673 = arith.addf %add3A_644, %mul3A_672 : vector<16xf32>
      %mul3A_674 = arith.mulf %add3A_673, %get3A_212 : vector<16xf32>
      %mul3A_675 = arith.constant 16 : i32
      %mul3A_676 = arith.muli %scan3A_203, %mul3A_675 : i32
      %swap3A = arith.index_cast %mul3A_676 : i32 to index
      %swap3A_677 = tpu.vector_load %arg17[%swap3A] {strides = array<i32>} : memref<640xf32, #tpu.memory_space<vmem>>, vector<16xf32>,
      tpu.vector_store %arg17[%swap3A], %mul3A_674 {strides = array<i32>} : memref<640xf32, #tpu.memory_space<vmem>>, vector<16xf32>,
      %scan3A_678 = arith.constant 0 : i32
      scf.yield %scan3A_678 : i32
    }
    %scan3A_175 = arith.constant 40 : i32
    "tpu.region"() ({
      %run_scoped3A_203 = tpu.sem_alloc : memref<!tpu.dma_semaphore, #tpu.memory_space<semaphore_mem>>
      %dma_start3A = tpu.memref_slice %arg29[%mul3A_2] : memref<10240xf32, #tpu.memory_space<vmem_shared>> -> memref<640xf32, #tpu.memory_space<vmem_shared>>
      %dma_start3A_204 = tpu.memref_slice %arg29[%mul3A_2] : memref<10240xf32, #tpu.memory_space<vmem_shared>> -> memref<640xf32, #tpu.memory_space<vmem_shared>>
      tpu.enqueue_dma source(%arg17 : memref<640xf32, #tpu.memory_space<vmem>>) target(%dma_start3A_204 : memref<640xf32, #tpu.memory_space<vmem_shared>>) target_semaphore(%run_scoped3A_203 : memref<!tpu.dma_semaphore, #tpu.memory_space<semaphore_mem>>)
      %dma_wait3A = tpu.memref_slice %arg29[%mul3A_2] : memref<10240xf32, #tpu.memory_space<vmem_shared>> -> memref<640xf32, #tpu.memory_space<vmem_shared>>
      %dma_wait3A_205 = tpu.memref_slice %arg29[%mul3A_2] : memref<10240xf32, #tpu.memory_space<vmem_shared>> -> memref<640xf32, #tpu.memory_space<vmem_shared>>
      tpu.wait_dma2 semaphore(%run_scoped3A_203 : memref<!tpu.dma_semaphore, #tpu.memory_space<semaphore_mem>>) src(%arg17 : memref<640xf32, #tpu.memory_space<vmem>>) dst(%dma_wait3A_205 : memref<640xf32, #tpu.memory_space<vmem_shared>>)
      tpu.yield
    }) : () -> ()
    %barrier3A = arith.constant 0 : index
    tpu.barrier barrier_id(%barrier3A)
    "tpu.region"() ({
      %run_scoped3A_203 = tpu.sem_alloc : memref<!tpu.dma_semaphore, #tpu.memory_space<semaphore_mem>>
      tpu.enqueue_dma source(%arg29 : memref<10240xf32, #tpu.memory_space<vmem_shared>>) target(%arg19 : memref<10240xf32, #tpu.memory_space<vmem>>) target_semaphore(%run_scoped3A_203 : memref<!tpu.dma_semaphore, #tpu.memory_space<semaphore_mem>>)
      tpu.wait_dma2 semaphore(%run_scoped3A_203 : memref<!tpu.dma_semaphore, #tpu.memory_space<semaphore_mem>>) src(%arg29 : memref<10240xf32, #tpu.memory_space<vmem_shared>>) dst(%arg19 : memref<10240xf32, #tpu.memory_space<vmem>>)
      tpu.yield
    }) : () -> ()
    %scan3A_176 = arith.constant 0 : i32
    %scan3A_177 = arith.constant 0 : i32
    %scan3A_178 = arith.constant 625 : i32
    %scan3A_179 = arith.addi %scan3A_177, %scan3A_178 : i32
    %scan3A_180 = arith.constant 1 : i32
    %scan3A_181 = scf.for %scan3A_203 = %scan3A_177 to %scan3A_179 step %scan3A_180 iter_args(%scan3A_204 = %scan3A_176) -> (i32)  : i32 {
      %mul3A_205 = arith.constant 16 : i32
      %mul3A_206 = arith.muli %scan3A_203, %mul3A_205 : i32
      %get3A_207 = arith.index_cast %mul3A_206 : i32 to index
      %get3A_208 = tpu.vector_load %arg20[%get3A_207] {strides = array<i32>} : memref<10000xi32, #tpu.memory_space<vmem>>, vector<16xi32>,
      %mul3A_209 = arith.constant 16 : i32
      %mul3A_210 = arith.muli %scan3A_203, %mul3A_209 : i32
      %get3A_211 = arith.index_cast %mul3A_210 : i32 to index
      %get3A_212 = tpu.vector_load %arg21[%get3A_211] {strides = array<i32>} : memref<10000xi32, #tpu.memory_space<vmem>>, vector<16xi32>,
      %gather3A = tpu.vector_load_idx %arg19[%get3A_208] : memref<10240xf32, #tpu.memory_space<vmem>>[vector<16xi32>], vector<16xf32>,
      tpu.vector_store_idx %arg22[%get3A_212], %gather3A {add = true} : memref<10240xf32, #tpu.memory_space<vmem>>[vector<16xi32>], vector<16xf32>,
      %scan3A_213 = arith.constant 0 : i32
      scf.yield %scan3A_213 : i32
    }
    %scan3A_182 = arith.constant 625 : i32
    "tpu.region"() ({
      %run_scoped3A_203 = tpu.sem_alloc : memref<!tpu.dma_semaphore, #tpu.memory_space<semaphore_mem>>
      %dma_start3A = arith.constant 0 : i32
      %dma_start3A_204 = tpu.memref_slice %arg30[%dma_start3A] : memref<10240xf32, #tpu.memory_space<vmem_shared>> -> memref<10240xf32, #tpu.memory_space<vmem_shared>>
      tpu.enqueue_indirect_dma source(%arg22 : memref<10240xf32, #tpu.memory_space<vmem>>) target(%dma_start3A_204 : memref<10240xf32, #tpu.memory_space<vmem_shared>>) offsets(%arg23 : memref<10240xi32, #tpu.memory_space<vmem>>) semaphore(%run_scoped3A_203 : memref<!tpu.dma_semaphore, #tpu.memory_space<semaphore_mem>>) {add = true}
      %dma_wait3A = arith.constant 0 : i32
      %dma_wait3A_205 = tpu.memref_slice %arg30[%dma_wait3A] : memref<10240xf32, #tpu.memory_space<vmem_shared>> -> memref<10240xf32, #tpu.memory_space<vmem_shared>>
      tpu.wait_indirect_dma semaphore(%run_scoped3A_203 : memref<!tpu.dma_semaphore, #tpu.memory_space<semaphore_mem>>) src(%arg22 : memref<10240xf32, #tpu.memory_space<vmem>>) dst(%dma_wait3A_205 : memref<10240xf32, #tpu.memory_space<vmem_shared>>)
      tpu.yield
    }) : () -> ()
    %barrier3A_183 = arith.constant 0 : index
    tpu.barrier barrier_id(%barrier3A_183)
    "tpu.region"() ({
      %run_scoped3A_203 = tpu.sem_alloc : memref<!tpu.dma_semaphore, #tpu.memory_space<semaphore_mem>>
      %dma_start3A = tpu.memref_slice %arg30[%mul3A_2] : memref<10240xf32, #tpu.memory_space<vmem_shared>> -> memref<640xf32, #tpu.memory_space<vmem_shared>>
      %dma_start3A_204 = tpu.memref_slice %arg30[%mul3A_2] : memref<10240xf32, #tpu.memory_space<vmem_shared>> -> memref<640xf32, #tpu.memory_space<vmem_shared>>
      tpu.enqueue_dma source(%dma_start3A_204 : memref<640xf32, #tpu.memory_space<vmem_shared>>) target(%arg18 : memref<640xf32, #tpu.memory_space<vmem>>) target_semaphore(%run_scoped3A_203 : memref<!tpu.dma_semaphore, #tpu.memory_space<semaphore_mem>>)
      %dma_wait3A = tpu.memref_slice %arg30[%mul3A_2] : memref<10240xf32, #tpu.memory_space<vmem_shared>> -> memref<640xf32, #tpu.memory_space<vmem_shared>>
      %dma_wait3A_205 = tpu.memref_slice %arg30[%mul3A_2] : memref<10240xf32, #tpu.memory_space<vmem_shared>> -> memref<640xf32, #tpu.memory_space<vmem_shared>>
      tpu.wait_dma2 semaphore(%run_scoped3A_203 : memref<!tpu.dma_semaphore, #tpu.memory_space<semaphore_mem>>) src(%dma_wait3A_205 : memref<640xf32, #tpu.memory_space<vmem_shared>>) dst(%arg18 : memref<640xf32, #tpu.memory_space<vmem>>)
      tpu.yield
    }) : () -> ()
    %get3A_184 = arith.constant 0 : index
    %get3A_185 = tpu.vector_load %arg28[%get3A_184] {strides = array<i32>} : memref<16xf32, #tpu.memory_space<vmem>>, vector<16xf32>,
    %mul3A_186 = arith.constant 5.000000e-01 : f32
    %mul3A_187 = vector.broadcast %mul3A_186 : f32 to vector<16xf32>
    %mul3A_188 = arith.mulf %get3A_185, %mul3A_187 : vector<16xf32>
    %iota3A_189 = tpu.iota {dimensions = array<i32: 0>} : vector<16xi32>
    %scan3A_190 = arith.constant 0 : i32
    %scan3A_191 = arith.constant 0 : i32
    %scan3A_192 = arith.constant 40 : i32
    %scan3A_193 = arith.addi %scan3A_191, %scan3A_192 : i32
    %scan3A_194 = arith.constant 1 : i32
    %scan3A_195 = scf.for %scan3A_203 = %scan3A_191 to %scan3A_193 step %scan3A_194 iter_args(%scan3A_204 = %scan3A_190) -> (i32)  : i32 {
      %mul3A_205 = arith.constant 16 : i32
      %mul3A_206 = arith.muli %scan3A_203, %mul3A_205 : i32
      %get3A_207 = arith.index_cast %mul3A_206 : i32 to index
      %get3A_208 = tpu.vector_load %arg18[%get3A_207] {strides = array<i32>} : memref<640xf32, #tpu.memory_space<vmem>>, vector<16xf32>,
      %mul3A_209 = arith.constant 16 : i32
      %mul3A_210 = arith.muli %scan3A_203, %mul3A_209 : i32
      %add3A_211 = arith.addi %mul3A_2, %mul3A_210 : i32
      %get3A_212 = arith.index_cast %add3A_211 : i32 to index
      %get3A_213 = tpu.vector_load %arg19[%get3A_212] {strides = array<i32>} : memref<10240xf32, #tpu.memory_space<vmem>>, vector<16xf32>,
      %mul3A_214 = arith.constant 16 : i32
      %mul3A_215 = arith.muli %scan3A_203, %mul3A_214 : i32
      %get3A_216 = arith.index_cast %mul3A_215 : i32 to index
      %get3A_217 = tpu.vector_load %arg15[%get3A_216] {strides = array<i32>} : memref<640xf32, #tpu.memory_space<vmem>>, vector<16xf32>,
      %mul3A_218 = arith.constant 16 : i32
      %mul3A_219 = arith.muli %scan3A_203, %mul3A_218 : i32
      %get3A_220 = arith.index_cast %mul3A_219 : i32 to index
      %get3A_221 = tpu.vector_load %arg16[%get3A_220] {strides = array<i32>} : memref<640xi32, #tpu.memory_space<vmem>>, vector<16xi32>,
      %mul3A_222 = arith.constant 16 : i32
      %mul3A_223 = arith.muli %scan3A_203, %mul3A_222 : i32
      %add3A_224 = arith.addi %mul3A_2, %mul3A_223 : i32
      %add3A_225 = vector.broadcast %add3A_224 : i32 to vector<16xi32>
      %add3A_226 = arith.addi %add3A_225, %iota3A_189 : vector<16xi32>
      %mul3A_227 = arith.constant 5.000000e-01 : f32
      %mul3A_228 = vector.broadcast %mul3A_227 : f32 to vector<16xf32>
      %mul3A_229 = arith.mulf %mul3A_228, %get3A_213 : vector<16xf32>
      %add3A_230 = arith.addf %get3A_208, %mul3A_229 : vector<16xf32>
      %mul3A_231 = arith.mulf %get3A_217, %add3A_230 : vector<16xf32>
      %add3A_232 = arith.addf %mul3A_231, %mul3A_188 : vector<16xf32>
      %lt3A = arith.constant 10000 : i32
      %lt3A_233 = vector.broadcast %lt3A : i32 to vector<16xi32>
      %lt3A_234 = arith.cmpi slt, %add3A_226, %lt3A_233 : vector<16xi32>
      %jit3A = arith.constant 0.000000e+00 : f32
      %broadcast_in_dim3A_235 = vector.broadcast %jit3A : f32 to vector<16xf32>
      %select_n3A = arith.select %lt3A_234, %add3A_232, %broadcast_in_dim3A_235 : vector<16xi1>, vector<16xf32>
      tpu.vector_store_idx %arg24[%get3A_221], %select_n3A {add = true} : memref<128xf32, #tpu.memory_space<vmem>>[vector<16xi32>], vector<16xf32>,
      %scan3A_236 = arith.constant 0 : i32
      scf.yield %scan3A_236 : i32
    }
    %scan3A_196 = arith.constant 40 : i32
    "tpu.region"() ({
      %run_scoped3A_203 = tpu.sem_alloc : memref<!tpu.dma_semaphore, #tpu.memory_space<semaphore_mem>>
      %dma_start3A = arith.constant 0 : i32
      %dma_start3A_204 = tpu.memref_slice %arg31[%dma_start3A] : memref<128xf32, #tpu.memory_space<vmem_shared>> -> memref<128xf32, #tpu.memory_space<vmem_shared>>
      tpu.enqueue_indirect_dma source(%arg24 : memref<128xf32, #tpu.memory_space<vmem>>) target(%dma_start3A_204 : memref<128xf32, #tpu.memory_space<vmem_shared>>) offsets(%arg25 : memref<128xi32, #tpu.memory_space<vmem>>) semaphore(%run_scoped3A_203 : memref<!tpu.dma_semaphore, #tpu.memory_space<semaphore_mem>>) {add = true}
      %dma_wait3A = arith.constant 0 : i32
      %dma_wait3A_205 = tpu.memref_slice %arg31[%dma_wait3A] : memref<128xf32, #tpu.memory_space<vmem_shared>> -> memref<128xf32, #tpu.memory_space<vmem_shared>>
      tpu.wait_indirect_dma semaphore(%run_scoped3A_203 : memref<!tpu.dma_semaphore, #tpu.memory_space<semaphore_mem>>) src(%arg24 : memref<128xf32, #tpu.memory_space<vmem>>) dst(%dma_wait3A_205 : memref<128xf32, #tpu.memory_space<vmem_shared>>)
      tpu.yield
    }) : () -> ()
    %barrier3A_197 = arith.constant 0 : index
    tpu.barrier barrier_id(%barrier3A_197)
    %eq3A_198 = arith.constant 0 : i32
    %eq3A_199 = arith.cmpi eq, %arg1, %eq3A_198 : i32
    %convert_element_type3A_200 = arith.extui %eq3A_199 : i1 to i32
    %cond3A_201 = arith.constant 0 : i32
    %cond3A_202 = arith.cmpi ne, %convert_element_type3A_200, %cond3A_201 : i32
    scf.if %cond3A_202 {
      "tpu.region"() ({
        %run_scoped3A_203 = tpu.sem_alloc : memref<!tpu.dma_semaphore, #tpu.memory_space<semaphore_mem>>
        %dma_start3A = arith.constant 0 : i32
        %dma_start3A_204 = tpu.memref_slice %arg11[%arg0, %dma_start3A] : memref<2x128xf32, #tpu.memory_space<hbm>> -> memref<1x128xf32, #tpu.memory_space<hbm>>
        %dma_start3A_205 = tpu.memref_squeeze %dma_start3A_204 : memref<1x128xf32, #tpu.memory_space<hbm>> -> memref<128xf32, #tpu.memory_space<hbm>>
        tpu.enqueue_dma source(%arg31 : memref<128xf32, #tpu.memory_space<vmem_shared>>) target(%dma_start3A_205 : memref<128xf32, #tpu.memory_space<hbm>>) target_semaphore(%run_scoped3A_203 : memref<!tpu.dma_semaphore, #tpu.memory_space<semaphore_mem>>)
        %dma_wait3A = arith.constant 0 : i32
        %dma_wait3A_206 = tpu.memref_slice %arg11[%arg0, %dma_wait3A] : memref<2x128xf32, #tpu.memory_space<hbm>> -> memref<1x128xf32, #tpu.memory_space<hbm>>
        %dma_wait3A_207 = tpu.memref_squeeze %dma_wait3A_206 : memref<1x128xf32, #tpu.memory_space<hbm>> -> memref<128xf32, #tpu.memory_space<hbm>>
        tpu.wait_dma2 semaphore(%run_scoped3A_203 : memref<!tpu.dma_semaphore, #tpu.memory_space<semaphore_mem>>) src(%arg31 : memref<128xf32, #tpu.memory_space<vmem_shared>>) dst(%dma_wait3A_207 : memref<128xf32, #tpu.memory_space<hbm>>)
        tpu.yield
      }) : () -> ()
    } else {
    }
    return
  }
}

#map = affine_map<(d0, d1) -> (0)>
#map1 = affine_map<(d0, d1) -> (0, 0)>
module attributes {stable_mosaic.version = 14 : i64} {
  func.func @_sc_deg(%arg0: i32, %arg1: i32, %arg2: memref<320000xi32, #tpu.memory_space<hbm>>, %arg3: memref<2x10240xf32, #tpu.memory_space<hbm>>, %arg4: memref<10000xi32, #tpu.memory_space<vmem>>, %arg5: memref<10240xf32, #tpu.memory_space<vmem>>, %arg6: memref<10240xi32, #tpu.memory_space<vmem>>, %arg7: memref<10240xf32, #tpu.memory_space<vmem_shared>>) attributes {dimension_semantics = [#tpu.dimension_semantics<core_parallel>, #tpu.dimension_semantics<subcore_parallel>], iteration_bounds = array<i64: 2, 16>, scalar_prefetch = 0 : i64, scratch_operands = 4 : i64, tpu.core_type = #tpu.core_type<sc_vector_subcore>, window_params = [{transform_indices = #map}, {transform_indices = #map1}]} {
    %mul3A = arith.constant 16 : i32
    %mul3A_0 = arith.muli %arg0, %mul3A : i32
    %add3A = arith.addi %mul3A_0, %arg1 : i32
    %broadcast_in_dim3A = arith.constant 0.000000e+00 : f32
    %broadcast_in_dim3A_1 = vector.broadcast %broadcast_in_dim3A : f32 to vector<16xf32>
    %scan3A = arith.constant 0 : i32
    %scan3A_2 = arith.constant 0 : i32
    %scan3A_3 = arith.constant 640 : i32
    %scan3A_4 = arith.addi %scan3A_2, %scan3A_3 : i32
    %scan3A_5 = arith.constant 1 : i32
    %scan3A_6 = scf.for %scan3A_35 = %scan3A_2 to %scan3A_4 step %scan3A_5 iter_args(%scan3A_36 = %scan3A) -> (i32)  : i32 {
      %mul3A_37 = arith.constant 16 : i32
      %mul3A_38 = arith.muli %scan3A_35, %mul3A_37 : i32
      %swap3A = arith.index_cast %mul3A_38 : i32 to index
      %swap3A_39 = tpu.vector_load %arg5[%swap3A] {strides = array<i32>} : memref<10240xf32, #tpu.memory_space<vmem>>, vector<16xf32>,
      tpu.vector_store %arg5[%swap3A], %broadcast_in_dim3A_1 {strides = array<i32>} : memref<10240xf32, #tpu.memory_space<vmem>>, vector<16xf32>,
      %scan3A_40 = arith.constant 0 : i32
      scf.yield %scan3A_40 : i32
    }
    %scan3A_7 = arith.constant 640 : i32
    %iota3A = tpu.iota {dimensions = array<i32: 0>} : vector<16xi32>
    %scan3A_8 = arith.constant 0 : i32
    %scan3A_9 = arith.constant 0 : i32
    %scan3A_10 = arith.constant 640 : i32
    %scan3A_11 = arith.addi %scan3A_9, %scan3A_10 : i32
    %scan3A_12 = arith.constant 1 : i32
    %scan3A_13 = scf.for %scan3A_35 = %scan3A_9 to %scan3A_11 step %scan3A_12 iter_args(%scan3A_36 = %scan3A_8) -> (i32)  : i32 {
      %mul3A_37 = arith.constant 16 : i32
      %mul3A_38 = arith.muli %scan3A_35, %mul3A_37 : i32
      %add3A_39 = vector.broadcast %mul3A_38 : i32 to vector<16xi32>
      %add3A_40 = arith.addi %add3A_39, %iota3A : vector<16xi32>
      %mul3A_41 = arith.constant 16 : i32
      %mul3A_42 = arith.muli %scan3A_35, %mul3A_41 : i32
      %swap3A = arith.index_cast %mul3A_42 : i32 to index
      %swap3A_43 = tpu.vector_load %arg6[%swap3A] {strides = array<i32>} : memref<10240xi32, #tpu.memory_space<vmem>>, vector<16xi32>,
      tpu.vector_store %arg6[%swap3A], %add3A_40 {strides = array<i32>} : memref<10240xi32, #tpu.memory_space<vmem>>, vector<16xi32>,
      %scan3A_44 = arith.constant 0 : i32
      scf.yield %scan3A_44 : i32
    }
    %scan3A_14 = arith.constant 640 : i32
    %mul3A_15 = arith.constant 640 : i32
    %mul3A_16 = arith.muli %arg1, %mul3A_15 : i32
    %mul3A_17 = arith.constant 640 : i32
    %mul3A_18 = arith.muli %arg1, %mul3A_17 : i32
    "tpu.region"() ({
      %run_scoped3A = tpu.sem_alloc : memref<!tpu.dma_semaphore, #tpu.memory_space<semaphore_mem>>
      %dma_start3A = tpu.memref_slice %arg5[%mul3A_16] : memref<10240xf32, #tpu.memory_space<vmem>> -> memref<640xf32, #tpu.memory_space<vmem>>
      %dma_start3A_35 = tpu.memref_slice %arg7[%mul3A_18] : memref<10240xf32, #tpu.memory_space<vmem_shared>> -> memref<640xf32, #tpu.memory_space<vmem_shared>>
      %dma_start3A_36 = tpu.memref_slice %arg7[%mul3A_18] : memref<10240xf32, #tpu.memory_space<vmem_shared>> -> memref<640xf32, #tpu.memory_space<vmem_shared>>
      %dma_start3A_37 = tpu.memref_slice %arg5[%mul3A_16] : memref<10240xf32, #tpu.memory_space<vmem>> -> memref<640xf32, #tpu.memory_space<vmem>>
      tpu.enqueue_dma source(%dma_start3A_37 : memref<640xf32, #tpu.memory_space<vmem>>) target(%dma_start3A_36 : memref<640xf32, #tpu.memory_space<vmem_shared>>) target_semaphore(%run_scoped3A : memref<!tpu.dma_semaphore, #tpu.memory_space<semaphore_mem>>)
      %dma_wait3A = tpu.memref_slice %arg5[%mul3A_16] : memref<10240xf32, #tpu.memory_space<vmem>> -> memref<640xf32, #tpu.memory_space<vmem>>
      %dma_wait3A_38 = tpu.memref_slice %arg7[%mul3A_18] : memref<10240xf32, #tpu.memory_space<vmem_shared>> -> memref<640xf32, #tpu.memory_space<vmem_shared>>
      %dma_wait3A_39 = tpu.memref_slice %arg7[%mul3A_18] : memref<10240xf32, #tpu.memory_space<vmem_shared>> -> memref<640xf32, #tpu.memory_space<vmem_shared>>
      %dma_wait3A_40 = tpu.memref_slice %arg5[%mul3A_16] : memref<10240xf32, #tpu.memory_space<vmem>> -> memref<640xf32, #tpu.memory_space<vmem>>
      tpu.wait_dma2 semaphore(%run_scoped3A : memref<!tpu.dma_semaphore, #tpu.memory_space<semaphore_mem>>) src(%dma_wait3A_40 : memref<640xf32, #tpu.memory_space<vmem>>) dst(%dma_wait3A_39 : memref<640xf32, #tpu.memory_space<vmem_shared>>)
      tpu.yield
    }) : () -> ()
    %barrier3A = arith.constant 0 : index
    tpu.barrier barrier_id(%barrier3A)
    %mul3A_19 = arith.constant 10000 : i32
    %mul3A_20 = arith.muli %add3A, %mul3A_19 : i32
    "tpu.region"() ({
      %run_scoped3A = tpu.sem_alloc : memref<!tpu.dma_semaphore, #tpu.memory_space<semaphore_mem>>
      %dma_start3A = tpu.memref_slice %arg2[%mul3A_20] : memref<320000xi32, #tpu.memory_space<hbm>> -> memref<10000xi32, #tpu.memory_space<hbm>>
      %dma_start3A_35 = tpu.memref_slice %arg2[%mul3A_20] : memref<320000xi32, #tpu.memory_space<hbm>> -> memref<10000xi32, #tpu.memory_space<hbm>>
      tpu.enqueue_dma source(%dma_start3A_35 : memref<10000xi32, #tpu.memory_space<hbm>>) target(%arg4 : memref<10000xi32, #tpu.memory_space<vmem>>) target_semaphore(%run_scoped3A : memref<!tpu.dma_semaphore, #tpu.memory_space<semaphore_mem>>)
      %dma_wait3A = tpu.memref_slice %arg2[%mul3A_20] : memref<320000xi32, #tpu.memory_space<hbm>> -> memref<10000xi32, #tpu.memory_space<hbm>>
      %dma_wait3A_36 = tpu.memref_slice %arg2[%mul3A_20] : memref<320000xi32, #tpu.memory_space<hbm>> -> memref<10000xi32, #tpu.memory_space<hbm>>
      tpu.wait_dma2 semaphore(%run_scoped3A : memref<!tpu.dma_semaphore, #tpu.memory_space<semaphore_mem>>) src(%dma_wait3A_36 : memref<10000xi32, #tpu.memory_space<hbm>>) dst(%arg4 : memref<10000xi32, #tpu.memory_space<vmem>>)
      tpu.yield
    }) : () -> ()
    %broadcast_in_dim3A_21 = arith.constant 1.000000e+00 : f32
    %broadcast_in_dim3A_22 = vector.broadcast %broadcast_in_dim3A_21 : f32 to vector<16xf32>
    %scan3A_23 = arith.constant 0 : i32
    %scan3A_24 = arith.constant 0 : i32
    %scan3A_25 = arith.constant 625 : i32
    %scan3A_26 = arith.addi %scan3A_24, %scan3A_25 : i32
    %scan3A_27 = arith.constant 1 : i32
    %scan3A_28 = scf.for %scan3A_35 = %scan3A_24 to %scan3A_26 step %scan3A_27 iter_args(%scan3A_36 = %scan3A_23) -> (i32)  : i32 {
      %mul3A_37 = arith.constant 16 : i32
      %mul3A_38 = arith.muli %scan3A_35, %mul3A_37 : i32
      %get3A = arith.index_cast %mul3A_38 : i32 to index
      %get3A_39 = tpu.vector_load %arg4[%get3A] {strides = array<i32>} : memref<10000xi32, #tpu.memory_space<vmem>>, vector<16xi32>,
      tpu.vector_store_idx %arg5[%get3A_39], %broadcast_in_dim3A_22 {add = true} : memref<10240xf32, #tpu.memory_space<vmem>>[vector<16xi32>], vector<16xf32>,
      %scan3A_40 = arith.constant 0 : i32
      scf.yield %scan3A_40 : i32
    }
    %scan3A_29 = arith.constant 625 : i32
    "tpu.region"() ({
      %run_scoped3A = tpu.sem_alloc : memref<!tpu.dma_semaphore, #tpu.memory_space<semaphore_mem>>
      %dma_start3A = arith.constant 0 : i32
      %dma_start3A_35 = tpu.memref_slice %arg7[%dma_start3A] : memref<10240xf32, #tpu.memory_space<vmem_shared>> -> memref<10240xf32, #tpu.memory_space<vmem_shared>>
      tpu.enqueue_indirect_dma source(%arg5 : memref<10240xf32, #tpu.memory_space<vmem>>) target(%dma_start3A_35 : memref<10240xf32, #tpu.memory_space<vmem_shared>>) offsets(%arg6 : memref<10240xi32, #tpu.memory_space<vmem>>) semaphore(%run_scoped3A : memref<!tpu.dma_semaphore, #tpu.memory_space<semaphore_mem>>) {add = true}
      %dma_wait3A = arith.constant 0 : i32
      %dma_wait3A_36 = tpu.memref_slice %arg7[%dma_wait3A] : memref<10240xf32, #tpu.memory_space<vmem_shared>> -> memref<10240xf32, #tpu.memory_space<vmem_shared>>
      tpu.wait_indirect_dma semaphore(%run_scoped3A : memref<!tpu.dma_semaphore, #tpu.memory_space<semaphore_mem>>) src(%arg5 : memref<10240xf32, #tpu.memory_space<vmem>>) dst(%dma_wait3A_36 : memref<10240xf32, #tpu.memory_space<vmem_shared>>)
      tpu.yield
    }) : () -> ()
    %barrier3A_30 = arith.constant 0 : index
    tpu.barrier barrier_id(%barrier3A_30)
    %mul3A_31 = arith.constant 640 : i32
    %mul3A_32 = arith.muli %arg1, %mul3A_31 : i32
    %mul3A_33 = arith.constant 640 : i32
    %mul3A_34 = arith.muli %arg1, %mul3A_33 : i32
    "tpu.region"() ({
      %run_scoped3A = tpu.sem_alloc : memref<!tpu.dma_semaphore, #tpu.memory_space<semaphore_mem>>
      %dma_start3A = tpu.memref_slice %arg3[%arg0, %mul3A_34] : memref<2x10240xf32, #tpu.memory_space<hbm>> -> memref<1x640xf32, #tpu.memory_space<hbm>>
      %dma_start3A_35 = tpu.memref_squeeze %dma_start3A : memref<1x640xf32, #tpu.memory_space<hbm>> -> memref<640xf32, #tpu.memory_space<hbm>>
      %dma_start3A_36 = tpu.memref_slice %arg7[%mul3A_32] : memref<10240xf32, #tpu.memory_space<vmem_shared>> -> memref<640xf32, #tpu.memory_space<vmem_shared>>
      tpu.enqueue_dma source(%dma_start3A_36 : memref<640xf32, #tpu.memory_space<vmem_shared>>) target(%dma_start3A_35 : memref<640xf32, #tpu.memory_space<hbm>>) target_semaphore(%run_scoped3A : memref<!tpu.dma_semaphore, #tpu.memory_space<semaphore_mem>>)
      %dma_wait3A = tpu.memref_slice %arg3[%arg0, %mul3A_34] : memref<2x10240xf32, #tpu.memory_space<hbm>> -> memref<1x640xf32, #tpu.memory_space<hbm>>
      %dma_wait3A_37 = tpu.memref_squeeze %dma_wait3A : memref<1x640xf32, #tpu.memory_space<hbm>> -> memref<640xf32, #tpu.memory_space<hbm>>
      %dma_wait3A_38 = tpu.memref_slice %arg7[%mul3A_32] : memref<10240xf32, #tpu.memory_space<vmem_shared>> -> memref<640xf32, #tpu.memory_space<vmem_shared>>
      tpu.wait_dma2 semaphore(%run_scoped3A : memref<!tpu.dma_semaphore, #tpu.memory_space<semaphore_mem>>) src(%dma_wait3A_38 : memref<640xf32, #tpu.memory_space<vmem_shared>>) dst(%dma_wait3A_37 : memref<640xf32, #tpu.memory_space<hbm>>)
      tpu.yield
    }) : () -> ()
    return
  }
}

#map = affine_map<(d0, d1) -> (0, 0)>
#map1 = affine_map<(d0, d1) -> (0)>
#map2 = affine_map<(d0, d1) -> (0, 0, 0)>
module attributes {stable_mosaic.version = 14 : i64} {
  func.func @_sc_agg(%arg0: i32, %arg1: i32, %arg2: memref<10240x16xf32, #tpu.memory_space<hbm>>, %arg3: memref<320000xi32, #tpu.memory_space<hbm>>, %arg4: memref<320000xi32, #tpu.memory_space<hbm>>, %arg5: memref<2x10240x16xf32, #tpu.memory_space<hbm>>, %arg6: memref<10000xi32, #tpu.memory_space<vmem>>, %arg7: memref<10000xi32, #tpu.memory_space<vmem>>, %arg8: memref<4x80xi32, #tpu.memory_space<vmem>>, %arg9: memref<4x80xi32, #tpu.memory_space<vmem>>, %arg10: memref<4x80x16xf32, #tpu.memory_space<vmem>>, %arg11: memref<640x16xf32, #tpu.memory_space<vmem>>, %arg12: memref<10240x16xf32, #tpu.memory_space<vmem_shared>>, %arg13: memref<10240x16xf32, #tpu.memory_space<vmem_shared>>, %arg14: memref<!tpu.dma_semaphore, #tpu.memory_space<semaphore_mem>>, %arg15: memref<!tpu.dma_semaphore, #tpu.memory_space<semaphore_mem>>, %arg16: memref<!tpu.dma_semaphore, #tpu.memory_space<semaphore_mem>>, %arg17: memref<!tpu.dma_semaphore, #tpu.memory_space<semaphore_mem>>) attributes {dimension_semantics = [#tpu.dimension_semantics<core_parallel>, #tpu.dimension_semantics<subcore_parallel>], iteration_bounds = array<i64: 2, 16>, scalar_prefetch = 0 : i64, scratch_operands = 12 : i64, tpu.core_type = #tpu.core_type<sc_vector_subcore>, window_params = [{transform_indices = #map}, {transform_indices = #map1}, {transform_indices = #map1}, {transform_indices = #map2}]} {
    %mul3A = arith.constant 16 : i32
    %mul3A_0 = arith.muli %arg0, %mul3A : i32
    %add3A = arith.addi %mul3A_0, %arg1 : i32
    %broadcast_in_dim3A = arith.constant 0.000000e+00 : f32
    %broadcast_in_dim3A_1 = vector.broadcast %broadcast_in_dim3A : f32 to vector<16xf32>
    %scan3A = arith.constant 0 : i32
    %scan3A_2 = arith.constant 0 : i32
    %scan3A_3 = arith.constant 640 : i32
    %scan3A_4 = arith.addi %scan3A_2, %scan3A_3 : i32
    %scan3A_5 = arith.constant 1 : i32
    %scan3A_6 = scf.for %scan3A_98 = %scan3A_2 to %scan3A_4 step %scan3A_5 iter_args(%scan3A_99 = %scan3A) -> (i32)  : i32 {
      %swap3A = arith.index_cast %scan3A_98 : i32 to index
      %swap3A_100 = arith.constant 0 : index
      %swap3A_101 = tpu.vector_load %arg11[%swap3A, %swap3A_100] {strides = array<i32>} : memref<640x16xf32, #tpu.memory_space<vmem>>, vector<1x16xf32>,
      %swap3A_102 = vector.shape_cast %swap3A_101 : vector<1x16xf32> to vector<16xf32>
      %swap3A_103 = vector.shape_cast %broadcast_in_dim3A_1 : vector<16xf32> to vector<1x16xf32>
      tpu.vector_store %arg11[%swap3A, %swap3A_100], %swap3A_103 {strides = array<i32>} : memref<640x16xf32, #tpu.memory_space<vmem>>, vector<1x16xf32>,
      %scan3A_104 = arith.constant 0 : i32
      scf.yield %scan3A_104 : i32
    }
    %scan3A_7 = arith.constant 640 : i32
    %mul3A_8 = arith.constant 640 : i32
    %mul3A_9 = arith.muli %arg1, %mul3A_8 : i32
    "tpu.region"() ({
      %run_scoped3A_98 = tpu.sem_alloc : memref<!tpu.dma_semaphore, #tpu.memory_space<semaphore_mem>>
      %dma_start3A_99 = arith.constant 0 : i32
      %dma_start3A_100 = tpu.memref_slice %arg12[%mul3A_9, %dma_start3A_99] : memref<10240x16xf32, #tpu.memory_space<vmem_shared>> -> memref<640x16xf32, #tpu.memory_space<vmem_shared>>
      %dma_start3A_101 = arith.constant 0 : i32
      %dma_start3A_102 = tpu.memref_slice %arg12[%mul3A_9, %dma_start3A_101] : memref<10240x16xf32, #tpu.memory_space<vmem_shared>> -> memref<640x16xf32, #tpu.memory_space<vmem_shared>>
      tpu.enqueue_dma source(%arg11 : memref<640x16xf32, #tpu.memory_space<vmem>>) target(%dma_start3A_102 : memref<640x16xf32, #tpu.memory_space<vmem_shared>>) target_semaphore(%run_scoped3A_98 : memref<!tpu.dma_semaphore, #tpu.memory_space<semaphore_mem>>)
      %dma_wait3A_103 = arith.constant 0 : i32
      %dma_wait3A_104 = tpu.memref_slice %arg12[%mul3A_9, %dma_wait3A_103] : memref<10240x16xf32, #tpu.memory_space<vmem_shared>> -> memref<640x16xf32, #tpu.memory_space<vmem_shared>>
      %dma_wait3A_105 = arith.constant 0 : i32
      %dma_wait3A_106 = tpu.memref_slice %arg12[%mul3A_9, %dma_wait3A_105] : memref<10240x16xf32, #tpu.memory_space<vmem_shared>> -> memref<640x16xf32, #tpu.memory_space<vmem_shared>>
      tpu.wait_dma2 semaphore(%run_scoped3A_98 : memref<!tpu.dma_semaphore, #tpu.memory_space<semaphore_mem>>) src(%arg11 : memref<640x16xf32, #tpu.memory_space<vmem>>) dst(%dma_wait3A_106 : memref<640x16xf32, #tpu.memory_space<vmem_shared>>)
      tpu.yield
    }) : () -> ()
    %mul3A_10 = arith.constant 640 : i32
    %mul3A_11 = arith.muli %arg1, %mul3A_10 : i32
    %mul3A_12 = arith.constant 640 : i32
    %mul3A_13 = arith.muli %arg1, %mul3A_12 : i32
    "tpu.region"() ({
      %run_scoped3A_98 = tpu.sem_alloc : memref<!tpu.dma_semaphore, #tpu.memory_space<semaphore_mem>>
      %dma_start3A_99 = arith.constant 0 : i32
      %dma_start3A_100 = tpu.memref_slice %arg13[%mul3A_13, %dma_start3A_99] : memref<10240x16xf32, #tpu.memory_space<vmem_shared>> -> memref<640x16xf32, #tpu.memory_space<vmem_shared>>
      %dma_start3A_101 = arith.constant 0 : i32
      %dma_start3A_102 = tpu.memref_slice %arg2[%mul3A_11, %dma_start3A_101] : memref<10240x16xf32, #tpu.memory_space<hbm>> -> memref<640x16xf32, #tpu.memory_space<hbm>>
      tpu.enqueue_dma source(%dma_start3A_102 : memref<640x16xf32, #tpu.memory_space<hbm>>) target(%dma_start3A_100 : memref<640x16xf32, #tpu.memory_space<vmem_shared>>) target_semaphore(%run_scoped3A_98 : memref<!tpu.dma_semaphore, #tpu.memory_space<semaphore_mem>>)
      %dma_wait3A_103 = arith.constant 0 : i32
      %dma_wait3A_104 = tpu.memref_slice %arg13[%mul3A_13, %dma_wait3A_103] : memref<10240x16xf32, #tpu.memory_space<vmem_shared>> -> memref<640x16xf32, #tpu.memory_space<vmem_shared>>
      %dma_wait3A_105 = arith.constant 0 : i32
      %dma_wait3A_106 = tpu.memref_slice %arg2[%mul3A_11, %dma_wait3A_105] : memref<10240x16xf32, #tpu.memory_space<hbm>> -> memref<640x16xf32, #tpu.memory_space<hbm>>
      tpu.wait_dma2 semaphore(%run_scoped3A_98 : memref<!tpu.dma_semaphore, #tpu.memory_space<semaphore_mem>>) src(%dma_wait3A_106 : memref<640x16xf32, #tpu.memory_space<hbm>>) dst(%dma_wait3A_104 : memref<640x16xf32, #tpu.memory_space<vmem_shared>>)
      tpu.yield
    }) : () -> ()
    %barrier3A = arith.constant 0 : index
    tpu.barrier barrier_id(%barrier3A)
    %mul3A_14 = arith.constant 10000 : i32
    %mul3A_15 = arith.muli %add3A, %mul3A_14 : i32
    "tpu.region"() ({
      %run_scoped3A_98 = tpu.sem_alloc : memref<!tpu.dma_semaphore, #tpu.memory_space<semaphore_mem>>
      %dma_start3A_99 = tpu.memref_slice %arg3[%mul3A_15] : memref<320000xi32, #tpu.memory_space<hbm>> -> memref<10000xi32, #tpu.memory_space<hbm>>
      %dma_start3A_100 = tpu.memref_slice %arg3[%mul3A_15] : memref<320000xi32, #tpu.memory_space<hbm>> -> memref<10000xi32, #tpu.memory_space<hbm>>
      tpu.enqueue_dma source(%dma_start3A_100 : memref<10000xi32, #tpu.memory_space<hbm>>) target(%arg6 : memref<10000xi32, #tpu.memory_space<vmem>>) target_semaphore(%run_scoped3A_98 : memref<!tpu.dma_semaphore, #tpu.memory_space<semaphore_mem>>)
      %dma_wait3A_101 = tpu.memref_slice %arg3[%mul3A_15] : memref<320000xi32, #tpu.memory_space<hbm>> -> memref<10000xi32, #tpu.memory_space<hbm>>
      %dma_wait3A_102 = tpu.memref_slice %arg3[%mul3A_15] : memref<320000xi32, #tpu.memory_space<hbm>> -> memref<10000xi32, #tpu.memory_space<hbm>>
      tpu.wait_dma2 semaphore(%run_scoped3A_98 : memref<!tpu.dma_semaphore, #tpu.memory_space<semaphore_mem>>) src(%dma_wait3A_102 : memref<10000xi32, #tpu.memory_space<hbm>>) dst(%arg6 : memref<10000xi32, #tpu.memory_space<vmem>>)
      tpu.yield
    }) : () -> ()
    %mul3A_16 = arith.constant 10000 : i32
    %mul3A_17 = arith.muli %add3A, %mul3A_16 : i32
    "tpu.region"() ({
      %run_scoped3A_98 = tpu.sem_alloc : memref<!tpu.dma_semaphore, #tpu.memory_space<semaphore_mem>>
      %dma_start3A_99 = tpu.memref_slice %arg4[%mul3A_17] : memref<320000xi32, #tpu.memory_space<hbm>> -> memref<10000xi32, #tpu.memory_space<hbm>>
      %dma_start3A_100 = tpu.memref_slice %arg4[%mul3A_17] : memref<320000xi32, #tpu.memory_space<hbm>> -> memref<10000xi32, #tpu.memory_space<hbm>>
      tpu.enqueue_dma source(%dma_start3A_100 : memref<10000xi32, #tpu.memory_space<hbm>>) target(%arg7 : memref<10000xi32, #tpu.memory_space<vmem>>) target_semaphore(%run_scoped3A_98 : memref<!tpu.dma_semaphore, #tpu.memory_space<semaphore_mem>>)
      %dma_wait3A_101 = tpu.memref_slice %arg4[%mul3A_17] : memref<320000xi32, #tpu.memory_space<hbm>> -> memref<10000xi32, #tpu.memory_space<hbm>>
      %dma_wait3A_102 = tpu.memref_slice %arg4[%mul3A_17] : memref<320000xi32, #tpu.memory_space<hbm>> -> memref<10000xi32, #tpu.memory_space<hbm>>
      tpu.wait_dma2 semaphore(%run_scoped3A_98 : memref<!tpu.dma_semaphore, #tpu.memory_space<semaphore_mem>>) src(%dma_wait3A_102 : memref<10000xi32, #tpu.memory_space<hbm>>) dst(%arg7 : memref<10000xi32, #tpu.memory_space<vmem>>)
      tpu.yield
    }) : () -> ()
    %scan3A_18 = arith.constant 0 : i32
    %scan3A_19 = arith.constant 0 : i32
    %scan3A_20 = arith.constant 5 : i32
    %scan3A_21 = arith.addi %scan3A_19, %scan3A_20 : i32
    %scan3A_22 = arith.constant 1 : i32
    %scan3A_23 = scf.for %scan3A_98 = %scan3A_19 to %scan3A_21 step %scan3A_22 iter_args(%scan3A_99 = %scan3A_18) -> (i32)  : i32 {
      %mul3A_100 = arith.constant 16 : i32
      %mul3A_101 = arith.muli %scan3A_98, %mul3A_100 : i32
      %add3A_102 = arith.constant 0 : i32
      %add3A_103 = arith.addi %add3A_102, %mul3A_101 : i32
      %get3A = arith.index_cast %add3A_103 : i32 to index
      %get3A_104 = tpu.vector_load %arg6[%get3A] {strides = array<i32>} : memref<10000xi32, #tpu.memory_space<vmem>>, vector<16xi32>,
      %mul3A_105 = arith.constant 16 : i32
      %mul3A_106 = arith.muli %scan3A_98, %mul3A_105 : i32
      %swap3A = arith.constant 0 : i32
      %swap3A_107 = arith.index_cast %swap3A : i32 to index
      %swap3A_108 = arith.index_cast %mul3A_106 : i32 to index
      %swap3A_109 = tpu.vector_load %arg8[%swap3A_107, %swap3A_108] {strides = array<i32>} : memref<4x80xi32, #tpu.memory_space<vmem>>, vector<1x16xi32>,
      %swap3A_110 = vector.shape_cast %swap3A_109 : vector<1x16xi32> to vector<16xi32>
      %swap3A_111 = vector.shape_cast %get3A_104 : vector<16xi32> to vector<1x16xi32>
      tpu.vector_store %arg8[%swap3A_107, %swap3A_108], %swap3A_111 {strides = array<i32>} : memref<4x80xi32, #tpu.memory_space<vmem>>, vector<1x16xi32>,
      %mul3A_112 = arith.constant 16 : i32
      %mul3A_113 = arith.muli %scan3A_98, %mul3A_112 : i32
      %add3A_114 = arith.constant 0 : i32
      %add3A_115 = arith.addi %add3A_114, %mul3A_113 : i32
      %get3A_116 = arith.index_cast %add3A_115 : i32 to index
      %get3A_117 = tpu.vector_load %arg7[%get3A_116] {strides = array<i32>} : memref<10000xi32, #tpu.memory_space<vmem>>, vector<16xi32>,
      %mul3A_118 = arith.constant 16 : i32
      %mul3A_119 = arith.muli %scan3A_98, %mul3A_118 : i32
      %swap3A_120 = arith.constant 0 : i32
      %swap3A_121 = arith.index_cast %swap3A_120 : i32 to index
      %swap3A_122 = arith.index_cast %mul3A_119 : i32 to index
      %swap3A_123 = tpu.vector_load %arg9[%swap3A_121, %swap3A_122] {strides = array<i32>} : memref<4x80xi32, #tpu.memory_space<vmem>>, vector<1x16xi32>,
      %swap3A_124 = vector.shape_cast %swap3A_123 : vector<1x16xi32> to vector<16xi32>
      %swap3A_125 = vector.shape_cast %get3A_117 : vector<16xi32> to vector<1x16xi32>
      tpu.vector_store %arg9[%swap3A_121, %swap3A_122], %swap3A_125 {strides = array<i32>} : memref<4x80xi32, #tpu.memory_space<vmem>>, vector<1x16xi32>,
      %scan3A_126 = arith.constant 0 : i32
      scf.yield %scan3A_126 : i32
    }
    %scan3A_24 = arith.constant 5 : i32
    %dma_start3A = arith.constant 0 : i32
    %dma_start3A_25 = arith.constant 0 : i32
    %dma_start3A_26 = arith.constant 0 : i32
    %dma_start3A_27 = arith.constant 0 : i32
    %dma_start3A_28 = tpu.memref_slice %arg10[%dma_start3A_25, %dma_start3A_26, %dma_start3A_27] : memref<4x80x16xf32, #tpu.memory_space<vmem>> -> memref<1x80x16xf32, #tpu.memory_space<vmem>>
    %dma_start3A_29 = tpu.memref_squeeze %dma_start3A_28 : memref<1x80x16xf32, #tpu.memory_space<vmem>> -> memref<80x16xf32, #tpu.memory_space<vmem>>
    %dma_start3A_30 = arith.constant 0 : i32
    %dma_start3A_31 = tpu.memref_slice %arg8[%dma_start3A, %dma_start3A_30] : memref<4x80xi32, #tpu.memory_space<vmem>> -> memref<1x80xi32, #tpu.memory_space<vmem>>
    %dma_start3A_32 = tpu.memref_squeeze %dma_start3A_31 : memref<1x80xi32, #tpu.memory_space<vmem>> -> memref<80xi32, #tpu.memory_space<vmem>>
    %dma_start3A_33 = arith.constant 0 : i32
    %dma_start3A_34 = arith.constant 0 : i32
    %dma_start3A_35 = tpu.memref_slice %arg13[%dma_start3A_33, %dma_start3A_34] : memref<10240x16xf32, #tpu.memory_space<vmem_shared>> -> memref<10240x16xf32, #tpu.memory_space<vmem_shared>>
    tpu.enqueue_indirect_dma source(%dma_start3A_35 : memref<10240x16xf32, #tpu.memory_space<vmem_shared>>) target(%dma_start3A_29 : memref<80x16xf32, #tpu.memory_space<vmem>>) offsets(%dma_start3A_32 : memref<80xi32, #tpu.memory_space<vmem>>) semaphore(%arg14 : memref<!tpu.dma_semaphore, #tpu.memory_space<semaphore_mem>>)
    %scan3A_36 = arith.constant 0 : i32
    %scan3A_37 = arith.constant 0 : i32
    %scan3A_38 = arith.constant 5 : i32
    %scan3A_39 = arith.addi %scan3A_37, %scan3A_38 : i32
    %scan3A_40 = arith.constant 1 : i32
    %scan3A_41 = scf.for %scan3A_98 = %scan3A_37 to %scan3A_39 step %scan3A_40 iter_args(%scan3A_99 = %scan3A_36) -> (i32)  : i32 {
      %mul3A_100 = arith.constant 16 : i32
      %mul3A_101 = arith.muli %scan3A_98, %mul3A_100 : i32
      %add3A_102 = arith.constant 80 : i32
      %add3A_103 = arith.addi %add3A_102, %mul3A_101 : i32
      %get3A = arith.index_cast %add3A_103 : i32 to index
      %get3A_104 = tpu.vector_load %arg6[%get3A] {strides = array<i32>} : memref<10000xi32, #tpu.memory_space<vmem>>, vector<16xi32>,
      %mul3A_105 = arith.constant 16 : i32
      %mul3A_106 = arith.muli %scan3A_98, %mul3A_105 : i32
      %swap3A = arith.constant 1 : i32
      %swap3A_107 = arith.index_cast %swap3A : i32 to index
      %swap3A_108 = arith.index_cast %mul3A_106 : i32 to index
      %swap3A_109 = tpu.vector_load %arg8[%swap3A_107, %swap3A_108] {strides = array<i32>} : memref<4x80xi32, #tpu.memory_space<vmem>>, vector<1x16xi32>,
      %swap3A_110 = vector.shape_cast %swap3A_109 : vector<1x16xi32> to vector<16xi32>
      %swap3A_111 = vector.shape_cast %get3A_104 : vector<16xi32> to vector<1x16xi32>
      tpu.vector_store %arg8[%swap3A_107, %swap3A_108], %swap3A_111 {strides = array<i32>} : memref<4x80xi32, #tpu.memory_space<vmem>>, vector<1x16xi32>,
      %mul3A_112 = arith.constant 16 : i32
      %mul3A_113 = arith.muli %scan3A_98, %mul3A_112 : i32
      %add3A_114 = arith.constant 80 : i32
      %add3A_115 = arith.addi %add3A_114, %mul3A_113 : i32
      %get3A_116 = arith.index_cast %add3A_115 : i32 to index
      %get3A_117 = tpu.vector_load %arg7[%get3A_116] {strides = array<i32>} : memref<10000xi32, #tpu.memory_space<vmem>>, vector<16xi32>,
      %mul3A_118 = arith.constant 16 : i32
      %mul3A_119 = arith.muli %scan3A_98, %mul3A_118 : i32
      %swap3A_120 = arith.constant 1 : i32
      %swap3A_121 = arith.index_cast %swap3A_120 : i32 to index
      %swap3A_122 = arith.index_cast %mul3A_119 : i32 to index
      %swap3A_123 = tpu.vector_load %arg9[%swap3A_121, %swap3A_122] {strides = array<i32>} : memref<4x80xi32, #tpu.memory_space<vmem>>, vector<1x16xi32>,
      %swap3A_124 = vector.shape_cast %swap3A_123 : vector<1x16xi32> to vector<16xi32>
      %swap3A_125 = vector.shape_cast %get3A_117 : vector<16xi32> to vector<1x16xi32>
      tpu.vector_store %arg9[%swap3A_121, %swap3A_122], %swap3A_125 {strides = array<i32>} : memref<4x80xi32, #tpu.memory_space<vmem>>, vector<1x16xi32>,
      %scan3A_126 = arith.constant 0 : i32
      scf.yield %scan3A_126 : i32
    }
    %scan3A_42 = arith.constant 5 : i32
    %dma_start3A_43 = arith.constant 1 : i32
    %dma_start3A_44 = arith.constant 1 : i32
    %dma_start3A_45 = arith.constant 0 : i32
    %dma_start3A_46 = arith.constant 0 : i32
    %dma_start3A_47 = tpu.memref_slice %arg10[%dma_start3A_44, %dma_start3A_45, %dma_start3A_46] : memref<4x80x16xf32, #tpu.memory_space<vmem>> -> memref<1x80x16xf32, #tpu.memory_space<vmem>>
    %dma_start3A_48 = tpu.memref_squeeze %dma_start3A_47 : memref<1x80x16xf32, #tpu.memory_space<vmem>> -> memref<80x16xf32, #tpu.memory_space<vmem>>
    %dma_start3A_49 = arith.constant 0 : i32
    %dma_start3A_50 = tpu.memref_slice %arg8[%dma_start3A_43, %dma_start3A_49] : memref<4x80xi32, #tpu.memory_space<vmem>> -> memref<1x80xi32, #tpu.memory_space<vmem>>
    %dma_start3A_51 = tpu.memref_squeeze %dma_start3A_50 : memref<1x80xi32, #tpu.memory_space<vmem>> -> memref<80xi32, #tpu.memory_space<vmem>>
    %dma_start3A_52 = arith.constant 0 : i32
    %dma_start3A_53 = arith.constant 0 : i32
    %dma_start3A_54 = tpu.memref_slice %arg13[%dma_start3A_52, %dma_start3A_53] : memref<10240x16xf32, #tpu.memory_space<vmem_shared>> -> memref<10240x16xf32, #tpu.memory_space<vmem_shared>>
    tpu.enqueue_indirect_dma source(%dma_start3A_54 : memref<10240x16xf32, #tpu.memory_space<vmem_shared>>) target(%dma_start3A_48 : memref<80x16xf32, #tpu.memory_space<vmem>>) offsets(%dma_start3A_51 : memref<80xi32, #tpu.memory_space<vmem>>) semaphore(%arg15 : memref<!tpu.dma_semaphore, #tpu.memory_space<semaphore_mem>>)
    %scan3A_55 = arith.constant 0 : i32
    %scan3A_56 = arith.constant 0 : i32
    %scan3A_57 = arith.constant 5 : i32
    %scan3A_58 = arith.addi %scan3A_56, %scan3A_57 : i32
    %scan3A_59 = arith.constant 1 : i32
    %scan3A_60 = scf.for %scan3A_98 = %scan3A_56 to %scan3A_58 step %scan3A_59 iter_args(%scan3A_99 = %scan3A_55) -> (i32)  : i32 {
      %mul3A_100 = arith.constant 16 : i32
      %mul3A_101 = arith.muli %scan3A_98, %mul3A_100 : i32
      %add3A_102 = arith.constant 160 : i32
      %add3A_103 = arith.addi %add3A_102, %mul3A_101 : i32
      %get3A = arith.index_cast %add3A_103 : i32 to index
      %get3A_104 = tpu.vector_load %arg6[%get3A] {strides = array<i32>} : memref<10000xi32, #tpu.memory_space<vmem>>, vector<16xi32>,
      %mul3A_105 = arith.constant 16 : i32
      %mul3A_106 = arith.muli %scan3A_98, %mul3A_105 : i32
      %swap3A = arith.constant 2 : i32
      %swap3A_107 = arith.index_cast %swap3A : i32 to index
      %swap3A_108 = arith.index_cast %mul3A_106 : i32 to index
      %swap3A_109 = tpu.vector_load %arg8[%swap3A_107, %swap3A_108] {strides = array<i32>} : memref<4x80xi32, #tpu.memory_space<vmem>>, vector<1x16xi32>,
      %swap3A_110 = vector.shape_cast %swap3A_109 : vector<1x16xi32> to vector<16xi32>
      %swap3A_111 = vector.shape_cast %get3A_104 : vector<16xi32> to vector<1x16xi32>
      tpu.vector_store %arg8[%swap3A_107, %swap3A_108], %swap3A_111 {strides = array<i32>} : memref<4x80xi32, #tpu.memory_space<vmem>>, vector<1x16xi32>,
      %mul3A_112 = arith.constant 16 : i32
      %mul3A_113 = arith.muli %scan3A_98, %mul3A_112 : i32
      %add3A_114 = arith.constant 160 : i32
      %add3A_115 = arith.addi %add3A_114, %mul3A_113 : i32
      %get3A_116 = arith.index_cast %add3A_115 : i32 to index
      %get3A_117 = tpu.vector_load %arg7[%get3A_116] {strides = array<i32>} : memref<10000xi32, #tpu.memory_space<vmem>>, vector<16xi32>,
      %mul3A_118 = arith.constant 16 : i32
      %mul3A_119 = arith.muli %scan3A_98, %mul3A_118 : i32
      %swap3A_120 = arith.constant 2 : i32
      %swap3A_121 = arith.index_cast %swap3A_120 : i32 to index
      %swap3A_122 = arith.index_cast %mul3A_119 : i32 to index
      %swap3A_123 = tpu.vector_load %arg9[%swap3A_121, %swap3A_122] {strides = array<i32>} : memref<4x80xi32, #tpu.memory_space<vmem>>, vector<1x16xi32>,
      %swap3A_124 = vector.shape_cast %swap3A_123 : vector<1x16xi32> to vector<16xi32>
      %swap3A_125 = vector.shape_cast %get3A_117 : vector<16xi32> to vector<1x16xi32>
      tpu.vector_store %arg9[%swap3A_121, %swap3A_122], %swap3A_125 {strides = array<i32>} : memref<4x80xi32, #tpu.memory_space<vmem>>, vector<1x16xi32>,
      %scan3A_126 = arith.constant 0 : i32
      scf.yield %scan3A_126 : i32
    }
    %scan3A_61 = arith.constant 5 : i32
    %dma_start3A_62 = arith.constant 2 : i32
    %dma_start3A_63 = arith.constant 2 : i32
    %dma_start3A_64 = arith.constant 0 : i32
    %dma_start3A_65 = arith.constant 0 : i32
    %dma_start3A_66 = tpu.memref_slice %arg10[%dma_start3A_63, %dma_start3A_64, %dma_start3A_65] : memref<4x80x16xf32, #tpu.memory_space<vmem>> -> memref<1x80x16xf32, #tpu.memory_space<vmem>>
    %dma_start3A_67 = tpu.memref_squeeze %dma_start3A_66 : memref<1x80x16xf32, #tpu.memory_space<vmem>> -> memref<80x16xf32, #tpu.memory_space<vmem>>
    %dma_start3A_68 = arith.constant 0 : i32
    %dma_start3A_69 = tpu.memref_slice %arg8[%dma_start3A_62, %dma_start3A_68] : memref<4x80xi32, #tpu.memory_space<vmem>> -> memref<1x80xi32, #tpu.memory_space<vmem>>
    %dma_start3A_70 = tpu.memref_squeeze %dma_start3A_69 : memref<1x80xi32, #tpu.memory_space<vmem>> -> memref<80xi32, #tpu.memory_space<vmem>>
    %dma_start3A_71 = arith.constant 0 : i32
    %dma_start3A_72 = arith.constant 0 : i32
    %dma_start3A_73 = tpu.memref_slice %arg13[%dma_start3A_71, %dma_start3A_72] : memref<10240x16xf32, #tpu.memory_space<vmem_shared>> -> memref<10240x16xf32, #tpu.memory_space<vmem_shared>>
    tpu.enqueue_indirect_dma source(%dma_start3A_73 : memref<10240x16xf32, #tpu.memory_space<vmem_shared>>) target(%dma_start3A_67 : memref<80x16xf32, #tpu.memory_space<vmem>>) offsets(%dma_start3A_70 : memref<80xi32, #tpu.memory_space<vmem>>) semaphore(%arg16 : memref<!tpu.dma_semaphore, #tpu.memory_space<semaphore_mem>>)
    %scan3A_74 = arith.constant 0 : i32
    %scan3A_75 = arith.constant 0 : i32
    %scan3A_76 = arith.constant 31 : i32
    %scan3A_77 = arith.addi %scan3A_75, %scan3A_76 : i32
    %scan3A_78 = arith.constant 1 : i32
    %scan3A_79 = scf.for %scan3A_98 = %scan3A_75 to %scan3A_77 step %scan3A_78 iter_args(%scan3A_99 = %scan3A_74) -> (i32)  : i32 {
      %mul3A_100 = arith.constant 4 : i32
      %mul3A_101 = arith.muli %scan3A_98, %mul3A_100 : i32
      %add3A_102 = arith.constant 0 : i32
      %add3A_103 = arith.addi %mul3A_101, %add3A_102 : i32
      %dma_wait3A_104 = arith.constant 0 : i32
      %dma_wait3A_105 = arith.constant 0 : i32
      %dma_wait3A_106 = arith.constant 0 : i32
      %dma_wait3A_107 = arith.constant 0 : i32
      %dma_wait3A_108 = tpu.memref_slice %arg10[%dma_wait3A_105, %dma_wait3A_106, %dma_wait3A_107] : memref<4x80x16xf32, #tpu.memory_space<vmem>> -> memref<1x80x16xf32, #tpu.memory_space<vmem>>
      %dma_wait3A_109 = tpu.memref_squeeze %dma_wait3A_108 : memref<1x80x16xf32, #tpu.memory_space<vmem>> -> memref<80x16xf32, #tpu.memory_space<vmem>>
      %dma_wait3A_110 = arith.constant 0 : i32
      %dma_wait3A_111 = tpu.memref_slice %arg8[%dma_wait3A_104, %dma_wait3A_110] : memref<4x80xi32, #tpu.memory_space<vmem>> -> memref<1x80xi32, #tpu.memory_space<vmem>>
      %dma_wait3A_112 = tpu.memref_squeeze %dma_wait3A_111 : memref<1x80xi32, #tpu.memory_space<vmem>> -> memref<80xi32, #tpu.memory_space<vmem>>
      %dma_wait3A_113 = arith.constant 0 : i32
      %dma_wait3A_114 = arith.constant 0 : i32
      %dma_wait3A_115 = tpu.memref_slice %arg13[%dma_wait3A_113, %dma_wait3A_114] : memref<10240x16xf32, #tpu.memory_space<vmem_shared>> -> memref<10240x16xf32, #tpu.memory_space<vmem_shared>>
      tpu.wait_indirect_dma semaphore(%arg14 : memref<!tpu.dma_semaphore, #tpu.memory_space<semaphore_mem>>) src(%dma_wait3A_115 : memref<10240x16xf32, #tpu.memory_space<vmem_shared>>) dst(%dma_wait3A_109 : memref<80x16xf32, #tpu.memory_space<vmem>>)
      %run_scoped3A_116 = arith.constant 0 : i32
      %run_scoped3A_117 = arith.constant 0 : i32
      "tpu.region"() ({
        %run_scoped3A_205 = tpu.sem_alloc : memref<!tpu.dma_semaphore, #tpu.memory_space<semaphore_mem>>
        %dma_start3A_206 = arith.constant 0 : i32
        %dma_start3A_207 = arith.constant 0 : i32
        %dma_start3A_208 = tpu.memref_slice %arg10[%run_scoped3A_116, %dma_start3A_206, %dma_start3A_207] : memref<4x80x16xf32, #tpu.memory_space<vmem>> -> memref<1x80x16xf32, #tpu.memory_space<vmem>>
        %dma_start3A_209 = tpu.memref_squeeze %dma_start3A_208 : memref<1x80x16xf32, #tpu.memory_space<vmem>> -> memref<80x16xf32, #tpu.memory_space<vmem>>
        %dma_start3A_210 = arith.constant 0 : i32
        %dma_start3A_211 = tpu.memref_slice %arg9[%run_scoped3A_117, %dma_start3A_210] : memref<4x80xi32, #tpu.memory_space<vmem>> -> memref<1x80xi32, #tpu.memory_space<vmem>>
        %dma_start3A_212 = tpu.memref_squeeze %dma_start3A_211 : memref<1x80xi32, #tpu.memory_space<vmem>> -> memref<80xi32, #tpu.memory_space<vmem>>
        %dma_start3A_213 = arith.constant 0 : i32
        %dma_start3A_214 = arith.constant 0 : i32
        %dma_start3A_215 = tpu.memref_slice %arg12[%dma_start3A_213, %dma_start3A_214] : memref<10240x16xf32, #tpu.memory_space<vmem_shared>> -> memref<10240x16xf32, #tpu.memory_space<vmem_shared>>
        tpu.enqueue_indirect_dma source(%dma_start3A_209 : memref<80x16xf32, #tpu.memory_space<vmem>>) target(%dma_start3A_215 : memref<10240x16xf32, #tpu.memory_space<vmem_shared>>) offsets(%dma_start3A_212 : memref<80xi32, #tpu.memory_space<vmem>>) semaphore(%run_scoped3A_205 : memref<!tpu.dma_semaphore, #tpu.memory_space<semaphore_mem>>) {add = true}
        %dma_wait3A_216 = arith.constant 0 : i32
        %dma_wait3A_217 = arith.constant 0 : i32
        %dma_wait3A_218 = tpu.memref_slice %arg10[%run_scoped3A_116, %dma_wait3A_216, %dma_wait3A_217] : memref<4x80x16xf32, #tpu.memory_space<vmem>> -> memref<1x80x16xf32, #tpu.memory_space<vmem>>
        %dma_wait3A_219 = tpu.memref_squeeze %dma_wait3A_218 : memref<1x80x16xf32, #tpu.memory_space<vmem>> -> memref<80x16xf32, #tpu.memory_space<vmem>>
        %dma_wait3A_220 = arith.constant 0 : i32
        %dma_wait3A_221 = tpu.memref_slice %arg9[%run_scoped3A_117, %dma_wait3A_220] : memref<4x80xi32, #tpu.memory_space<vmem>> -> memref<1x80xi32, #tpu.memory_space<vmem>>
        %dma_wait3A_222 = tpu.memref_squeeze %dma_wait3A_221 : memref<1x80xi32, #tpu.memory_space<vmem>> -> memref<80xi32, #tpu.memory_space<vmem>>
        %dma_wait3A_223 = arith.constant 0 : i32
        %dma_wait3A_224 = arith.constant 0 : i32
        %dma_wait3A_225 = tpu.memref_slice %arg12[%dma_wait3A_223, %dma_wait3A_224] : memref<10240x16xf32, #tpu.memory_space<vmem_shared>> -> memref<10240x16xf32, #tpu.memory_space<vmem_shared>>
        tpu.wait_indirect_dma semaphore(%run_scoped3A_205 : memref<!tpu.dma_semaphore, #tpu.memory_space<semaphore_mem>>) src(%dma_wait3A_219 : memref<80x16xf32, #tpu.memory_space<vmem>>) dst(%dma_wait3A_225 : memref<10240x16xf32, #tpu.memory_space<vmem_shared>>)
        tpu.yield
      }) : () -> ()
      %add3A_118 = arith.constant 4 : i32
      %add3A_119 = arith.addi %add3A_103, %add3A_118 : i32
      %sub3A = arith.constant 1 : i32
      %sub3A_120 = arith.subi %add3A_119, %sub3A : i32
      %lt3A = arith.constant 125 : i32
      %lt3A_121 = arith.cmpi slt, %sub3A_120, %lt3A : i32
      %convert_element_type3A = arith.extui %lt3A_121 : i1 to i32
      %cond3A = arith.constant 0 : i32
      %cond3A_122 = arith.cmpi ne, %convert_element_type3A, %cond3A : i32
      scf.if %cond3A_122 {
        %add3A_205 = arith.constant 4 : i32
        %add3A_206 = arith.addi %add3A_103, %add3A_205 : i32
        %sub3A_207 = arith.constant 1 : i32
        %sub3A_208 = arith.subi %add3A_206, %sub3A_207 : i32
        %scan3A_209 = arith.constant 0 : i32
        %scan3A_210 = arith.constant 0 : i32
        %scan3A_211 = arith.constant 5 : i32
        %scan3A_212 = arith.addi %scan3A_210, %scan3A_211 : i32
        %scan3A_213 = arith.constant 1 : i32
        %scan3A_214 = scf.for %scan3A_228 = %scan3A_210 to %scan3A_212 step %scan3A_213 iter_args(%scan3A_229 = %scan3A_209) -> (i32)  : i32 {
          %mul3A_230 = arith.constant 80 : i32
          %mul3A_231 = arith.muli %sub3A_208, %mul3A_230 : i32
          %mul3A_232 = arith.constant 16 : i32
          %mul3A_233 = arith.muli %scan3A_228, %mul3A_232 : i32
          %add3A_234 = arith.addi %mul3A_231, %mul3A_233 : i32
          %get3A = arith.index_cast %add3A_234 : i32 to index
          %get3A_235 = tpu.vector_load %arg6[%get3A] {strides = array<i32>} : memref<10000xi32, #tpu.memory_space<vmem>>, vector<16xi32>,
          %mul3A_236 = arith.constant 16 : i32
          %mul3A_237 = arith.muli %scan3A_228, %mul3A_236 : i32
          %swap3A = arith.constant 3 : i32
          %swap3A_238 = arith.index_cast %swap3A : i32 to index
          %swap3A_239 = arith.index_cast %mul3A_237 : i32 to index
          %swap3A_240 = tpu.vector_load %arg8[%swap3A_238, %swap3A_239] {strides = array<i32>} : memref<4x80xi32, #tpu.memory_space<vmem>>, vector<1x16xi32>,
          %swap3A_241 = vector.shape_cast %swap3A_240 : vector<1x16xi32> to vector<16xi32>
          %swap3A_242 = vector.shape_cast %get3A_235 : vector<16xi32> to vector<1x16xi32>
          tpu.vector_store %arg8[%swap3A_238, %swap3A_239], %swap3A_242 {strides = array<i32>} : memref<4x80xi32, #tpu.memory_space<vmem>>, vector<1x16xi32>,
          %mul3A_243 = arith.constant 80 : i32
          %mul3A_244 = arith.muli %sub3A_208, %mul3A_243 : i32
          %mul3A_245 = arith.constant 16 : i32
          %mul3A_246 = arith.muli %scan3A_228, %mul3A_245 : i32
          %add3A_247 = arith.addi %mul3A_244, %mul3A_246 : i32
          %get3A_248 = arith.index_cast %add3A_247 : i32 to index
          %get3A_249 = tpu.vector_load %arg7[%get3A_248] {strides = array<i32>} : memref<10000xi32, #tpu.memory_space<vmem>>, vector<16xi32>,
          %mul3A_250 = arith.constant 16 : i32
          %mul3A_251 = arith.muli %scan3A_228, %mul3A_250 : i32
          %swap3A_252 = arith.constant 3 : i32
          %swap3A_253 = arith.index_cast %swap3A_252 : i32 to index
          %swap3A_254 = arith.index_cast %mul3A_251 : i32 to index
          %swap3A_255 = tpu.vector_load %arg9[%swap3A_253, %swap3A_254] {strides = array<i32>} : memref<4x80xi32, #tpu.memory_space<vmem>>, vector<1x16xi32>,
          %swap3A_256 = vector.shape_cast %swap3A_255 : vector<1x16xi32> to vector<16xi32>
          %swap3A_257 = vector.shape_cast %get3A_249 : vector<16xi32> to vector<1x16xi32>
          tpu.vector_store %arg9[%swap3A_253, %swap3A_254], %swap3A_257 {strides = array<i32>} : memref<4x80xi32, #tpu.memory_space<vmem>>, vector<1x16xi32>,
          %scan3A_258 = arith.constant 0 : i32
          scf.yield %scan3A_258 : i32
        }
        %scan3A_215 = arith.constant 5 : i32
        %dma_start3A_216 = arith.constant 3 : i32
        %dma_start3A_217 = arith.constant 3 : i32
        %dma_start3A_218 = arith.constant 0 : i32
        %dma_start3A_219 = arith.constant 0 : i32
        %dma_start3A_220 = tpu.memref_slice %arg10[%dma_start3A_217, %dma_start3A_218, %dma_start3A_219] : memref<4x80x16xf32, #tpu.memory_space<vmem>> -> memref<1x80x16xf32, #tpu.memory_space<vmem>>
        %dma_start3A_221 = tpu.memref_squeeze %dma_start3A_220 : memref<1x80x16xf32, #tpu.memory_space<vmem>> -> memref<80x16xf32, #tpu.memory_space<vmem>>
        %dma_start3A_222 = arith.constant 0 : i32
        %dma_start3A_223 = tpu.memref_slice %arg8[%dma_start3A_216, %dma_start3A_222] : memref<4x80xi32, #tpu.memory_space<vmem>> -> memref<1x80xi32, #tpu.memory_space<vmem>>
        %dma_start3A_224 = tpu.memref_squeeze %dma_start3A_223 : memref<1x80xi32, #tpu.memory_space<vmem>> -> memref<80xi32, #tpu.memory_space<vmem>>
        %dma_start3A_225 = arith.constant 0 : i32
        %dma_start3A_226 = arith.constant 0 : i32
        %dma_start3A_227 = tpu.memref_slice %arg13[%dma_start3A_225, %dma_start3A_226] : memref<10240x16xf32, #tpu.memory_space<vmem_shared>> -> memref<10240x16xf32, #tpu.memory_space<vmem_shared>>
        tpu.enqueue_indirect_dma source(%dma_start3A_227 : memref<10240x16xf32, #tpu.memory_space<vmem_shared>>) target(%dma_start3A_221 : memref<80x16xf32, #tpu.memory_space<vmem>>) offsets(%dma_start3A_224 : memref<80xi32, #tpu.memory_space<vmem>>) semaphore(%arg17 : memref<!tpu.dma_semaphore, #tpu.memory_space<semaphore_mem>>)
      } else {
      }
      %mul3A_123 = arith.constant 4 : i32
      %mul3A_124 = arith.muli %scan3A_98, %mul3A_123 : i32
      %add3A_125 = arith.constant 1 : i32
      %add3A_126 = arith.addi %mul3A_124, %add3A_125 : i32
      %dma_wait3A_127 = arith.constant 1 : i32
      %dma_wait3A_128 = arith.constant 1 : i32
      %dma_wait3A_129 = arith.constant 0 : i32
      %dma_wait3A_130 = arith.constant 0 : i32
      %dma_wait3A_131 = tpu.memref_slice %arg10[%dma_wait3A_128, %dma_wait3A_129, %dma_wait3A_130] : memref<4x80x16xf32, #tpu.memory_space<vmem>> -> memref<1x80x16xf32, #tpu.memory_space<vmem>>
      %dma_wait3A_132 = tpu.memref_squeeze %dma_wait3A_131 : memref<1x80x16xf32, #tpu.memory_space<vmem>> -> memref<80x16xf32, #tpu.memory_space<vmem>>
      %dma_wait3A_133 = arith.constant 0 : i32
      %dma_wait3A_134 = tpu.memref_slice %arg8[%dma_wait3A_127, %dma_wait3A_133] : memref<4x80xi32, #tpu.memory_space<vmem>> -> memref<1x80xi32, #tpu.memory_space<vmem>>
      %dma_wait3A_135 = tpu.memref_squeeze %dma_wait3A_134 : memref<1x80xi32, #tpu.memory_space<vmem>> -> memref<80xi32, #tpu.memory_space<vmem>>
      %dma_wait3A_136 = arith.constant 0 : i32
      %dma_wait3A_137 = arith.constant 0 : i32
      %dma_wait3A_138 = tpu.memref_slice %arg13[%dma_wait3A_136, %dma_wait3A_137] : memref<10240x16xf32, #tpu.memory_space<vmem_shared>> -> memref<10240x16xf32, #tpu.memory_space<vmem_shared>>
      tpu.wait_indirect_dma semaphore(%arg15 : memref<!tpu.dma_semaphore, #tpu.memory_space<semaphore_mem>>) src(%dma_wait3A_138 : memref<10240x16xf32, #tpu.memory_space<vmem_shared>>) dst(%dma_wait3A_132 : memref<80x16xf32, #tpu.memory_space<vmem>>)
      %run_scoped3A_139 = arith.constant 1 : i32
      %run_scoped3A_140 = arith.constant 1 : i32
      "tpu.region"() ({
        %run_scoped3A_205 = tpu.sem_alloc : memref<!tpu.dma_semaphore, #tpu.memory_space<semaphore_mem>>
        %dma_start3A_206 = arith.constant 0 : i32
        %dma_start3A_207 = arith.constant 0 : i32
        %dma_start3A_208 = tpu.memref_slice %arg10[%run_scoped3A_139, %dma_start3A_206, %dma_start3A_207] : memref<4x80x16xf32, #tpu.memory_space<vmem>> -> memref<1x80x16xf32, #tpu.memory_space<vmem>>
        %dma_start3A_209 = tpu.memref_squeeze %dma_start3A_208 : memref<1x80x16xf32, #tpu.memory_space<vmem>> -> memref<80x16xf32, #tpu.memory_space<vmem>>
        %dma_start3A_210 = arith.constant 0 : i32
        %dma_start3A_211 = tpu.memref_slice %arg9[%run_scoped3A_140, %dma_start3A_210] : memref<4x80xi32, #tpu.memory_space<vmem>> -> memref<1x80xi32, #tpu.memory_space<vmem>>
        %dma_start3A_212 = tpu.memref_squeeze %dma_start3A_211 : memref<1x80xi32, #tpu.memory_space<vmem>> -> memref<80xi32, #tpu.memory_space<vmem>>
        %dma_start3A_213 = arith.constant 0 : i32
        %dma_start3A_214 = arith.constant 0 : i32
        %dma_start3A_215 = tpu.memref_slice %arg12[%dma_start3A_213, %dma_start3A_214] : memref<10240x16xf32, #tpu.memory_space<vmem_shared>> -> memref<10240x16xf32, #tpu.memory_space<vmem_shared>>
        tpu.enqueue_indirect_dma source(%dma_start3A_209 : memref<80x16xf32, #tpu.memory_space<vmem>>) target(%dma_start3A_215 : memref<10240x16xf32, #tpu.memory_space<vmem_shared>>) offsets(%dma_start3A_212 : memref<80xi32, #tpu.memory_space<vmem>>) semaphore(%run_scoped3A_205 : memref<!tpu.dma_semaphore, #tpu.memory_space<semaphore_mem>>) {add = true}
        %dma_wait3A_216 = arith.constant 0 : i32
        %dma_wait3A_217 = arith.constant 0 : i32
        %dma_wait3A_218 = tpu.memref_slice %arg10[%run_scoped3A_139, %dma_wait3A_216, %dma_wait3A_217] : memref<4x80x16xf32, #tpu.memory_space<vmem>> -> memref<1x80x16xf32, #tpu.memory_space<vmem>>
        %dma_wait3A_219 = tpu.memref_squeeze %dma_wait3A_218 : memref<1x80x16xf32, #tpu.memory_space<vmem>> -> memref<80x16xf32, #tpu.memory_space<vmem>>
        %dma_wait3A_220 = arith.constant 0 : i32
        %dma_wait3A_221 = tpu.memref_slice %arg9[%run_scoped3A_140, %dma_wait3A_220] : memref<4x80xi32, #tpu.memory_space<vmem>> -> memref<1x80xi32, #tpu.memory_space<vmem>>
        %dma_wait3A_222 = tpu.memref_squeeze %dma_wait3A_221 : memref<1x80xi32, #tpu.memory_space<vmem>> -> memref<80xi32, #tpu.memory_space<vmem>>
        %dma_wait3A_223 = arith.constant 0 : i32
        %dma_wait3A_224 = arith.constant 0 : i32
        %dma_wait3A_225 = tpu.memref_slice %arg12[%dma_wait3A_223, %dma_wait3A_224] : memref<10240x16xf32, #tpu.memory_space<vmem_shared>> -> memref<10240x16xf32, #tpu.memory_space<vmem_shared>>
        tpu.wait_indirect_dma semaphore(%run_scoped3A_205 : memref<!tpu.dma_semaphore, #tpu.memory_space<semaphore_mem>>) src(%dma_wait3A_219 : memref<80x16xf32, #tpu.memory_space<vmem>>) dst(%dma_wait3A_225 : memref<10240x16xf32, #tpu.memory_space<vmem_shared>>)
        tpu.yield
      }) : () -> ()
      %add3A_141 = arith.constant 4 : i32
      %add3A_142 = arith.addi %add3A_126, %add3A_141 : i32
      %sub3A_143 = arith.constant 1 : i32
      %sub3A_144 = arith.subi %add3A_142, %sub3A_143 : i32
      %lt3A_145 = arith.constant 125 : i32
      %lt3A_146 = arith.cmpi slt, %sub3A_144, %lt3A_145 : i32
      %convert_element_type3A_147 = arith.extui %lt3A_146 : i1 to i32
      %cond3A_148 = arith.constant 0 : i32
      %cond3A_149 = arith.cmpi ne, %convert_element_type3A_147, %cond3A_148 : i32
      scf.if %cond3A_149 {
        %add3A_205 = arith.constant 4 : i32
        %add3A_206 = arith.addi %add3A_126, %add3A_205 : i32
        %sub3A_207 = arith.constant 1 : i32
        %sub3A_208 = arith.subi %add3A_206, %sub3A_207 : i32
        %scan3A_209 = arith.constant 0 : i32
        %scan3A_210 = arith.constant 0 : i32
        %scan3A_211 = arith.constant 5 : i32
        %scan3A_212 = arith.addi %scan3A_210, %scan3A_211 : i32
        %scan3A_213 = arith.constant 1 : i32
        %scan3A_214 = scf.for %scan3A_228 = %scan3A_210 to %scan3A_212 step %scan3A_213 iter_args(%scan3A_229 = %scan3A_209) -> (i32)  : i32 {
          %mul3A_230 = arith.constant 80 : i32
          %mul3A_231 = arith.muli %sub3A_208, %mul3A_230 : i32
          %mul3A_232 = arith.constant 16 : i32
          %mul3A_233 = arith.muli %scan3A_228, %mul3A_232 : i32
          %add3A_234 = arith.addi %mul3A_231, %mul3A_233 : i32
          %get3A = arith.index_cast %add3A_234 : i32 to index
          %get3A_235 = tpu.vector_load %arg6[%get3A] {strides = array<i32>} : memref<10000xi32, #tpu.memory_space<vmem>>, vector<16xi32>,
          %mul3A_236 = arith.constant 16 : i32
          %mul3A_237 = arith.muli %scan3A_228, %mul3A_236 : i32
          %swap3A = arith.constant 0 : i32
          %swap3A_238 = arith.index_cast %swap3A : i32 to index
          %swap3A_239 = arith.index_cast %mul3A_237 : i32 to index
          %swap3A_240 = tpu.vector_load %arg8[%swap3A_238, %swap3A_239] {strides = array<i32>} : memref<4x80xi32, #tpu.memory_space<vmem>>, vector<1x16xi32>,
          %swap3A_241 = vector.shape_cast %swap3A_240 : vector<1x16xi32> to vector<16xi32>
          %swap3A_242 = vector.shape_cast %get3A_235 : vector<16xi32> to vector<1x16xi32>
          tpu.vector_store %arg8[%swap3A_238, %swap3A_239], %swap3A_242 {strides = array<i32>} : memref<4x80xi32, #tpu.memory_space<vmem>>, vector<1x16xi32>,
          %mul3A_243 = arith.constant 80 : i32
          %mul3A_244 = arith.muli %sub3A_208, %mul3A_243 : i32
          %mul3A_245 = arith.constant 16 : i32
          %mul3A_246 = arith.muli %scan3A_228, %mul3A_245 : i32
          %add3A_247 = arith.addi %mul3A_244, %mul3A_246 : i32
          %get3A_248 = arith.index_cast %add3A_247 : i32 to index
          %get3A_249 = tpu.vector_load %arg7[%get3A_248] {strides = array<i32>} : memref<10000xi32, #tpu.memory_space<vmem>>, vector<16xi32>,
          %mul3A_250 = arith.constant 16 : i32
          %mul3A_251 = arith.muli %scan3A_228, %mul3A_250 : i32
          %swap3A_252 = arith.constant 0 : i32
          %swap3A_253 = arith.index_cast %swap3A_252 : i32 to index
          %swap3A_254 = arith.index_cast %mul3A_251 : i32 to index
          %swap3A_255 = tpu.vector_load %arg9[%swap3A_253, %swap3A_254] {strides = array<i32>} : memref<4x80xi32, #tpu.memory_space<vmem>>, vector<1x16xi32>,
          %swap3A_256 = vector.shape_cast %swap3A_255 : vector<1x16xi32> to vector<16xi32>
          %swap3A_257 = vector.shape_cast %get3A_249 : vector<16xi32> to vector<1x16xi32>
          tpu.vector_store %arg9[%swap3A_253, %swap3A_254], %swap3A_257 {strides = array<i32>} : memref<4x80xi32, #tpu.memory_space<vmem>>, vector<1x16xi32>,
          %scan3A_258 = arith.constant 0 : i32
          scf.yield %scan3A_258 : i32
        }
        %scan3A_215 = arith.constant 5 : i32
        %dma_start3A_216 = arith.constant 0 : i32
        %dma_start3A_217 = arith.constant 0 : i32
        %dma_start3A_218 = arith.constant 0 : i32
        %dma_start3A_219 = arith.constant 0 : i32
        %dma_start3A_220 = tpu.memref_slice %arg10[%dma_start3A_217, %dma_start3A_218, %dma_start3A_219] : memref<4x80x16xf32, #tpu.memory_space<vmem>> -> memref<1x80x16xf32, #tpu.memory_space<vmem>>
        %dma_start3A_221 = tpu.memref_squeeze %dma_start3A_220 : memref<1x80x16xf32, #tpu.memory_space<vmem>> -> memref<80x16xf32, #tpu.memory_space<vmem>>
        %dma_start3A_222 = arith.constant 0 : i32
        %dma_start3A_223 = tpu.memref_slice %arg8[%dma_start3A_216, %dma_start3A_222] : memref<4x80xi32, #tpu.memory_space<vmem>> -> memref<1x80xi32, #tpu.memory_space<vmem>>
        %dma_start3A_224 = tpu.memref_squeeze %dma_start3A_223 : memref<1x80xi32, #tpu.memory_space<vmem>> -> memref<80xi32, #tpu.memory_space<vmem>>
        %dma_start3A_225 = arith.constant 0 : i32
        %dma_start3A_226 = arith.constant 0 : i32
        %dma_start3A_227 = tpu.memref_slice %arg13[%dma_start3A_225, %dma_start3A_226] : memref<10240x16xf32, #tpu.memory_space<vmem_shared>> -> memref<10240x16xf32, #tpu.memory_space<vmem_shared>>
        tpu.enqueue_indirect_dma source(%dma_start3A_227 : memref<10240x16xf32, #tpu.memory_space<vmem_shared>>) target(%dma_start3A_221 : memref<80x16xf32, #tpu.memory_space<vmem>>) offsets(%dma_start3A_224 : memref<80xi32, #tpu.memory_space<vmem>>) semaphore(%arg14 : memref<!tpu.dma_semaphore, #tpu.memory_space<semaphore_mem>>)
      } else {
      }
      %mul3A_150 = arith.constant 4 : i32
      %mul3A_151 = arith.muli %scan3A_98, %mul3A_150 : i32
      %add3A_152 = arith.constant 2 : i32
      %add3A_153 = arith.addi %mul3A_151, %add3A_152 : i32
      %dma_wait3A_154 = arith.constant 2 : i32
      %dma_wait3A_155 = arith.constant 2 : i32
      %dma_wait3A_156 = arith.constant 0 : i32
      %dma_wait3A_157 = arith.constant 0 : i32
      %dma_wait3A_158 = tpu.memref_slice %arg10[%dma_wait3A_155, %dma_wait3A_156, %dma_wait3A_157] : memref<4x80x16xf32, #tpu.memory_space<vmem>> -> memref<1x80x16xf32, #tpu.memory_space<vmem>>
      %dma_wait3A_159 = tpu.memref_squeeze %dma_wait3A_158 : memref<1x80x16xf32, #tpu.memory_space<vmem>> -> memref<80x16xf32, #tpu.memory_space<vmem>>
      %dma_wait3A_160 = arith.constant 0 : i32
      %dma_wait3A_161 = tpu.memref_slice %arg8[%dma_wait3A_154, %dma_wait3A_160] : memref<4x80xi32, #tpu.memory_space<vmem>> -> memref<1x80xi32, #tpu.memory_space<vmem>>
      %dma_wait3A_162 = tpu.memref_squeeze %dma_wait3A_161 : memref<1x80xi32, #tpu.memory_space<vmem>> -> memref<80xi32, #tpu.memory_space<vmem>>
      %dma_wait3A_163 = arith.constant 0 : i32
      %dma_wait3A_164 = arith.constant 0 : i32
      %dma_wait3A_165 = tpu.memref_slice %arg13[%dma_wait3A_163, %dma_wait3A_164] : memref<10240x16xf32, #tpu.memory_space<vmem_shared>> -> memref<10240x16xf32, #tpu.memory_space<vmem_shared>>
      tpu.wait_indirect_dma semaphore(%arg16 : memref<!tpu.dma_semaphore, #tpu.memory_space<semaphore_mem>>) src(%dma_wait3A_165 : memref<10240x16xf32, #tpu.memory_space<vmem_shared>>) dst(%dma_wait3A_159 : memref<80x16xf32, #tpu.memory_space<vmem>>)
      %run_scoped3A_166 = arith.constant 2 : i32
      %run_scoped3A_167 = arith.constant 2 : i32
      "tpu.region"() ({
        %run_scoped3A_205 = tpu.sem_alloc : memref<!tpu.dma_semaphore, #tpu.memory_space<semaphore_mem>>
        %dma_start3A_206 = arith.constant 0 : i32
        %dma_start3A_207 = arith.constant 0 : i32
        %dma_start3A_208 = tpu.memref_slice %arg10[%run_scoped3A_166, %dma_start3A_206, %dma_start3A_207] : memref<4x80x16xf32, #tpu.memory_space<vmem>> -> memref<1x80x16xf32, #tpu.memory_space<vmem>>
        %dma_start3A_209 = tpu.memref_squeeze %dma_start3A_208 : memref<1x80x16xf32, #tpu.memory_space<vmem>> -> memref<80x16xf32, #tpu.memory_space<vmem>>
        %dma_start3A_210 = arith.constant 0 : i32
        %dma_start3A_211 = tpu.memref_slice %arg9[%run_scoped3A_167, %dma_start3A_210] : memref<4x80xi32, #tpu.memory_space<vmem>> -> memref<1x80xi32, #tpu.memory_space<vmem>>
        %dma_start3A_212 = tpu.memref_squeeze %dma_start3A_211 : memref<1x80xi32, #tpu.memory_space<vmem>> -> memref<80xi32, #tpu.memory_space<vmem>>
        %dma_start3A_213 = arith.constant 0 : i32
        %dma_start3A_214 = arith.constant 0 : i32
        %dma_start3A_215 = tpu.memref_slice %arg12[%dma_start3A_213, %dma_start3A_214] : memref<10240x16xf32, #tpu.memory_space<vmem_shared>> -> memref<10240x16xf32, #tpu.memory_space<vmem_shared>>
        tpu.enqueue_indirect_dma source(%dma_start3A_209 : memref<80x16xf32, #tpu.memory_space<vmem>>) target(%dma_start3A_215 : memref<10240x16xf32, #tpu.memory_space<vmem_shared>>) offsets(%dma_start3A_212 : memref<80xi32, #tpu.memory_space<vmem>>) semaphore(%run_scoped3A_205 : memref<!tpu.dma_semaphore, #tpu.memory_space<semaphore_mem>>) {add = true}
        %dma_wait3A_216 = arith.constant 0 : i32
        %dma_wait3A_217 = arith.constant 0 : i32
        %dma_wait3A_218 = tpu.memref_slice %arg10[%run_scoped3A_166, %dma_wait3A_216, %dma_wait3A_217] : memref<4x80x16xf32, #tpu.memory_space<vmem>> -> memref<1x80x16xf32, #tpu.memory_space<vmem>>
        %dma_wait3A_219 = tpu.memref_squeeze %dma_wait3A_218 : memref<1x80x16xf32, #tpu.memory_space<vmem>> -> memref<80x16xf32, #tpu.memory_space<vmem>>
        %dma_wait3A_220 = arith.constant 0 : i32
        %dma_wait3A_221 = tpu.memref_slice %arg9[%run_scoped3A_167, %dma_wait3A_220] : memref<4x80xi32, #tpu.memory_space<vmem>> -> memref<1x80xi32, #tpu.memory_space<vmem>>
        %dma_wait3A_222 = tpu.memref_squeeze %dma_wait3A_221 : memref<1x80xi32, #tpu.memory_space<vmem>> -> memref<80xi32, #tpu.memory_space<vmem>>
        %dma_wait3A_223 = arith.constant 0 : i32
        %dma_wait3A_224 = arith.constant 0 : i32
        %dma_wait3A_225 = tpu.memref_slice %arg12[%dma_wait3A_223, %dma_wait3A_224] : memref<10240x16xf32, #tpu.memory_space<vmem_shared>> -> memref<10240x16xf32, #tpu.memory_space<vmem_shared>>
        tpu.wait_indirect_dma semaphore(%run_scoped3A_205 : memref<!tpu.dma_semaphore, #tpu.memory_space<semaphore_mem>>) src(%dma_wait3A_219 : memref<80x16xf32, #tpu.memory_space<vmem>>) dst(%dma_wait3A_225 : memref<10240x16xf32, #tpu.memory_space<vmem_shared>>)
        tpu.yield
      }) : () -> ()
      %add3A_168 = arith.constant 4 : i32
      %add3A_169 = arith.addi %add3A_153, %add3A_168 : i32
      %sub3A_170 = arith.constant 1 : i32
      %sub3A_171 = arith.subi %add3A_169, %sub3A_170 : i32
      %lt3A_172 = arith.constant 125 : i32
      %lt3A_173 = arith.cmpi slt, %sub3A_171, %lt3A_172 : i32
      %convert_element_type3A_174 = arith.extui %lt3A_173 : i1 to i32
      %cond3A_175 = arith.constant 0 : i32
      %cond3A_176 = arith.cmpi ne, %convert_element_type3A_174, %cond3A_175 : i32
      scf.if %cond3A_176 {
        %add3A_205 = arith.constant 4 : i32
        %add3A_206 = arith.addi %add3A_153, %add3A_205 : i32
        %sub3A_207 = arith.constant 1 : i32
        %sub3A_208 = arith.subi %add3A_206, %sub3A_207 : i32
        %scan3A_209 = arith.constant 0 : i32
        %scan3A_210 = arith.constant 0 : i32
        %scan3A_211 = arith.constant 5 : i32
        %scan3A_212 = arith.addi %scan3A_210, %scan3A_211 : i32
        %scan3A_213 = arith.constant 1 : i32
        %scan3A_214 = scf.for %scan3A_228 = %scan3A_210 to %scan3A_212 step %scan3A_213 iter_args(%scan3A_229 = %scan3A_209) -> (i32)  : i32 {
          %mul3A_230 = arith.constant 80 : i32
          %mul3A_231 = arith.muli %sub3A_208, %mul3A_230 : i32
          %mul3A_232 = arith.constant 16 : i32
          %mul3A_233 = arith.muli %scan3A_228, %mul3A_232 : i32
          %add3A_234 = arith.addi %mul3A_231, %mul3A_233 : i32
          %get3A = arith.index_cast %add3A_234 : i32 to index
          %get3A_235 = tpu.vector_load %arg6[%get3A] {strides = array<i32>} : memref<10000xi32, #tpu.memory_space<vmem>>, vector<16xi32>,
          %mul3A_236 = arith.constant 16 : i32
          %mul3A_237 = arith.muli %scan3A_228, %mul3A_236 : i32
          %swap3A = arith.constant 1 : i32
          %swap3A_238 = arith.index_cast %swap3A : i32 to index
          %swap3A_239 = arith.index_cast %mul3A_237 : i32 to index
          %swap3A_240 = tpu.vector_load %arg8[%swap3A_238, %swap3A_239] {strides = array<i32>} : memref<4x80xi32, #tpu.memory_space<vmem>>, vector<1x16xi32>,
          %swap3A_241 = vector.shape_cast %swap3A_240 : vector<1x16xi32> to vector<16xi32>
          %swap3A_242 = vector.shape_cast %get3A_235 : vector<16xi32> to vector<1x16xi32>
          tpu.vector_store %arg8[%swap3A_238, %swap3A_239], %swap3A_242 {strides = array<i32>} : memref<4x80xi32, #tpu.memory_space<vmem>>, vector<1x16xi32>,
          %mul3A_243 = arith.constant 80 : i32
          %mul3A_244 = arith.muli %sub3A_208, %mul3A_243 : i32
          %mul3A_245 = arith.constant 16 : i32
          %mul3A_246 = arith.muli %scan3A_228, %mul3A_245 : i32
          %add3A_247 = arith.addi %mul3A_244, %mul3A_246 : i32
          %get3A_248 = arith.index_cast %add3A_247 : i32 to index
          %get3A_249 = tpu.vector_load %arg7[%get3A_248] {strides = array<i32>} : memref<10000xi32, #tpu.memory_space<vmem>>, vector<16xi32>,
          %mul3A_250 = arith.constant 16 : i32
          %mul3A_251 = arith.muli %scan3A_228, %mul3A_250 : i32
          %swap3A_252 = arith.constant 1 : i32
          %swap3A_253 = arith.index_cast %swap3A_252 : i32 to index
          %swap3A_254 = arith.index_cast %mul3A_251 : i32 to index
          %swap3A_255 = tpu.vector_load %arg9[%swap3A_253, %swap3A_254] {strides = array<i32>} : memref<4x80xi32, #tpu.memory_space<vmem>>, vector<1x16xi32>,
          %swap3A_256 = vector.shape_cast %swap3A_255 : vector<1x16xi32> to vector<16xi32>
          %swap3A_257 = vector.shape_cast %get3A_249 : vector<16xi32> to vector<1x16xi32>
          tpu.vector_store %arg9[%swap3A_253, %swap3A_254], %swap3A_257 {strides = array<i32>} : memref<4x80xi32, #tpu.memory_space<vmem>>, vector<1x16xi32>,
          %scan3A_258 = arith.constant 0 : i32
          scf.yield %scan3A_258 : i32
        }
        %scan3A_215 = arith.constant 5 : i32
        %dma_start3A_216 = arith.constant 1 : i32
        %dma_start3A_217 = arith.constant 1 : i32
        %dma_start3A_218 = arith.constant 0 : i32
        %dma_start3A_219 = arith.constant 0 : i32
        %dma_start3A_220 = tpu.memref_slice %arg10[%dma_start3A_217, %dma_start3A_218, %dma_start3A_219] : memref<4x80x16xf32, #tpu.memory_space<vmem>> -> memref<1x80x16xf32, #tpu.memory_space<vmem>>
        %dma_start3A_221 = tpu.memref_squeeze %dma_start3A_220 : memref<1x80x16xf32, #tpu.memory_space<vmem>> -> memref<80x16xf32, #tpu.memory_space<vmem>>
        %dma_start3A_222 = arith.constant 0 : i32
        %dma_start3A_223 = tpu.memref_slice %arg8[%dma_start3A_216, %dma_start3A_222] : memref<4x80xi32, #tpu.memory_space<vmem>> -> memref<1x80xi32, #tpu.memory_space<vmem>>
        %dma_start3A_224 = tpu.memref_squeeze %dma_start3A_223 : memref<1x80xi32, #tpu.memory_space<vmem>> -> memref<80xi32, #tpu.memory_space<vmem>>
        %dma_start3A_225 = arith.constant 0 : i32
        %dma_start3A_226 = arith.constant 0 : i32
        %dma_start3A_227 = tpu.memref_slice %arg13[%dma_start3A_225, %dma_start3A_226] : memref<10240x16xf32, #tpu.memory_space<vmem_shared>> -> memref<10240x16xf32, #tpu.memory_space<vmem_shared>>
        tpu.enqueue_indirect_dma source(%dma_start3A_227 : memref<10240x16xf32, #tpu.memory_space<vmem_shared>>) target(%dma_start3A_221 : memref<80x16xf32, #tpu.memory_space<vmem>>) offsets(%dma_start3A_224 : memref<80xi32, #tpu.memory_space<vmem>>) semaphore(%arg15 : memref<!tpu.dma_semaphore, #tpu.memory_space<semaphore_mem>>)
      } else {
      }
      %mul3A_177 = arith.constant 4 : i32
      %mul3A_178 = arith.muli %scan3A_98, %mul3A_177 : i32
      %add3A_179 = arith.constant 3 : i32
      %add3A_180 = arith.addi %mul3A_178, %add3A_179 : i32
      %dma_wait3A_181 = arith.constant 3 : i32
      %dma_wait3A_182 = arith.constant 3 : i32
      %dma_wait3A_183 = arith.constant 0 : i32
      %dma_wait3A_184 = arith.constant 0 : i32
      %dma_wait3A_185 = tpu.memref_slice %arg10[%dma_wait3A_182, %dma_wait3A_183, %dma_wait3A_184] : memref<4x80x16xf32, #tpu.memory_space<vmem>> -> memref<1x80x16xf32, #tpu.memory_space<vmem>>
      %dma_wait3A_186 = tpu.memref_squeeze %dma_wait3A_185 : memref<1x80x16xf32, #tpu.memory_space<vmem>> -> memref<80x16xf32, #tpu.memory_space<vmem>>
      %dma_wait3A_187 = arith.constant 0 : i32
      %dma_wait3A_188 = tpu.memref_slice %arg8[%dma_wait3A_181, %dma_wait3A_187] : memref<4x80xi32, #tpu.memory_space<vmem>> -> memref<1x80xi32, #tpu.memory_space<vmem>>
      %dma_wait3A_189 = tpu.memref_squeeze %dma_wait3A_188 : memref<1x80xi32, #tpu.memory_space<vmem>> -> memref<80xi32, #tpu.memory_space<vmem>>
      %dma_wait3A_190 = arith.constant 0 : i32
      %dma_wait3A_191 = arith.constant 0 : i32
      %dma_wait3A_192 = tpu.memref_slice %arg13[%dma_wait3A_190, %dma_wait3A_191] : memref<10240x16xf32, #tpu.memory_space<vmem_shared>> -> memref<10240x16xf32, #tpu.memory_space<vmem_shared>>
      tpu.wait_indirect_dma semaphore(%arg17 : memref<!tpu.dma_semaphore, #tpu.memory_space<semaphore_mem>>) src(%dma_wait3A_192 : memref<10240x16xf32, #tpu.memory_space<vmem_shared>>) dst(%dma_wait3A_186 : memref<80x16xf32, #tpu.memory_space<vmem>>)
      %run_scoped3A_193 = arith.constant 3 : i32
      %run_scoped3A_194 = arith.constant 3 : i32
      "tpu.region"() ({
        %run_scoped3A_205 = tpu.sem_alloc : memref<!tpu.dma_semaphore, #tpu.memory_space<semaphore_mem>>
        %dma_start3A_206 = arith.constant 0 : i32
        %dma_start3A_207 = arith.constant 0 : i32
        %dma_start3A_208 = tpu.memref_slice %arg10[%run_scoped3A_193, %dma_start3A_206, %dma_start3A_207] : memref<4x80x16xf32, #tpu.memory_space<vmem>> -> memref<1x80x16xf32, #tpu.memory_space<vmem>>
        %dma_start3A_209 = tpu.memref_squeeze %dma_start3A_208 : memref<1x80x16xf32, #tpu.memory_space<vmem>> -> memref<80x16xf32, #tpu.memory_space<vmem>>
        %dma_start3A_210 = arith.constant 0 : i32
        %dma_start3A_211 = tpu.memref_slice %arg9[%run_scoped3A_194, %dma_start3A_210] : memref<4x80xi32, #tpu.memory_space<vmem>> -> memref<1x80xi32, #tpu.memory_space<vmem>>
        %dma_start3A_212 = tpu.memref_squeeze %dma_start3A_211 : memref<1x80xi32, #tpu.memory_space<vmem>> -> memref<80xi32, #tpu.memory_space<vmem>>
        %dma_start3A_213 = arith.constant 0 : i32
        %dma_start3A_214 = arith.constant 0 : i32
        %dma_start3A_215 = tpu.memref_slice %arg12[%dma_start3A_213, %dma_start3A_214] : memref<10240x16xf32, #tpu.memory_space<vmem_shared>> -> memref<10240x16xf32, #tpu.memory_space<vmem_shared>>
        tpu.enqueue_indirect_dma source(%dma_start3A_209 : memref<80x16xf32, #tpu.memory_space<vmem>>) target(%dma_start3A_215 : memref<10240x16xf32, #tpu.memory_space<vmem_shared>>) offsets(%dma_start3A_212 : memref<80xi32, #tpu.memory_space<vmem>>) semaphore(%run_scoped3A_205 : memref<!tpu.dma_semaphore, #tpu.memory_space<semaphore_mem>>) {add = true}
        %dma_wait3A_216 = arith.constant 0 : i32
        %dma_wait3A_217 = arith.constant 0 : i32
        %dma_wait3A_218 = tpu.memref_slice %arg10[%run_scoped3A_193, %dma_wait3A_216, %dma_wait3A_217] : memref<4x80x16xf32, #tpu.memory_space<vmem>> -> memref<1x80x16xf32, #tpu.memory_space<vmem>>
        %dma_wait3A_219 = tpu.memref_squeeze %dma_wait3A_218 : memref<1x80x16xf32, #tpu.memory_space<vmem>> -> memref<80x16xf32, #tpu.memory_space<vmem>>
        %dma_wait3A_220 = arith.constant 0 : i32
        %dma_wait3A_221 = tpu.memref_slice %arg9[%run_scoped3A_194, %dma_wait3A_220] : memref<4x80xi32, #tpu.memory_space<vmem>> -> memref<1x80xi32, #tpu.memory_space<vmem>>
        %dma_wait3A_222 = tpu.memref_squeeze %dma_wait3A_221 : memref<1x80xi32, #tpu.memory_space<vmem>> -> memref<80xi32, #tpu.memory_space<vmem>>
        %dma_wait3A_223 = arith.constant 0 : i32
        %dma_wait3A_224 = arith.constant 0 : i32
        %dma_wait3A_225 = tpu.memref_slice %arg12[%dma_wait3A_223, %dma_wait3A_224] : memref<10240x16xf32, #tpu.memory_space<vmem_shared>> -> memref<10240x16xf32, #tpu.memory_space<vmem_shared>>
        tpu.wait_indirect_dma semaphore(%run_scoped3A_205 : memref<!tpu.dma_semaphore, #tpu.memory_space<semaphore_mem>>) src(%dma_wait3A_219 : memref<80x16xf32, #tpu.memory_space<vmem>>) dst(%dma_wait3A_225 : memref<10240x16xf32, #tpu.memory_space<vmem_shared>>)
        tpu.yield
      }) : () -> ()
      %add3A_195 = arith.constant 4 : i32
      %add3A_196 = arith.addi %add3A_180, %add3A_195 : i32
      %sub3A_197 = arith.constant 1 : i32
      %sub3A_198 = arith.subi %add3A_196, %sub3A_197 : i32
      %lt3A_199 = arith.constant 125 : i32
      %lt3A_200 = arith.cmpi slt, %sub3A_198, %lt3A_199 : i32
      %convert_element_type3A_201 = arith.extui %lt3A_200 : i1 to i32
      %cond3A_202 = arith.constant 0 : i32
      %cond3A_203 = arith.cmpi ne, %convert_element_type3A_201, %cond3A_202 : i32
      scf.if %cond3A_203 {
        %add3A_205 = arith.constant 4 : i32
        %add3A_206 = arith.addi %add3A_180, %add3A_205 : i32
        %sub3A_207 = arith.constant 1 : i32
        %sub3A_208 = arith.subi %add3A_206, %sub3A_207 : i32
        %scan3A_209 = arith.constant 0 : i32
        %scan3A_210 = arith.constant 0 : i32
        %scan3A_211 = arith.constant 5 : i32
        %scan3A_212 = arith.addi %scan3A_210, %scan3A_211 : i32
        %scan3A_213 = arith.constant 1 : i32
        %scan3A_214 = scf.for %scan3A_228 = %scan3A_210 to %scan3A_212 step %scan3A_213 iter_args(%scan3A_229 = %scan3A_209) -> (i32)  : i32 {
          %mul3A_230 = arith.constant 80 : i32
          %mul3A_231 = arith.muli %sub3A_208, %mul3A_230 : i32
          %mul3A_232 = arith.constant 16 : i32
          %mul3A_233 = arith.muli %scan3A_228, %mul3A_232 : i32
          %add3A_234 = arith.addi %mul3A_231, %mul3A_233 : i32
          %get3A = arith.index_cast %add3A_234 : i32 to index
          %get3A_235 = tpu.vector_load %arg6[%get3A] {strides = array<i32>} : memref<10000xi32, #tpu.memory_space<vmem>>, vector<16xi32>,
          %mul3A_236 = arith.constant 16 : i32
          %mul3A_237 = arith.muli %scan3A_228, %mul3A_236 : i32
          %swap3A = arith.constant 2 : i32
          %swap3A_238 = arith.index_cast %swap3A : i32 to index
          %swap3A_239 = arith.index_cast %mul3A_237 : i32 to index
          %swap3A_240 = tpu.vector_load %arg8[%swap3A_238, %swap3A_239] {strides = array<i32>} : memref<4x80xi32, #tpu.memory_space<vmem>>, vector<1x16xi32>,
          %swap3A_241 = vector.shape_cast %swap3A_240 : vector<1x16xi32> to vector<16xi32>
          %swap3A_242 = vector.shape_cast %get3A_235 : vector<16xi32> to vector<1x16xi32>
          tpu.vector_store %arg8[%swap3A_238, %swap3A_239], %swap3A_242 {strides = array<i32>} : memref<4x80xi32, #tpu.memory_space<vmem>>, vector<1x16xi32>,
          %mul3A_243 = arith.constant 80 : i32
          %mul3A_244 = arith.muli %sub3A_208, %mul3A_243 : i32
          %mul3A_245 = arith.constant 16 : i32
          %mul3A_246 = arith.muli %scan3A_228, %mul3A_245 : i32
          %add3A_247 = arith.addi %mul3A_244, %mul3A_246 : i32
          %get3A_248 = arith.index_cast %add3A_247 : i32 to index
          %get3A_249 = tpu.vector_load %arg7[%get3A_248] {strides = array<i32>} : memref<10000xi32, #tpu.memory_space<vmem>>, vector<16xi32>,
          %mul3A_250 = arith.constant 16 : i32
          %mul3A_251 = arith.muli %scan3A_228, %mul3A_250 : i32
          %swap3A_252 = arith.constant 2 : i32
          %swap3A_253 = arith.index_cast %swap3A_252 : i32 to index
          %swap3A_254 = arith.index_cast %mul3A_251 : i32 to index
          %swap3A_255 = tpu.vector_load %arg9[%swap3A_253, %swap3A_254] {strides = array<i32>} : memref<4x80xi32, #tpu.memory_space<vmem>>, vector<1x16xi32>,
          %swap3A_256 = vector.shape_cast %swap3A_255 : vector<1x16xi32> to vector<16xi32>
          %swap3A_257 = vector.shape_cast %get3A_249 : vector<16xi32> to vector<1x16xi32>
          tpu.vector_store %arg9[%swap3A_253, %swap3A_254], %swap3A_257 {strides = array<i32>} : memref<4x80xi32, #tpu.memory_space<vmem>>, vector<1x16xi32>,
          %scan3A_258 = arith.constant 0 : i32
          scf.yield %scan3A_258 : i32
        }
        %scan3A_215 = arith.constant 5 : i32
        %dma_start3A_216 = arith.constant 2 : i32
        %dma_start3A_217 = arith.constant 2 : i32
        %dma_start3A_218 = arith.constant 0 : i32
        %dma_start3A_219 = arith.constant 0 : i32
        %dma_start3A_220 = tpu.memref_slice %arg10[%dma_start3A_217, %dma_start3A_218, %dma_start3A_219] : memref<4x80x16xf32, #tpu.memory_space<vmem>> -> memref<1x80x16xf32, #tpu.memory_space<vmem>>
        %dma_start3A_221 = tpu.memref_squeeze %dma_start3A_220 : memref<1x80x16xf32, #tpu.memory_space<vmem>> -> memref<80x16xf32, #tpu.memory_space<vmem>>
        %dma_start3A_222 = arith.constant 0 : i32
        %dma_start3A_223 = tpu.memref_slice %arg8[%dma_start3A_216, %dma_start3A_222] : memref<4x80xi32, #tpu.memory_space<vmem>> -> memref<1x80xi32, #tpu.memory_space<vmem>>
        %dma_start3A_224 = tpu.memref_squeeze %dma_start3A_223 : memref<1x80xi32, #tpu.memory_space<vmem>> -> memref<80xi32, #tpu.memory_space<vmem>>
        %dma_start3A_225 = arith.constant 0 : i32
        %dma_start3A_226 = arith.constant 0 : i32
        %dma_start3A_227 = tpu.memref_slice %arg13[%dma_start3A_225, %dma_start3A_226] : memref<10240x16xf32, #tpu.memory_space<vmem_shared>> -> memref<10240x16xf32, #tpu.memory_space<vmem_shared>>
        tpu.enqueue_indirect_dma source(%dma_start3A_227 : memref<10240x16xf32, #tpu.memory_space<vmem_shared>>) target(%dma_start3A_221 : memref<80x16xf32, #tpu.memory_space<vmem>>) offsets(%dma_start3A_224 : memref<80xi32, #tpu.memory_space<vmem>>) semaphore(%arg16 : memref<!tpu.dma_semaphore, #tpu.memory_space<semaphore_mem>>)
      } else {
      }
      %scan3A_204 = arith.constant 0 : i32
      scf.yield %scan3A_204 : i32
    }
    %scan3A_80 = arith.constant 31 : i32
    %dma_wait3A = arith.constant 0 : i32
    %dma_wait3A_81 = arith.constant 0 : i32
    %dma_wait3A_82 = arith.constant 0 : i32
    %dma_wait3A_83 = arith.constant 0 : i32
    %dma_wait3A_84 = tpu.memref_slice %arg10[%dma_wait3A_81, %dma_wait3A_82, %dma_wait3A_83] : memref<4x80x16xf32, #tpu.memory_space<vmem>> -> memref<1x80x16xf32, #tpu.memory_space<vmem>>
    %dma_wait3A_85 = tpu.memref_squeeze %dma_wait3A_84 : memref<1x80x16xf32, #tpu.memory_space<vmem>> -> memref<80x16xf32, #tpu.memory_space<vmem>>
    %dma_wait3A_86 = arith.constant 0 : i32
    %dma_wait3A_87 = tpu.memref_slice %arg8[%dma_wait3A, %dma_wait3A_86] : memref<4x80xi32, #tpu.memory_space<vmem>> -> memref<1x80xi32, #tpu.memory_space<vmem>>
    %dma_wait3A_88 = tpu.memref_squeeze %dma_wait3A_87 : memref<1x80xi32, #tpu.memory_space<vmem>> -> memref<80xi32, #tpu.memory_space<vmem>>
    %dma_wait3A_89 = arith.constant 0 : i32
    %dma_wait3A_90 = arith.constant 0 : i32
    %dma_wait3A_91 = tpu.memref_slice %arg13[%dma_wait3A_89, %dma_wait3A_90] : memref<10240x16xf32, #tpu.memory_space<vmem_shared>> -> memref<10240x16xf32, #tpu.memory_space<vmem_shared>>
    tpu.wait_indirect_dma semaphore(%arg14 : memref<!tpu.dma_semaphore, #tpu.memory_space<semaphore_mem>>) src(%dma_wait3A_91 : memref<10240x16xf32, #tpu.memory_space<vmem_shared>>) dst(%dma_wait3A_85 : memref<80x16xf32, #tpu.memory_space<vmem>>)
    %run_scoped3A = arith.constant 0 : i32
    %run_scoped3A_92 = arith.constant 0 : i32
    "tpu.region"() ({
      %run_scoped3A_98 = tpu.sem_alloc : memref<!tpu.dma_semaphore, #tpu.memory_space<semaphore_mem>>
      %dma_start3A_99 = arith.constant 0 : i32
      %dma_start3A_100 = arith.constant 0 : i32
      %dma_start3A_101 = tpu.memref_slice %arg10[%run_scoped3A, %dma_start3A_99, %dma_start3A_100] : memref<4x80x16xf32, #tpu.memory_space<vmem>> -> memref<1x80x16xf32, #tpu.memory_space<vmem>>
      %dma_start3A_102 = tpu.memref_squeeze %dma_start3A_101 : memref<1x80x16xf32, #tpu.memory_space<vmem>> -> memref<80x16xf32, #tpu.memory_space<vmem>>
      %dma_start3A_103 = arith.constant 0 : i32
      %dma_start3A_104 = tpu.memref_slice %arg9[%run_scoped3A_92, %dma_start3A_103] : memref<4x80xi32, #tpu.memory_space<vmem>> -> memref<1x80xi32, #tpu.memory_space<vmem>>
      %dma_start3A_105 = tpu.memref_squeeze %dma_start3A_104 : memref<1x80xi32, #tpu.memory_space<vmem>> -> memref<80xi32, #tpu.memory_space<vmem>>
      %dma_start3A_106 = arith.constant 0 : i32
      %dma_start3A_107 = arith.constant 0 : i32
      %dma_start3A_108 = tpu.memref_slice %arg12[%dma_start3A_106, %dma_start3A_107] : memref<10240x16xf32, #tpu.memory_space<vmem_shared>> -> memref<10240x16xf32, #tpu.memory_space<vmem_shared>>
      tpu.enqueue_indirect_dma source(%dma_start3A_102 : memref<80x16xf32, #tpu.memory_space<vmem>>) target(%dma_start3A_108 : memref<10240x16xf32, #tpu.memory_space<vmem_shared>>) offsets(%dma_start3A_105 : memref<80xi32, #tpu.memory_space<vmem>>) semaphore(%run_scoped3A_98 : memref<!tpu.dma_semaphore, #tpu.memory_space<semaphore_mem>>) {add = true}
      %dma_wait3A_109 = arith.constant 0 : i32
      %dma_wait3A_110 = arith.constant 0 : i32
      %dma_wait3A_111 = tpu.memref_slice %arg10[%run_scoped3A, %dma_wait3A_109, %dma_wait3A_110] : memref<4x80x16xf32, #tpu.memory_space<vmem>> -> memref<1x80x16xf32, #tpu.memory_space<vmem>>
      %dma_wait3A_112 = tpu.memref_squeeze %dma_wait3A_111 : memref<1x80x16xf32, #tpu.memory_space<vmem>> -> memref<80x16xf32, #tpu.memory_space<vmem>>
      %dma_wait3A_113 = arith.constant 0 : i32
      %dma_wait3A_114 = tpu.memref_slice %arg9[%run_scoped3A_92, %dma_wait3A_113] : memref<4x80xi32, #tpu.memory_space<vmem>> -> memref<1x80xi32, #tpu.memory_space<vmem>>
      %dma_wait3A_115 = tpu.memref_squeeze %dma_wait3A_114 : memref<1x80xi32, #tpu.memory_space<vmem>> -> memref<80xi32, #tpu.memory_space<vmem>>
      %dma_wait3A_116 = arith.constant 0 : i32
      %dma_wait3A_117 = arith.constant 0 : i32
      %dma_wait3A_118 = tpu.memref_slice %arg12[%dma_wait3A_116, %dma_wait3A_117] : memref<10240x16xf32, #tpu.memory_space<vmem_shared>> -> memref<10240x16xf32, #tpu.memory_space<vmem_shared>>
      tpu.wait_indirect_dma semaphore(%run_scoped3A_98 : memref<!tpu.dma_semaphore, #tpu.memory_space<semaphore_mem>>) src(%dma_wait3A_112 : memref<80x16xf32, #tpu.memory_space<vmem>>) dst(%dma_wait3A_118 : memref<10240x16xf32, #tpu.memory_space<vmem_shared>>)
      tpu.yield
    }) : () -> ()
    %barrier3A_93 = arith.constant 0 : index
    tpu.barrier barrier_id(%barrier3A_93)
    %mul3A_94 = arith.constant 640 : i32
    %mul3A_95 = arith.muli %arg1, %mul3A_94 : i32
    %mul3A_96 = arith.constant 640 : i32
    %mul3A_97 = arith.muli %arg1, %mul3A_96 : i32
    "tpu.region"() ({
      %run_scoped3A_98 = tpu.sem_alloc : memref<!tpu.dma_semaphore, #tpu.memory_space<semaphore_mem>>
      %dma_start3A_99 = arith.constant 0 : i32
      %dma_start3A_100 = tpu.memref_slice %arg5[%arg0, %mul3A_97, %dma_start3A_99] : memref<2x10240x16xf32, #tpu.memory_space<hbm>> -> memref<1x640x16xf32, #tpu.memory_space<hbm>>
      %dma_start3A_101 = tpu.memref_squeeze %dma_start3A_100 : memref<1x640x16xf32, #tpu.memory_space<hbm>> -> memref<640x16xf32, #tpu.memory_space<hbm>>
      %dma_start3A_102 = arith.constant 0 : i32
      %dma_start3A_103 = tpu.memref_slice %arg12[%mul3A_95, %dma_start3A_102] : memref<10240x16xf32, #tpu.memory_space<vmem_shared>> -> memref<640x16xf32, #tpu.memory_space<vmem_shared>>
      tpu.enqueue_dma source(%dma_start3A_103 : memref<640x16xf32, #tpu.memory_space<vmem_shared>>) target(%dma_start3A_101 : memref<640x16xf32, #tpu.memory_space<hbm>>) target_semaphore(%run_scoped3A_98 : memref<!tpu.dma_semaphore, #tpu.memory_space<semaphore_mem>>)
      %dma_wait3A_104 = arith.constant 0 : i32
      %dma_wait3A_105 = tpu.memref_slice %arg5[%arg0, %mul3A_97, %dma_wait3A_104] : memref<2x10240x16xf32, #tpu.memory_space<hbm>> -> memref<1x640x16xf32, #tpu.memory_space<hbm>>
      %dma_wait3A_106 = tpu.memref_squeeze %dma_wait3A_105 : memref<1x640x16xf32, #tpu.memory_space<hbm>> -> memref<640x16xf32, #tpu.memory_space<hbm>>
      %dma_wait3A_107 = arith.constant 0 : i32
      %dma_wait3A_108 = tpu.memref_slice %arg12[%mul3A_95, %dma_wait3A_107] : memref<10240x16xf32, #tpu.memory_space<vmem_shared>> -> memref<640x16xf32, #tpu.memory_space<vmem_shared>>
      tpu.wait_dma2 semaphore(%run_scoped3A_98 : memref<!tpu.dma_semaphore, #tpu.memory_space<semaphore_mem>>) src(%dma_wait3A_108 : memref<640x16xf32, #tpu.memory_space<vmem_shared>>) dst(%dma_wait3A_106 : memref<640x16xf32, #tpu.memory_space<hbm>>)
      tpu.yield
    }) : () -> ()
    return
  }
}

module attributes {stable_mosaic.version = 14 : i64} {
  func.func @_tc1_body(%arg0: memref<10240x128xf32, #tpu.memory_space<vmem>>, %arg1: memref<128x16xf32, #tpu.memory_space<vmem>>, %arg2: memref<10240x1xf32, #tpu.memory_space<vmem>>, %arg3: memref<10240x16xf32, #tpu.memory_space<vmem>>) attributes {dimension_semantics = [], scalar_prefetch = 0 : i64, scratch_operands = 0 : i64, tpu.core_type = #tpu.core_type<tc>} {
    %get3A = arith.constant 0 : index
    %get3A_0 = arith.constant 0 : index
    %get3A_1 = vector.load %arg0[%get3A, %get3A_0] : memref<10240x128xf32, #tpu.memory_space<vmem>>, vector<10240x128xf32>
    %get3A_2 = arith.constant 0 : index
    %get3A_3 = arith.constant 0 : index
    %get3A_4 = vector.load %arg1[%get3A_2, %get3A_3] : memref<128x16xf32, #tpu.memory_space<vmem>>, vector<128x16xf32>
    %dot_general3A = arith.constant dense<0.000000e+00> : vector<10240x16xf32>
    %dot_general3A_5 = tpu.matmul %get3A_1, %get3A_4, %dot_general3A {dimension_numbers = #tpu.dot_dimension_numbers<[1], [0], [0], [1], [0, 0, 1, 1], [], []>, transpose_lhs_hint = false} : vector<10240x128xf32>, vector<128x16xf32>, vector<10240x16xf32> -> vector<10240x16xf32>
    %get3A_6 = arith.constant 0 : index
    %get3A_7 = arith.constant 0 : index
    %get3A_8 = vector.load %arg2[%get3A_6, %get3A_7] : memref<10240x1xf32, #tpu.memory_space<vmem>>, vector<10240x1xf32>
    %mul3A = vector.broadcast %get3A_8 : vector<10240x1xf32> to vector<10240x16xf32>
    %mul3A_9 = arith.mulf %dot_general3A_5, %mul3A : vector<10240x16xf32>
    %swap3A = arith.constant 0 : index
    %swap3A_10 = arith.constant 0 : index
    %swap3A_11 = vector.load %arg3[%swap3A, %swap3A_10] : memref<10240x16xf32, #tpu.memory_space<vmem>>, vector<10240x16xf32>
    tpu.vector_store %arg3[%swap3A, %swap3A_10], %mul3A_9 {strides = array<i32>} : memref<10240x16xf32, #tpu.memory_space<vmem>>, vector<10240x16xf32>,
    return
  }
}

</mosaic_0001>

<sc_bundles>
// kernel: kernel.12.cloned.1.call-start
scs
__scs_entry_jumppad:
0x0: {  	(pc) =	sbr.rel $0x88, $3  }
0x1: {  	(tag) =	ssettag $0x0;
	lr =	simm.s32 $0x1  }
0x2: {  	[smem:$0x3F9A] =	sst lr;
	_ =	strace $0xD0000000  }
0x3: {  	_ = 	snop  }
0x4: {  	_ = 	snop  }
0x5: {  	_ = 	snop  }
0x6: {  	_ = 	snop  }
0x7: {  	_ = 	snop  }
__scs_overlays_trampoline_lowered:
0x8: {  	[smem:$0x3FA9] =	sst s0  }
0x9: {  	[smem:$0x3FAA] =	sst s1  }
0xa: {  	[smem:$0x3FAB] =	sst s2  }
0xb: {  	[smem:$0x3FAC] =	sst s3  }
0xc: {  	[smem:$0x3FAD] =	sst s4  }
0xd: {  	[smem:$0x3FAE] =	sst s5  }
0xe: {  	[smem:$0x3FAF] =	sst s6  }
0xf: {  	[smem:$0x3FB0] =	sst s7  }
0x10: {  	[smem:$0x3FB1] =	sst s8  }
0x11: {  	[smem:$0x3FB2] =	sst s9;
	s0 =	simm.s32 @!p0 $0x0  }
0x12: {  	s1 =	sld [smem:$0x3F98];
	s0 =	simm.s32 @p0 $0x1  }
0x13: {  	[smem:$0x3FB3] =	sst s0;
	s0 =	simm.s32 @!p1 $0x0  }
0x14: {  	s2 =	sld [smem:$0x3F97];
	s0 =	simm.s32 @p1 $0x1  }
0x15: {  	[smem:$0x3FB4] =	sst s0;
	s0 =	simm.s32 @!p2 $0x0  }
0x16: {  	s3 =	sld [smem:$0x3FDB];
	s0 =	simm.s32 @p2 $0x1  }
0x17: {  	s4 =	simm.s32 $0x1BF5;
	[smem:$0x3FB6] =	sst s0  }
0x18: {  	s0 =	sld [smem:$0x3F99];
	_ =	swait.ge [sflag:s4], $0x0  }
0x19: {  	s7 =	sld [smem:$0x3F9A]  }
0x1a: {  	s8 =	sadd.s32 $0xFFFFE003, lr  }
0x1b: {  	s9 =	sadd.s32 $0xFFFFFEF7, lr;
	s5 =	simm.s32 $0xFFFFFFFF;
	p2 =	slt.u32 s8, $0xFFFFF086  }
0x1c: {  	p1 =	slt.u32 s9, $0xF7A;
	s5 =	simm.s32 @!p2 $0x0  }
0x1d: {  	s5 =	simm.s32 @p1 $0x1;
	p0 =	seq.s32 s7, s2  }
0x1e: {  	s7 =	smul.u32 @!p0 $0xF7A, s2;
	p2 =	seq.s32 @!p0 s5, $0x0  }
0x1f: {  	s9 =	smul.u32 $0xF7A, s1;
	s8 =	simm.s32 @!p0 $0x1BF5;
	p2 =	por !p2, p0  }
0x20: {  	[sflag:s8] =	ssyncset.s32 @!p0 $0xFFFFF086;
	s6 =	sadd.s32 @!p0 s3, s7;
	s7 =	simm.s32 @!p0 $0x108  }
0x21: {  	s3 =	sadd.s32 s3, s9;
	s6 =	sadd.s32 @!p0 $0x88, s6;
	s7 =	simm.s32 @p2 $0x1082  }
0x22: {  	[simem:s7], [sflag:s8] =	dma.local @!p0 [hbm:s6], $0xF7A  }
0x23: {  	s9 =	sor.u32 $0xD0000000, s2;
	s6 =	simm.s32 $0x108;
	_ =	swait.ge @!p0 [sflag:s8], $0x0  }
0x24: {  	s3 =	sadd.s32 $0x88, s3;
	s6 =	simm.s32 @!p1 $0x1082;
	[sflag:s4] =	ssyncset.s32 $0xFFFFF086  }
0x25: {  	[simem:s6], [sflag:s4] =	dma.local [hbm:s3], $0xF7A  }
0x26: {  	[smem:$0x3F9A] =	sst s1;
	(tag) =	ssettag s2;
	_ =	strace s9  }
0x27: {  	s1 =	sld [smem:$0x3FAA]  }
0x28: {  	s2 =	sld [smem:$0x3FAB]  }
0x29: {  	s4 =	sld [smem:$0x3FAD]  }
0x2a: {  	p0 =	seq.s32 s5, $0x0;
	s5 =	sld [smem:$0x3FAE]  }
0x2b: {  	s6 =	sld [smem:$0x3FAF]  }
0x2c: {  	s7 =	sld [smem:$0x3FB0]  }
0x2d: {  	s3 =	simm.s32 $0x108;
	s8 =	sld [smem:$0x3FB1]  }
0x2e: {  	s3 =	simm.s32 @!p0 $0x1082;
	s9 =	sld [smem:$0x3FB2]  }
0x2f: {  	lr =	sadd.s32 s0, s3;
	s0 =	sld [smem:$0x3FA9]  }
0x30: {  	s3 =	sld [smem:$0x3FAC]  }
0x31: {  	[smem:$0x3FB5] =	sst s10  }
0x32: {  	s10 =	sld [smem:$0x3FB3];
	_ =	sdelay $0x3  }
0x33: {  	p0 =	seq.s32 s10, $0x1;
	s10 =	sld [smem:$0x3FB5];
	_ =	sdelay $0x3  }
0x34: {  	[smem:$0x3FB5] =	sst s10  }
0x35: {  	s10 =	sld [smem:$0x3FB4];
	_ =	sdelay $0x3  }
0x36: {  	p1 =	seq.s32 s10, $0x1;
	s10 =	sld [smem:$0x3FB5];
	_ =	sdelay $0x3  }
0x37: {  	[smem:$0x3FB5] =	sst s10  }
0x38: {  	s10 =	sld [smem:$0x3FB6]  }
0x39: {  	_ = 	snop;
	(pc) =	sbr.ind lr, $3  }
0x3a: {  	_ = 	snop  }
0x3b: {  	_ = 	snop  }
0x3c: {  	p2 =	seq.s32 s10, $0x1;
	s10 =	sld [smem:$0x3FB5]  }
0x3d: {  	_ =	shalt  }
0x3e: {  	_ =	shalt  }
0x3f: {  	_ =	shalt  }
0x40: {  	_ =	shalt  }
0x41: {  	_ =	shalt  }
0x42: {  	_ =	shalt  }
0x43: {  	_ =	shalt  }
0x44: {  	_ =	shalt  }
0x45: {  	_ =	shalt  }
0x46: {  	_ =	shalt  }
0x47: {  	_ =	shalt  }
0x48: {  	_ =	shalt  }
0x49: {  	_ =	shalt  }
0x4a: {  	_ =	shalt  }
0x4b: {  	_ =	shalt  }
0x4c: {  	_ =	shalt  }
0x4d: {  	_ =	shalt  }
0x4e: {  	_ =	shalt  }
0x4f: {  	_ =	shalt  }
0x50: {  	_ =	shalt  }
0x51: {  	_ =	shalt  }
0x52: {  	_ =	shalt  }
0x53: {  	_ =	shalt  }
0x54: {  	_ =	shalt  }
0x55: {  	_ =	shalt  }
0x56: {  	_ =	shalt  }
0x57: {  	_ =	shalt  }
0x58: {  	_ =	shalt  }
0x59: {  	_ =	shalt  }
0x5a: {  	_ =	shalt  }
0x5b: {  	_ =	shalt  }
0x5c: {  	_ =	shalt  }
0x5d: {  	_ =	shalt  }
0x5e: {  	_ =	shalt  }
0x5f: {  	_ =	shalt  }
0x60: {  	_ =	shalt  }
0x61: {  	_ =	shalt  }
0x62: {  	_ =	shalt  }
0x63: {  	_ =	shalt  }
0x64: {  	_ =	shalt  }
0x65: {  	_ =	shalt  }
0x66: {  	_ =	shalt  }
0x67: {  	_ =	shalt  }
0x68: {  	_ =	shalt  }
0x69: {  	_ =	shalt  }
0x6a: {  	_ =	shalt  }
0x6b: {  	_ =	shalt  }
0x6c: {  	_ =	shalt  }
0x6d: {  	_ =	shalt  }
0x6e: {  	_ =	shalt  }
0x6f: {  	_ =	shalt  }
0x70: {  	_ =	shalt  }
0x71: {  	_ =	shalt  }
0x72: {  	_ =	shalt  }
0x73: {  	_ =	shalt  }
0x74: {  	_ =	shalt  }
0x75: {  	_ =	shalt  }
0x76: {  	_ =	shalt  }
0x77: {  	_ =	shalt  }
0x78: {  	_ =	shalt  }
0x79: {  	_ =	shalt  }
0x7a: {  	_ =	shalt  }
0x7b: {  	_ =	shalt  }
0x7c: {  	_ =	shalt  }
0x7d: {  	_ =	shalt  }
0x7e: {  	_ =	shalt  }
0x7f: {  	_ =	shalt  }
0x80: {  	_ =	shalt  }
0x81: {  	_ =	shalt  }
0x82: {  	_ =	shalt  }
0x83: {  	_ =	shalt  }
0x84: {  	_ =	shalt  }
0x85: {  	_ =	shalt  }
0x86: {  	_ =	shalt  }
0x87: {  	_ =	shalt  }
.Lfunc_end0:
.L_simem_size_0:
called_computation.2_lowered:
.L_overlay_start_0:
0x88: {  	s2 =	sld [smem:$0x3FD9]  }
0x89: {  	s3 =	sld [smem:$0x3FFE];
	_ =	sdelay $0x1  }
0x8a: {  	s1 =	srdreg.scid  }
0x8b: {  	s0 =	sand.u32 $0x1, s1  }
0x8c: {  	s16 =	sshll.u32 s0, $0xA;
	s2 =	sadd.s32 s3, s2  }
0x8d: {  	s2 =	sadd.s32 s2, s16  }
0x8e: {  	[smem:$0x3FC1] =	sst s2  }
0x8f: {  	_ = 	snop  }
0x90: {  	(tm) =	ssettm $0x1  }
0x91: {  	s17 =	sld [smem:$0x3FFB];
	_ =	sdelay $0x3  }
0x92: {  	_ =	strace s17  }
0x93: {  	s2 =	sld [smem:$0x3FFC];
	_ =	sdelay $0x3  }
0x94: {  	_ =	strace s2  }
0x95: {  	s2 =	sld [smem:$0x3FFD];
	_ =	sdelay $0x3  }
0x96: {  	_ =	strace s2  }
0x97: {  	_ =	strace $0x8FFFFFFF  }
0x98: {  	s18 =	sld [smem:$0x3FDB];
	_ =	sdelay $0x1  }
0x99: {  	s19 =	simm.s32 $_scs_section_size  }
0x9a: {  	s4 =	simm.s32 $_size__tile_overlayer_lowered;
	s5 =	simm.s32 $_tile_overlayer_lowered  }
0x9b: {  	s22 =	simm.s32 $0x1BFF;
	s21 =	sshll.u32 s5, $0x1;
	s2 =	sadd.s32 s19, s18  }
0x9c: {  	s6 =	simm.s32 $0x0;
	s20 =	sshll.u32 s4, $0x1;
	s4 =	sadd.s32 s21, s2  }
0x9d: {  	[timem:s6], [sflag:s22] =	dma.local [hbm:s4], s20  }
0x9e: {  	_ =	swait.ge [sflag:s22], s20  }
0x9f: {  	s3 =	ssub.s32 $0x0, s20;
	[sflag:s22] =	ssyncset.done $0x0  }
0xa0: {  	[sflag:s22] =	ssyncadd.s32 s3;
	_ =	sdelay $0x1  }
0xa1: {  	s23 =	simm.s32 $0x1B8B  }
0xa2: {  	_ =	swait.ge [sflag:s23], $0x1  }
0xa3: {  	[sflag:s23] =	ssyncset.done $0x0  }
0xa4: {  	s25 =	simm.s32 $0x1B8E;
	s24 =	sld [smem:$0x3FFE];
	[sflag:s23] =	ssyncadd.s32 $0xFFFFFFFF  }
0xa5: {  	s26 =	simm.s32 $execute0_lowered;
	[smem:$0x3FD2] =	sst s25  }
0xa6: {  	s4 =	sshll.u32 s26, $0x1;
	_ =	strace $0x8000004C;
	[dreg:$0x1] =	wrdreg $0xFFFFFFFF  }
0xa7: {  	s28 =	simm.s32 $_size_execute0_lowered;
	s2 =	sadd.s32 s2, s4;
	[dreg:$0x0] =	wrdreg $0x0  }
0xa8: {  	s4 =	sshll.u32 s28, $0x1;
	[dreg:$0x2] =	wrdreg s2  }
0xa9: {  	[dreg:$0x3] =	wrdreg s4  }
0xaa: {  	[dreg:$0x4] =	wrdreg $0xC0  }
0xab: {  	_ =	task [dreg:s6], $0x5FFFF  }
0xac: {  	[dreg:$0x1] =	wrdreg $0xFFFFFFFF  }
0xad: {  	[dreg:$0x0] =	wrdreg $0x60  }
0xae: {  	[dreg:$0x2] =	wrdreg s24  }
0xaf: {  	[dreg:$0x3] =	wrdreg $0x14DB00  }
0xb0: {  	[dreg:$0x4] =	wrdreg $0x150300  }
0xb1: {  	[dreg:$0x5] =	wrdreg $0x14B300  }
0xb2: {  	[dreg:$0x6] =	wrdreg $0x9  }
0xb3: {  	_ =	task.clear_ibuf [dreg:s6], $0x7FFFF;
	_ =	strace $0x9000004C  }
0xb4: {  	s29 =	simm.s32 $0x9;
	_ =	strace $0x8000004E  }
0xb5: {  	_ =	swait.ge [sflag:s29], $0x1  }
0xb6: {  	[sflag:s29] =	ssyncadd.s32 $0xFFFFFFFF  }
0xb7: {  	_ =	strace $0x9000004E  }
0xb8: {  	_ =	sfence  }
0xb9: {  	s30 =	sld [smem:$0x0];
	_ =	sdelay $0x2  }
0xba: {  	s31 =	sshll.u32 s1, $0xD;
	s1 =	sshrl.u32 s1, $0x2  }
0xbb: {  	s3 =	sand.u32 $0x4000, s31;
	s1 =	sadd.s32 s1, s30  }
0xbc: {  	s0 =	sor.u32 s3, s0;
	s1 =	sshll.u32 s1, $0x11  }
0xbd: {  	s0 =	sor.u32 s1, s0  }
0xbe: {  	s0 =	sadd.s32 $0x8F2B, s0  }
0xbf: {  	[sflag:s0] =	ssyncadd.remote.s32 $0x1  }
0xc0: {  	_ =	sfence.sel $0xFFFF  }
0xc1: {  	[dreg:$0x0] =	wrdreg $0xFFFFFFFF;
	(pc) =	sbr.abs _section_cstart, $3  }
0xc2: {  	[dreg:$0x1] =	wrdreg $0xFFFFFFFF  }
0xc3: {  	_ =	task.clear_ibuf [dreg:s6], $0x2FFFF;
	_ =	strace $0x9FFFFFFF  }
0xc4: {  	(tm) =	ssettm $0x7FFFFFFF  }
0xc5: {  	_ =	shalt  }
tec
execute0_lowered:
.L_overlay_start_1:
0x0: {  	(tag) =	ssettag $0x1  }
0x1: {  	s0 =	rddreg [dreg:$0x0]  }
0x2: {  	s11 =	rddreg [dreg:$0x1]  }
0x3: {  	s2 =	rddreg [dreg:$0x2]  }
0x4: {  	s18 =	rddreg [dreg:$0x3]  }
0x5: {  	s1 =	stileid.u32;
	s3 =	srdreg.scid  }
0x6: {  	s4 =	simm.s32 $0x0;
	s21 =	simm.s32 $0x1;
	s22 =	simm.s32 $0x2800  }
0x7: {  	s23 =	simm.s32 $0x5000;
	s25 =	simm.s32 $0x14820;
	s6 =	smul.u32 $0x2800, s1  }
0x8: {  	s28 =	simm.s32 $0x148A0;
	s29 =	simm.s32 $0x0;
	s5 =	smul.u32 $0x280, s1  }
0x9: {  	s3 =	sand.u32 $0x1, s3;
	[smem:$0x7FF] =	sst s4;
	s20 =	smul.u32 $0xA00, s1  }
0xa: {  	p0 =	sne.s32 s1, $0x0;
	s9 =	sshll.u32 s3, $0x4;
	_ =	strace $0x8000004D  }
0xb: {  	s7 =	sor.u32 s1, s9;
	s6 =	sshrl.u32 s6, $0x3;
	s8 =	sshrl.u32 s5, $0x3  }
0xc: {  	s31 =	sshrl.u32 s20, $0x2;
	s7 =	smul.u32 $0x4E2, s7;
	s13 =	sadd.s32 s6, s0  }
0xd: {  	v1 =	vlaneseq.u32;
	s15 =	sadd.s32 s8, s0;
	s6 =	sadd.s32 $0x24600, s0;
	s8 =	sadd.s32 $0x15200, s0  }
0xe: {  	v3 =	vor.u32 $0x10, v1;
	s17 =	sadd.s32 s7, s0;
	s7 =	sadd.s32 $0x24800, s0;
	s0 =	sadd.s32 s9, s0  }
0xf: {  	s3 =	ssub.s32 $0x2, s3;
	[tilespmem:$0x1FFA0] =	vst v3;
	v3 =	vor.u32 $0x20, v1;
	s19 =	sadd.s32 $0x15400, s0;
	s0 =	sadd.s32 $0x8200, s31  }
0x10: {  	s10 =	sshrl.u32 s3, $0x1;
	s18 =	sadd.s32 s5, s18;
	[tilespmem:$0x1FFB0] =	vst v3;
	s1 =	simm.s32 $0xF820;
	v3 =	vor.u32 $0x30, v1;
	v0 =	vmov s0  }
0x11: {  	s3 =	ssub.s32 s3, s10;
	s10 =	sadd.s32 $0xF820, s5;
	[tilespmem:$0x1FFC0] =	vst v3;
	v3 =	vor.u32 $0x40, v1;
	s12 =	sadd.s32 $0x1F600, s13  }
0x12: {  	s14 =	sadd.s32 $0x14C00, s15;
	s15 =	sadd.s32 $0x24A00, s15;
	s20 =	smax.u32 s3, $0x1;
	[tilespmem:$0x1FFD0] =	vst v3;
	v3 =	vor.u32 $0x50, v1  }
0x13: {  	s9 =	sadd.s32 s5, s11;
	s11 =	sadd.s32 $0x1A600, s13;
	s13 =	sadd.s32 $0x15600, s13;
	[tilespmem:$0x1FFE0] =	vst v3;
	v3 =	vor.u32 $0x60, v1  }
0x14: {  	v2 =	vimm.f32 $0.0e+00;
	v9 =	vor.u32 $0x70, v1;
	v10 =	vmul.u32 $0x10, v1;
	s16 =	sadd.s32 $0x1000, s17;
	s17 =	sadd.s32 $0xAE00, s17;
	[tilespmem:$0x1FFF0] =	vst v3;
	s0 =	simm.s32 $0x8200  }
.LBB2_1:
0x15: {  	s3 =	simm.s32 $0x0  }
.LBB2_2:
0x16: {  	p1 =	sne.s32 s3, $0x9FC0  }
.Ltmp0:
0x17: {  	_ = 	snop;
	(pc) =	sbr.rel @p1 .LBB2_2-.Ltmp0, $3  }
0x18: {  	_ =	sdelay $0x1  }
0x19: {  	s24 =	sshra.s32 s3, $0x2  }
0x1a: {  	s3 =	sadd.s32 $0x40, s3;
	[tilespmem:s24+$0xF820] =	vst v2  }
0x1b: {  	s24 =	simm.s32 $0x0  }
0x1c: {  	s3 =	simm.s32 $0x12020;
	v11 =	vor.u32 s24, v1  }
0x1d: {  	s24 =	simm.s32 $0x10;
	[tilespmem:s3+$0x0] =	vst v11  }
.LBB2_4:
0x1e: {  	p1 =	sne.s32 s24, $0x27F0  }
.Ltmp1:
0x1f: {  	_ = 	snop;
	(pc) =	sbr.rel @p1 .LBB2_4-.Ltmp1, $3  }
0x20: {  	_ =	sdelay $0x1  }
0x21: {  	v11 =	vor.u32 s24, v1;
	s24 =	sadd.s32 $0x10, s24;
	s3 =	sadd.s32 $0x10, s3  }
0x22: {  	[tilespmem:s3+$0x0] =	vst v11  }
0x23: {  	v3 =	vld [tilespmem:$0x1FFA0];
	_ =	sdelay $0x4  }
0x24: {  	[tilespmem:$0x148B0] =	vst v3;
	v3 =	vld [tilespmem:$0x1FFB0];
	_ =	sdelay $0x4  }
0x25: {  	[tilespmem:$0x148C0] =	vst v3;
	v3 =	vld [tilespmem:$0x1FFC0];
	_ =	sdelay $0x4  }
0x26: {  	[tilespmem:$0x148D0] =	vst v3;
	v3 =	vld [tilespmem:$0x1FFD0];
	_ =	sdelay $0x2  }
0x27: {  	[tilespmem:$0x14820] =	vst v2  }
0x28: {  	[tilespmem:$0x14830] =	vst v2  }
0x29: {  	[tilespmem:$0x148E0] =	vst v3;
	v3 =	vld [tilespmem:$0x1FFE0]  }
0x2a: {  	[tilespmem:$0x14840] =	vst v2  }
0x2b: {  	[tilespmem:$0x14850] =	vst v2  }
0x2c: {  	[tilespmem:$0x14860] =	vst v2  }
0x2d: {  	[tilespmem:$0x14870] =	vst v2  }
0x2e: {  	[tilespmem:$0x148F0] =	vst v3;
	v3 =	vld [tilespmem:$0x1FFF0]  }
0x2f: {  	[tilespmem:$0x14880] =	vst v2  }
0x30: {  	[tilespmem:$0x14890] =	vst v2  }
0x31: {  	[tilespmem:$0x148A0] =	vst v1  }
0x32: {  	[tilespmem:$0x14910] =	vst v9  }
0x33: {  	[tilespmem:$0x14900] =	vst v3  }
0x34: {  	[spmem:s9] =	stream.linear.scatter [tilespmem:s10], [sflag:$0x1], $0x280, $0x38;
	[tilespmem:$0x15038] =	vst v63  }
0x35: {  	_ =	swait.ge [sflag:s21], $0x280  }
0x36: {  	[sflag:s21] =	ssyncset.done $0x0  }
0x37: {  	s3 =	simm.s32 @!p0 $0x14820;
	[sflag:s21] =	ssyncadd.s32 $0xFFFFFD80  }
0x38: {  	[spmem:s2] =	stream.linear.scatter @!p0 [tilespmem:s3], [sflag:$0x1], $0x80, $0x38;
	[tilespmem:$0x15038] =	vst v63  }
0x39: {  	s3 =	simm.s32 @!p0 $0x1  }
0x3a: {  	_ =	swait.ge @!p0 [sflag:s3], $0x80  }
0x3b: {  	[sflag:s3] =	ssyncset.done @!p0 $0x0  }
0x3c: {  	[sflag:s3] =	ssyncadd.s32 @!p0 $0xFFFFFF80;
	s3 =	simm.s32 $0x0  }
0x3d: {  	[tilespmem:s3], [sflag:$0x1] =	stream.linear.gather [hbm4b:s11+s3], $0x2800, $0x38;
	[tilespmem:$0x15038] =	vst v63  }
0x3e: {  	_ =	swait.ge [sflag:s21], $0x2800  }
0x3f: {  	[sflag:s21] =	ssyncset.done $0x0  }
0x40: {  	[sflag:s21] =	ssyncadd.s32 $0xFFFFD800  }
0x41: {  	[tilespmem:s22], [sflag:$0x1] =	stream.linear.gather [hbm4b:s12+s3], $0x2800, $0x38;
	[tilespmem:$0x15038] =	vst v63  }
0x42: {  	_ =	swait.ge [sflag:s21], $0x2800  }
0x43: {  	[sflag:s21] =	ssyncset.done $0x0  }
0x44: {  	[sflag:s21] =	ssyncadd.s32 $0xFFFFD800  }
0x45: {  	[tilespmem:s23], [sflag:$0x1] =	stream.linear.gather [hbm4b:s13+s3], $0x2800, $0x38;
	[tilespmem:$0x15038] =	vst v63  }
0x46: {  	_ =	swait.ge [sflag:s21], $0x2800  }
0x47: {  	[sflag:s21] =	ssyncset.done $0x0  }
0x48: {  	s30 =	simm.s32 $0x7800;
	[sflag:s21] =	ssyncadd.s32 $0xFFFFD800  }
0x49: {  	[tilespmem:s30], [sflag:$0x1] =	stream.linear.gather [hbm4b:s14+s3], $0x280, $0x38;
	[tilespmem:$0x15038] =	vst v63  }
0x4a: {  	_ =	swait.ge [sflag:s21], $0x280  }
0x4b: {  	[sflag:s21] =	ssyncset.done $0x0  }
0x4c: {  	s24 =	simm.s32 $0x7A80;
	[sflag:s21] =	ssyncadd.s32 $0xFFFFFD80  }
0x4d: {  	[tilespmem:s24], [sflag:$0x1] =	stream.linear.gather [hbm4b:s15+s3], $0x280, $0x38;
	[tilespmem:$0x15038] =	vst v63  }
0x4e: {  	_ =	swait.ge [sflag:s21], $0x280  }
0x4f: {  	[sflag:s21] =	ssyncset.done $0x0  }
0x50: {  	s26 =	simm.s32 $0x14920;
	[sflag:s21] =	ssyncadd.s32 $0xFFFFFD80  }
0x51: {  	[tilespmem:s26], [sflag:$0x1] =	stream.linear.gather [hbm4b:s6+s3], $0x100, $0x38;
	[tilespmem:$0x15038] =	vst v63  }
0x52: {  	_ =	swait.ge [sflag:s21], $0x100  }
0x53: {  	[sflag:s21] =	ssyncset.done $0x0  }
0x54: {  	s26 =	simm.s32 $0x14A20;
	[sflag:s21] =	ssyncadd.s32 $0xFFFFFF00  }
0x55: {  	[tilespmem:s26], [sflag:$0x1] =	stream.linear.gather [hbm4b:s7+s3], $0x100, $0x38;
	[tilespmem:$0x15038] =	vst v63  }
0x56: {  	_ =	swait.ge [sflag:s21], $0x100  }
0x57: {  	[sflag:s21] =	ssyncset.done $0x0  }
0x58: {  	s26 =	simm.s32 $0x14B20;
	[sflag:s21] =	ssyncadd.s32 $0xFFFFFF00  }
0x59: {  	[tilespmem:s26], [sflag:$0x1] =	stream.linear.gather [hbm4b:s8+s3], $0x10, $0x38;
	[tilespmem:$0x15038] =	vst v63  }
0x5a: {  	_ =	swait.ge [sflag:s21], $0x10  }
0x5b: {  	[sflag:s21] =	ssyncset.done $0x0  }
0x5c: {  	s26 =	simm.s32 $0xAA00;
	[sflag:s21] =	ssyncadd.s32 $0xFFFFFFF0  }
0x5d: {  	[tilespmem:s26], [sflag:$0x1] =	stream.linear.gather [hbm4b:s16+s3], $0x2710, $0x38;
	[tilespmem:$0x15038] =	vst v63  }
0x5e: {  	_ =	swait.ge [sflag:s21], $0x2710  }
0x5f: {  	[sflag:s21] =	ssyncset.done $0x0  }
0x60: {  	s26 =	simm.s32 $0xD110;
	[sflag:s21] =	ssyncadd.s32 $0xFFFFD8F0  }
0x61: {  	[tilespmem:s26], [sflag:$0x1] =	stream.linear.gather [hbm4b:s17+s3], $0x2710, $0x38;
	[tilespmem:$0x15038] =	vst v63  }
0x62: {  	_ =	swait.ge [sflag:s21], $0x2710  }
0x63: {  	[sflag:s21] =	ssyncset.done $0x0  }
0x64: {  	[sflag:s21] =	ssyncadd.s32 $0xFFFFD8F0  }
0x65: {  	v18 =	vld [tilespmem:$0x14A20]  }
0x66: {  	v19 =	vld [tilespmem:$0x14A30]  }
0x67: {  	v20 =	vld [tilespmem:$0x14A40]  }
0x68: {  	v21 =	vld [tilespmem:$0x14A50]  }
0x69: {  	v22 =	vld [tilespmem:$0x14A60]  }
0x6a: {  	v23 =	vld [tilespmem:$0x14A70]  }
0x6b: {  	v24 =	vld [tilespmem:$0x14A80]  }
0x6c: {  	v25 =	vld [tilespmem:$0x14A90]  }
0x6d: {  	v26 =	vld [tilespmem:$0x14AA0]  }
0x6e: {  	v27 =	vld [tilespmem:$0x14AB0]  }
0x6f: {  	v17 =	vld [tilespmem:$0x14AC0]  }
0x70: {  	v16 =	vld [tilespmem:$0x14AD0]  }
0x71: {  	v12 =	vmov s3;
	v15 =	vld [tilespmem:$0x14AE0]  }
0x72: {  	v12 =	vshll.u32 v12, $0x4;
	v14 =	vld [tilespmem:$0x14AF0]  }
0x73: {  	v44 =	vor.u32 v10, v12;
	v13 =	vld [tilespmem:$0x14B00]  }
0x74: {  	v31 =	vor.u32 $0x2, v44;
	v11 =	vld [tilespmem:$0x14B10]  }
0x75: {  	v36 =	vor.u32 $0x3, v44;
	v28 =	vld [tilespmem:$0x14920]  }
0x76: {  	v29 =	vld [tilespmem:$0x14930]  }
0x77: {  	v42 =	vor.u32 $0xE, v44;
	v30 =	vld [tilespmem:$0x14940]  }
0x78: {  	v32 =	vld [tilespmem:$0x14950]  }
0x79: {  	v37 =	vld.idx.msk [tilespmem:v31+s23+$0x0], $0xffff  }
0x7a: {  	v38 =	vld.idx.msk [tilespmem:v36+s23+$0x0], $0xffff  }
0x7b: {  	v39 =	vld.idx.msk [tilespmem:v36+s4+$0x0], $0xffff  }
0x7c: {  	v40 =	vor.u32 $0x1, v44;
	v41 =	vld.idx.msk [tilespmem:v42+s22+$0x0], $0xffff  }
0x7d: {  	v43 =	vld.idx.msk [tilespmem:v31+s4+$0x0], $0xffff  }
0x7e: {  	v31 =	vld.idx.msk [tilespmem:v31+s22+$0x0], $0xffff  }
0x7f: {  	v36 =	vld.idx.msk [tilespmem:v36+s22+$0x0], $0xffff  }
0x80: {  	v45 =	vld.idx.msk [tilespmem:v44+s4+$0x0], $0xffff  }
0x81: {  	v46 =	vld.idx.msk [tilespmem:v40+s4+$0x0], $0xffff  }
0x82: {  	v50 =	vor.u32 $0x4, v44;
	v47 =	vld.idx.msk [tilespmem:v40+s22+$0x0], $0xffff  }
0x83: {  	v48 =	vld.idx.msk [tilespmem:v44+s22+$0x0], $0xffff  }
0x84: {  	v62 =	vld.idx.msk [tilespmem:v44+s23+$0x0], $0xffff  }
0x85: {  	v49 =	vld.idx.msk [tilespmem:v42+s4+$0x0], $0xffff  }
0x86: {  	v40 =	vld.idx.msk [tilespmem:v40+s23+$0x0], $0xffff  }
0x87: {  	v6 =	vld.idx.msk [tilespmem:v50+s4+$0x0], $0xffff  }
0x88: {  	v7 =	vld.idx.msk [tilespmem:v50+s22+$0x0], $0xffff  }
0x89: {  	v51 =	vor.u32 $0x5, v44;
	v12 =	vld [tilespmem:s30+$0x0];
	v31 =	vadd.f32 v31, v43;
	v36 =	vadd.f32 v36, v39  }
0x8a: {  	v52 =	vor.u32 $0x7, v44;
	v50 =	vld.idx.msk [tilespmem:v50+s23+$0x0], $0xffff;
	v45 =	vadd.f32 v48, v45;
	v47 =	vadd.f32 v47, v46  }
0x8b: {  	v33 =	vld [tilespmem:$0x14960];
	v39 =	vor.u32 $0x6, v44;
	v31 =	vadd.f32 v37, v31;
	v36 =	vadd.f32 v38, v36  }
0x8c: {  	v53 =	vor.u32 $0x8, v44;
	v34 =	vld [tilespmem:$0x14970];
	v43 =	vadd.f32 v62, v45;
	v40 =	vadd.f32 v40, v47  }
0x8d: {  	v54 =	vor.u32 $0xA, v44;
	v35 =	vld [tilespmem:$0x14980];
	v47 =	vadd.f32 v41, v49;
	v41 =	vadd.f32 v7, v6  }
0x8e: {  	v55 =	vor.u32 $0xB, v44;
	v58 =	vld.idx.msk [tilespmem:v51+s22+$0x0], $0xffff;
	v63 =	vmul.f32 v31, v12;
	v4 =	vmul.f32 v36, v12  }
0x8f: {  	v60 =	vld.idx.msk [tilespmem:v51+s4+$0x0], $0xffff;
	v43 =	vmul.f32 v43, v12;
	v40 =	vmul.f32 v40, v12;
	v41 =	vadd.f32 v50, v41  }
0x90: {  	v57 =	vor.u32 $0x9, v44;
	v56 =	vld.idx.msk [tilespmem:v39+s22+$0x0], $0xffff;
	v38 =	vadd.f32 v63, v20;
	v5 =	vadd.f32 v4, v21  }
0x91: {  	v59 =	vld.idx.msk [tilespmem:v39+s4+$0x0], $0xffff;
	v43 =	vadd.f32 v43, v18;
	v40 =	vadd.f32 v40, v19;
	v41 =	vmul.f32 v41, v12  }
0x92: {  	v46 =	vor.u32 $0xC, v44;
	v37 =	vld [tilespmem:$0x14990];
	v38 =	vmax.f32 v38, $0.0e+00;
	v45 =	vmax.f32 v5, $0.0e+00  }
0x93: {  	v6 =	vld.idx.msk [tilespmem:v52+s22+$0x0], $0xffff;
	v43 =	vmax.f32 v43, $0.0e+00;
	v40 =	vmax.f32 v40, $0.0e+00;
	v41 =	vadd.f32 v41, v22  }
0x94: {  	v39 =	vld.idx.msk [tilespmem:v39+s23+$0x0], $0xffff;
	v62 =	vshrl.u32 v38, $0x10;
	v63 =	vshrl.u32 v45, $0x10;
	v5 =	vshrl.u32 v40, $0x10  }
0x95: {  	v7 =	vld.idx.msk [tilespmem:v52+s4+$0x0], $0xffff;
	v4 =	vshrl.u32 v43, $0x10;
	v49 =	vand.u32 $0x1, v62;
	v48 =	vand.u32 $0x1, v5  }
0x96: {  	v52 =	vld.idx.msk [tilespmem:v52+s23+$0x0], $0xffff;
	v56 =	vadd.f32 v56, v59;
	v41 =	vmax.f32 v41, $0.0e+00;
	v38 =	vadd.s32 v49, v38  }
0x97: {  	v59 =	vld.idx.msk [tilespmem:v54+s22+$0x0], $0xffff;
	v49 =	vand.u32 $0x1, v63;
	v40 =	vadd.s32 v48, v40;
	v63 =	vadd.f32 v58, v60  }
0x98: {  	v38 =	vadd.s32 $0x7FFF, v38;
	v45 =	vadd.s32 v49, v45;
	v49 =	vld.idx.msk [tilespmem:v51+s23+$0x0], $0xffff;
	v40 =	vadd.s32 $0x7FFF, v40  }
0x99: {  	v60 =	vld.idx.msk [tilespmem:v54+s4+$0x0], $0xffff;
	v39 =	vadd.f32 v39, v56;
	v38 =	vand.u32 $0xFFFF0000, v38;
	v45 =	vadd.s32 $0x7FFF, v45  }
0x9a: {  	v5 =	vld.idx.msk [tilespmem:v57+s4+$0x0], $0xffff;
	v40 =	vand.u32 $0xFFFF0000, v40;
	v51 =	vmul.f32 v38, v30;
	v38 =	vand.u32 $0x1, v4  }
0x9b: {  	v45 =	vand.u32 $0xFFFF0000, v45;
	v4 =	vld.idx.msk [tilespmem:v57+s22+$0x0], $0xffff;
	v40 =	vmul.f32 v40, v29;
	v39 =	vmul.f32 v39, v12  }
0x9c: {  	v31 =	vld [tilespmem:$0x149A0];
	v38 =	vadd.s32 v38, v43;
	v43 =	vadd.f32 v6, v7;
	v45 =	vmul.f32 v45, v32  }
0x9d: {  	v57 =	vld.idx.msk [tilespmem:v57+s23+$0x0], $0xffff;
	v61 =	vadd.s32 $0x7FFF, v38;
	v39 =	vadd.f32 v39, v24;
	v49 =	vadd.f32 v49, v63  }
0x9e: {  	v59 =	vadd.f32 v59, v60;
	v60 =	vld.idx.msk [tilespmem:v42+s23+$0x0], $0xffff;
	v62 =	vand.u32 $0xFFFF0000, v61;
	v52 =	vadd.f32 v52, v43  }
0x9f: {  	v36 =	vld [tilespmem:$0x149B0];
	v6 =	vshrl.u32 v41, $0x10;
	v48 =	vmul.f32 v62, v28;
	v49 =	vmul.f32 v49, v12  }
0xa0: {  	v58 =	vld.idx.msk [tilespmem:v55+s4+$0x0], $0xffff;
	v7 =	vmax.f32 v39, $0.0e+00;
	v50 =	vadd.f32 v4, v5;
	v52 =	vmul.f32 v52, v12  }
0xa1: {  	v56 =	vld.idx.msk [tilespmem:v53+s4+$0x0], $0xffff;
	v39 =	vshrl.u32 v7, $0x10;
	v48 =	vadd.f32 $0.0e+00, v48;
	v49 =	vadd.f32 v49, v23  }
0xa2: {  	v38 =	vld [tilespmem:$0x149C0];
	v4 =	vand.u32 $0x1, v39;
	v50 =	vadd.f32 v57, v50;
	v52 =	vadd.f32 v52, v25  }
0xa3: {  	v42 =	vld [tilespmem:$0x14A10];
	v5 =	vadd.s32 v4, v7;
	v60 =	vadd.f32 v60, v47;
	v40 =	vadd.f32 v40, v48  }
0xa4: {  	v43 =	vld [tilespmem:$0x149D0];
	v57 =	vadd.s32 $0x7FFF, v5;
	v49 =	vmax.f32 v49, $0.0e+00;
	v50 =	vmul.f32 v50, v12  }
0xa5: {  	v48 =	vld.idx.msk [tilespmem:v53+s22+$0x0], $0xffff;
	v57 =	vand.u32 $0xFFFF0000, v57;
	v51 =	vadd.f32 v51, v40;
	v40 =	vand.u32 $0x1, v6  }
0xa6: {  	v61 =	vld.idx.msk [tilespmem:v54+s23+$0x0], $0xffff;
	v5 =	vmax.f32 v52, $0.0e+00;
	v6 =	vshrl.u32 v49, $0x10;
	v41 =	vadd.s32 v40, v41  }
0xa7: {  	v62 =	vld.idx.msk [tilespmem:v55+s22+$0x0], $0xffff;
	v63 =	vand.u32 $0x1, v6;
	v50 =	vadd.f32 v50, v27;
	v41 =	vadd.s32 $0x7FFF, v41  }
0xa8: {  	v53 =	vld.idx.msk [tilespmem:v53+s23+$0x0], $0xffff;
	v51 =	vadd.f32 v45, v51;
	v49 =	vadd.s32 v63, v49;
	v7 =	vand.u32 $0xFFFF0000, v41  }
0xa9: {  	v39 =	vld [tilespmem:$0x149F0];
	v45 =	vor.u32 $0xD, v44;
	v49 =	vadd.s32 $0x7FFF, v49;
	v4 =	vmul.f32 v7, v33  }
0xaa: {  	v52 =	vld.idx.msk [tilespmem:v46+s4+$0x0], $0xffff;
	v63 =	vshrl.u32 v5, $0x10;
	v56 =	vadd.f32 v48, v56;
	v49 =	vand.u32 $0xFFFF0000, v49  }
0xab: {  	v40 =	vld [tilespmem:$0x149E0];
	v7 =	vmul.f32 v57, v35;
	v6 =	vmul.f32 v49, v34;
	v48 =	vadd.f32 v4, v51  }
0xac: {  	v41 =	vld [tilespmem:$0x14A00];
	v57 =	vand.u32 $0x1, v63;
	v49 =	vadd.f32 v62, v58;
	v58 =	vmax.f32 v50, $0.0e+00  }
0xad: {  	v50 =	vld.idx.msk [tilespmem:v55+s23+$0x0], $0xffff;
	v53 =	vadd.f32 v53, v56;
	v51 =	vadd.s32 v57, v5;
	v4 =	vadd.f32 v6, v48  }
0xae: {  	v44 =	vor.u32 $0xF, v44;
	v5 =	vshrl.u32 v58, $0x10;
	v51 =	vadd.s32 $0x7FFF, v51;
	v48 =	vld.idx.msk [tilespmem:v46+s22+$0x0], $0xffff  }
0xaf: {  	v47 =	vld.idx.msk [tilespmem:v45+s4+$0x0], $0xffff;
	v6 =	vand.u32 $0xFFFF0000, v51;
	v54 =	vadd.f32 v7, v4;
	v7 =	vmul.f32 v53, v12  }
0xb0: {  	v56 =	vadd.f32 v61, v59;
	v63 =	vand.u32 $0x1, v5;
	v51 =	vld.idx.msk [tilespmem:v46+s23+$0x0], $0xffff;
	v57 =	vmul.f32 v6, v37  }
0xb1: {  	s31 =	simm.s32 $0x7D00;
	s24 =	simm.s32 $0x10;
	s3 =	simm.s32 $0x7D00;
	v58 =	vadd.s32 v63, v58;
	v46 =	vmul.f32 v60, v12;
	v53 =	vld.idx.msk [tilespmem:v45+s22+$0x0], $0xffff;
	v55 =	vadd.f32 v7, v26  }
.LBB2_6:
0xb2: {  	p1 =	sne.s32 s24, $0x270;
	v54 =	vadd.f32 v57, v54;
	v57 =	vadd.s32 $0x7FFF, v58;
	v49 =	vadd.f32 v50, v49;
	s30 =	sadd.s32 $0x10, s30;
	s3 =	sadd.s32 $0x10, s3  }
0xb3: {  	v48 =	vadd.f32 v48, v52;
	s26 =	smov.u32 s24;
	s24 =	sadd.s32 $0x10, s24;
	v50 =	vand.u32 $0xFFFF0000, v57;
	v56 =	vmul.f32 v56, v12;
	v45 =	vld.idx.msk [tilespmem:v45+s23+$0x0], $0xffff  }
0xb4: {  	v52 =	vmax.f32 v55, $0.0e+00;
	v50 =	vmul.f32 v50, v36;
	v49 =	vmul.f32 v49, v12  }
0xb5: {  	v55 =	vshrl.u32 v52, $0x10;
	v48 =	vadd.f32 v51, v48;
	v56 =	vadd.f32 v56, v17  }
0xb6: {  	v51 =	vand.u32 $0x1, v55;
	v47 =	vadd.f32 v53, v47;
	v49 =	vadd.f32 v49, v16  }
0xb7: {  	v51 =	vadd.s32 v51, v52;
	v48 =	vmul.f32 v48, v12;
	v52 =	vmax.f32 v56, $0.0e+00;
	v53 =	vld.idx.msk [tilespmem:v44+s22+$0x0], $0xffff  }
0xb8: {  	v51 =	vadd.s32 $0x7FFF, v51;
	v55 =	vshrl.u32 v52, $0x10;
	v49 =	vmax.f32 v49, $0.0e+00;
	v56 =	vld.idx.msk [tilespmem:v44+s4+$0x0], $0xffff  }
0xb9: {  	v51 =	vand.u32 $0xFFFF0000, v51;
	v55 =	vand.u32 $0x1, v55;
	v57 =	vshrl.u32 v49, $0x10  }
0xba: {  	v48 =	vadd.f32 v48, v15;
	v52 =	vadd.s32 v55, v52;
	v55 =	vand.u32 $0x1, v57;
	v44 =	vld.idx.msk [tilespmem:v44+s23+$0x0], $0xffff  }
0xbb: {  	v45 =	vadd.f32 v45, v47;
	v52 =	vadd.s32 $0x7FFF, v52;
	v49 =	vadd.s32 v55, v49  }
0xbc: {  	v47 =	vmul.f32 v51, v31;
	v51 =	vand.u32 $0xFFFF0000, v52;
	v49 =	vadd.s32 $0x7FFF, v49  }
0xbd: {  	v48 =	vmax.f32 v48, $0.0e+00;
	v51 =	vmul.f32 v51, v38;
	v49 =	vand.u32 $0xFFFF0000, v49  }
0xbe: {  	v45 =	vmul.f32 v45, v12;
	v47 =	vadd.f32 v47, v54;
	v52 =	vshrl.u32 v48, $0x10  }
0xbf: {  	v52 =	vand.u32 $0x1, v52;
	v53 =	vadd.f32 v53, v56;
	v49 =	vmul.f32 v49, v43  }
0xc0: {  	v45 =	vadd.f32 v45, v14;
	v47 =	vadd.f32 v50, v47;
	v48 =	vadd.s32 v52, v48  }
0xc1: {  	v46 =	vadd.f32 v46, v13;
	v48 =	vadd.s32 $0x7FFF, v48;
	v44 =	vadd.f32 v44, v53  }
0xc2: {  	v45 =	vmax.f32 v45, $0.0e+00;
	v47 =	vadd.f32 v51, v47;
	v48 =	vand.u32 $0xFFFF0000, v48  }
0xc3: {  	v46 =	vmax.f32 v46, $0.0e+00;
	v50 =	vshrl.u32 v45, $0x10;
	v44 =	vmul.f32 v44, v12  }
0xc4: {  	v47 =	vadd.f32 v49, v47;
	v49 =	vand.u32 $0x1, v50;
	v50 =	vshrl.u32 v46, $0x10  }
0xc5: {  	v45 =	vadd.s32 v49, v45;
	v49 =	vand.u32 $0x1, v50;
	v44 =	vadd.f32 v44, v11  }
0xc6: {  	v48 =	vmul.f32 v48, v40;
	v45 =	vadd.s32 $0x7FFF, v45;
	v46 =	vadd.s32 v49, v46  }
0xc7: {  	v45 =	vand.u32 $0xFFFF0000, v45;
	v46 =	vadd.s32 $0x7FFF, v46;
	v44 =	vmax.f32 v44, $0.0e+00  }
0xc8: {  	v47 =	vadd.f32 v48, v47;
	v45 =	vmul.f32 v45, v39;
	v48 =	vshrl.u32 v44, $0x10  }
0xc9: {  	v46 =	vand.u32 $0xFFFF0000, v46;
	v48 =	vand.u32 $0x1, v48  }
0xca: {  	v46 =	vmul.f32 v46, v41;
	v45 =	vadd.f32 v45, v47;
	v44 =	vadd.s32 v48, v44  }
0xcb: {  	v44 =	vadd.s32 $0x7FFF, v44  }
0xcc: {  	v47 =	vmov s26;
	v45 =	vadd.f32 v46, v45;
	v44 =	vand.u32 $0xFFFF0000, v44  }
0xcd: {  	v46 =	vshll.u32 v47, $0x4;
	v44 =	vmul.f32 v44, v42  }
0xce: {  	v52 =	vor.u32 v10, v46  }
0xcf: {  	v51 =	vor.u32 $0x1, v52;
	v53 =	vor.u32 $0x2, v52;
	v44 =	vadd.f32 v44, v45  }
0xd0: {  	v54 =	vor.u32 $0x3, v52;
	v55 =	vor.u32 $0x4, v52;
	v56 =	vor.u32 $0x5, v52  }
0xd1: {  	v57 =	vor.u32 $0x7, v52;
	v50 =	vor.u32 $0x8, v52;
	v12 =	vmul.f32 v44, v12  }
0xd2: {  	v48 =	vor.u32 $0xA, v52;
	v47 =	vor.u32 $0xB, v52;
	v46 =	vor.u32 $0xC, v52  }
0xd3: {  	v49 =	vor.u32 $0xE, v52;
	v45 =	vor.u32 $0xD, v52;
	v44 =	vor.u32 $0xF, v52;
	[tilespmem:s31+$0x0] =	vst v12;
	s31 =	smov.u32 s3  }
0xd4: {  	v12 =	vld [tilespmem:s30+$0x0]  }
0xd5: {  	v58 =	vld.idx.msk [tilespmem:v53+s23+$0x0], $0xffff  }
0xd6: {  	v59 =	vld.idx.msk [tilespmem:v54+s23+$0x0], $0xffff  }
0xd7: {  	v60 =	vld.idx.msk [tilespmem:v54+s4+$0x0], $0xffff  }
0xd8: {  	v61 =	vld.idx.msk [tilespmem:v49+s22+$0x0], $0xffff  }
0xd9: {  	v62 =	vld.idx.msk [tilespmem:v53+s4+$0x0], $0xffff  }
0xda: {  	v53 =	vld.idx.msk [tilespmem:v53+s22+$0x0], $0xffff  }
0xdb: {  	v54 =	vld.idx.msk [tilespmem:v54+s22+$0x0], $0xffff  }
0xdc: {  	v63 =	vld.idx.msk [tilespmem:v52+s4+$0x0], $0xffff  }
0xdd: {  	v3 =	vld.idx.msk [tilespmem:v51+s4+$0x0], $0xffff  }
0xde: {  	v4 =	vld.idx.msk [tilespmem:v51+s22+$0x0], $0xffff  }
0xdf: {  	v5 =	vld.idx.msk [tilespmem:v52+s22+$0x0], $0xffff  }
0xe0: {  	v53 =	vadd.f32 v53, v62;
	v62 =	vor.u32 $0x6, v52;
	v6 =	vld.idx.msk [tilespmem:v52+s23+$0x0], $0xffff  }
0xe1: {  	v54 =	vadd.f32 v54, v60;
	v60 =	vld.idx.msk [tilespmem:v49+s4+$0x0], $0xffff  }
0xe2: {  	v53 =	vadd.f32 v58, v53;
	v51 =	vld.idx.msk [tilespmem:v51+s23+$0x0], $0xffff  }
0xe3: {  	v54 =	vadd.f32 v59, v54  }
0xe4: {  	v3 =	vadd.f32 v4, v3;
	v4 =	vmul.f32 v53, v12  }
0xe5: {  	v5 =	vadd.f32 v5, v63;
	v53 =	vmul.f32 v54, v12;
	v54 =	vld.idx.msk [tilespmem:v62+s22+$0x0], $0xffff  }
0xe6: {  	v4 =	vadd.f32 v4, v20;
	v58 =	vld.idx.msk [tilespmem:v55+s4+$0x0], $0xffff  }
0xe7: {  	v5 =	vadd.f32 v6, v5;
	v6 =	vadd.f32 v53, v21;
	v53 =	vld.idx.msk [tilespmem:v55+s22+$0x0], $0xffff  }
0xe8: {  	v3 =	vadd.f32 v51, v3;
	v4 =	vmax.f32 v4, $0.0e+00;
	v51 =	vadd.f32 v61, v60;
	v59 =	vld.idx.msk [tilespmem:v56+s22+$0x0], $0xffff  }
0xe9: {  	v52 =	vor.u32 $0x9, v52;
	v5 =	vmul.f32 v5, v12;
	v60 =	vshrl.u32 v4, $0x10;
	v55 =	vld.idx.msk [tilespmem:v55+s23+$0x0], $0xffff  }
0xea: {  	v6 =	vmax.f32 v6, $0.0e+00;
	v3 =	vmul.f32 v3, v12;
	v60 =	vand.u32 $0x1, v60;
	v61 =	vld.idx.msk [tilespmem:v56+s4+$0x0], $0xffff  }
0xeb: {  	v5 =	vadd.f32 v5, v18;
	v4 =	vadd.s32 v60, v4;
	v60 =	vshrl.u32 v6, $0x10;
	v63 =	vld.idx.msk [tilespmem:v62+s4+$0x0], $0xffff  }
0xec: {  	v3 =	vadd.f32 v3, v19;
	v4 =	vadd.s32 $0x7FFF, v4;
	v60 =	vand.u32 $0x1, v60;
	v56 =	vld.idx.msk [tilespmem:v56+s23+$0x0], $0xffff  }
0xed: {  	v5 =	vmax.f32 v5, $0.0e+00;
	v4 =	vand.u32 $0xFFFF0000, v4;
	v6 =	vadd.s32 v60, v6  }
0xee: {  	v53 =	vadd.f32 v53, v58;
	v4 =	vmul.f32 v4, v30;
	v6 =	vadd.s32 $0x7FFF, v6;
	v58 =	vld.idx.msk [tilespmem:v57+s22+$0x0], $0xffff  }
0xef: {  	v60 =	vshrl.u32 v5, $0x10;
	v3 =	vmax.f32 v3, $0.0e+00;
	v6 =	vand.u32 $0xFFFF0000, v6;
	v62 =	vld.idx.msk [tilespmem:v62+s23+$0x0], $0xffff  }
0xf0: {  	v60 =	vand.u32 $0x1, v60;
	v7 =	vshrl.u32 v3, $0x10;
	v6 =	vmul.f32 v6, v32;
	v8 =	vld.idx.msk [tilespmem:v57+s4+$0x0], $0xffff  }
0xf1: {  	v5 =	vadd.s32 v60, v5;
	v7 =	vand.u32 $0x1, v7;
	v54 =	vadd.f32 v54, v63;
	v60 =	vld.idx.msk [tilespmem:v52+s22+$0x0], $0xffff  }
0xf2: {  	v5 =	vadd.s32 $0x7FFF, v5;
	v3 =	vadd.s32 v7, v3;
	v7 =	vadd.f32 v59, v61;
	v57 =	vld.idx.msk [tilespmem:v57+s23+$0x0], $0xffff  }
0xf3: {  	v53 =	vadd.f32 v55, v53;
	v5 =	vand.u32 $0xFFFF0000, v5;
	v3 =	vadd.s32 $0x7FFF, v3;
	v55 =	vld.idx.msk [tilespmem:v50+s4+$0x0], $0xffff  }
0xf4: {  	v5 =	vmul.f32 v5, v28;
	v3 =	vand.u32 $0xFFFF0000, v3;
	v7 =	vadd.f32 v56, v7;
	v56 =	vld.idx.msk [tilespmem:v52+s4+$0x0], $0xffff  }
0xf5: {  	v53 =	vmul.f32 v53, v12;
	v3 =	vmul.f32 v3, v29;
	v54 =	vadd.f32 v62, v54;
	v59 =	vld.idx.msk [tilespmem:v50+s22+$0x0], $0xffff  }
0xf6: {  	v5 =	vadd.f32 $0.0e+00, v5;
	v8 =	vadd.f32 v58, v8  }
0xf7: {  	v53 =	vadd.f32 v53, v22;
	v7 =	vmul.f32 v7, v12;
	v54 =	vmul.f32 v54, v12;
	v52 =	vld.idx.msk [tilespmem:v52+s23+$0x0], $0xffff  }
0xf8: {  	v3 =	vadd.f32 v3, v5;
	v5 =	vadd.f32 v57, v8  }
0xf9: {  	v7 =	vadd.f32 v7, v23;
	v8 =	vmax.f32 v53, $0.0e+00;
	v53 =	vadd.f32 v54, v24  }
0xfa: {  	v3 =	vadd.f32 v4, v3;
	v4 =	vshrl.u32 v8, $0x10;
	v54 =	vadd.f32 v60, v56;
	v56 =	vld.idx.msk [tilespmem:v48+s22+$0x0], $0xffff  }
0xfb: {  	v7 =	vmax.f32 v7, $0.0e+00;
	v4 =	vand.u32 $0x1, v4;
	v53 =	vmax.f32 v53, $0.0e+00;
	v57 =	vld.idx.msk [tilespmem:v48+s4+$0x0], $0xffff  }
0xfc: {  	v5 =	vmul.f32 v5, v12;
	v4 =	vadd.s32 v4, v8;
	v8 =	vshrl.u32 v53, $0x10  }
0xfd: {  	v4 =	vadd.s32 $0x7FFF, v4;
	v8 =	vand.u32 $0x1, v8;
	v58 =	vld.idx.msk [tilespmem:v50+s23+$0x0], $0xffff;
	v50 =	vadd.f32 v52, v54  }
0xfe: {  	v4 =	vand.u32 $0xFFFF0000, v4;
	v52 =	vshrl.u32 v7, $0x10;
	v8 =	vadd.s32 v8, v53;
	v53 =	vld.idx.msk [tilespmem:v47+s22+$0x0], $0xffff  }
0xff: {  	v4 =	vmul.f32 v4, v33;
	v52 =	vand.u32 $0x1, v52;
	v8 =	vadd.s32 $0x7FFF, v8;
	v54 =	vld.idx.msk [tilespmem:v47+s4+$0x0], $0xffff  }
0x100: {  	v5 =	vadd.f32 v5, v25;
	v8 =	vand.u32 $0xFFFF0000, v8;
	v50 =	vmul.f32 v50, v12;
	v60 =	vld.idx.msk [tilespmem:v48+s23+$0x0], $0xffff  }
0x101: {  	v3 =	vadd.f32 v6, v3;
	v6 =	vadd.s32 v52, v7;
	v7 =	vadd.f32 v56, v57;
	v56 =	vld.idx.msk [tilespmem:v49+s23+$0x0], $0xffff  }
0x102: {  	v5 =	vmax.f32 v5, $0.0e+00;
	v8 =	vmul.f32 v8, v35;
	v48 =	vadd.f32 v50, v27  }
0x103: {  	v52 =	vadd.f32 v59, v55;
	v6 =	vadd.s32 $0x7FFF, v6;
	v49 =	vshrl.u32 v5, $0x10  }
0x104: {  	v6 =	vand.u32 $0xFFFF0000, v6;
	v55 =	vand.u32 $0x1, v49;
	v59 =	vmax.f32 v48, $0.0e+00;
	v48 =	vld.idx.msk [tilespmem:v46+s22+$0x0], $0xffff  }
0x105: {  	v3 =	vadd.f32 v4, v3;
	v4 =	vmul.f32 v6, v34;
	v49 =	vadd.f32 v53, v54;
	v50 =	vld.idx.msk [tilespmem:v47+s23+$0x0], $0xffff  }
.Ltmp2:
0x106: {  	v6 =	vadd.f32 v58, v52;
	v5 =	vadd.s32 v55, v5;
	v53 =	vshrl.u32 v59, $0x10;
	v52 =	vld.idx.msk [tilespmem:v46+s4+$0x0], $0xffff;
	(pc) =	sbr.rel @p1 .LBB2_6-.Ltmp2, $4  }
0x107: {  	v3 =	vadd.f32 v4, v3;
	v4 =	vadd.s32 $0x7FFF, v5;
	v5 =	vadd.f32 v56, v51;
	v47 =	vld.idx.msk [tilespmem:v45+s4+$0x0], $0xffff  }
0x108: {  	v6 =	vmul.f32 v6, v12;
	v4 =	vand.u32 $0xFFFF0000, v4;
	v56 =	vand.u32 $0x1, v53;
	v51 =	vld.idx.msk [tilespmem:v46+s23+$0x0], $0xffff  }
0x109: {  	v54 =	vadd.f32 v8, v3;
	v57 =	vmul.f32 v4, v37;
	v46 =	vmul.f32 v5, v12;
	v53 =	vld.idx.msk [tilespmem:v45+s22+$0x0], $0xffff  }
0x10a: {  	v55 =	vadd.f32 v6, v26;
	v58 =	vadd.s32 v56, v59;
	v56 =	vadd.f32 v60, v7  }
0x10b: {  	_ =	sdelay $0x2  }
0x10c: {  	v3 =	vadd.f32 v57, v54  }
0x10d: {  	v4 =	vadd.s32 $0x7FFF, v58;
	v5 =	vadd.f32 v50, v49;
	v7 =	vadd.f32 v48, v52;
	v49 =	vld.idx.msk [tilespmem:v45+s23+$0x0], $0xffff  }
0x10e: {  	v19 =	vld.idx.msk [tilespmem:v44+s22+$0x0], $0xffff;
	v13 =	vadd.f32 v46, v13;
	v6 =	vmul.f32 v56, v12;
	v8 =	vmax.f32 v55, $0.0e+00  }
0x10f: {  	v20 =	vld.idx.msk [tilespmem:v44+s4+$0x0], $0xffff;
	v4 =	vand.u32 $0xFFFF0000, v4;
	v5 =	vmul.f32 v5, v12;
	v18 =	vshrl.u32 v8, $0x10  }
0x110: {  	v4 =	vmul.f32 v4, v36;
	v7 =	vadd.f32 v51, v7;
	v13 =	vmax.f32 v13, $0.0e+00  }
0x111: {  	v6 =	vadd.f32 v6, v17;
	v37 =	vand.u32 $0x1, v18;
	v48 =	vadd.f32 v53, v47  }
0x112: {  	v5 =	vadd.f32 v5, v16;
	v8 =	vadd.s32 v37, v8;
	v7 =	vmul.f32 v7, v12  }
0x113: {  	v6 =	vmax.f32 v6, $0.0e+00;
	v8 =	vadd.s32 $0x7FFF, v8;
	v16 =	vadd.f32 v49, v48  }
0x114: {  	v53 =	vadd.f32 v19, v20;
	v50 =	vshrl.u32 v6, $0x10;
	v5 =	vmax.f32 v5, $0.0e+00  }
0x115: {  	v8 =	vand.u32 $0xFFFF0000, v8;
	v7 =	vadd.f32 v7, v15;
	v17 =	vand.u32 $0x1, v50  }
0x116: {  	v52 =	vld.idx.msk [tilespmem:v44+s23+$0x0], $0xffff;
	v21 =	vshrl.u32 v5, $0x10;
	v8 =	vmul.f32 v8, v31;
	v16 =	vmul.f32 v16, v12  }
0x117: {  	v6 =	vadd.s32 v17, v6;
	v51 =	vand.u32 $0x1, v21;
	v7 =	vmax.f32 v7, $0.0e+00  }
0x118: {  	v6 =	vadd.s32 $0x7FFF, v6;
	v5 =	vadd.s32 v51, v5;
	v3 =	vadd.f32 v8, v3  }
0x119: {  	v8 =	vshrl.u32 v7, $0x10;
	v55 =	vadd.f32 v16, v14;
	v6 =	vand.u32 $0xFFFF0000, v6  }
0x11a: {  	v5 =	vadd.s32 $0x7FFF, v5;
	v8 =	vand.u32 $0x1, v8;
	v6 =	vmul.f32 v6, v38  }
0x11b: {  	v5 =	vand.u32 $0xFFFF0000, v5;
	v54 =	vadd.s32 v8, v7;
	v8 =	vadd.f32 v52, v53  }
0x11c: {  	v3 =	vadd.f32 v4, v3;
	v56 =	vmax.f32 v55, $0.0e+00;
	v5 =	vmul.f32 v5, v43  }
0x11d: {  	v4 =	vadd.s32 $0x7FFF, v54;
	v57 =	vmul.f32 v8, v12;
	v8 =	vshrl.u32 v56, $0x10  }
0x11e: {  	v3 =	vadd.f32 v6, v3;
	v4 =	vand.u32 $0xFFFF0000, v4;
	v58 =	vand.u32 $0x1, v8  }
0x11f: {  	v8 =	vshrl.u32 v13, $0x10;
	v4 =	vmul.f32 v4, v40;
	v7 =	vadd.f32 v57, v11  }
0x120: {  	v3 =	vadd.f32 v5, v3;
	v5 =	vadd.s32 v58, v56;
	v59 =	vand.u32 $0x1, v8  }
0x121: {  	v5 =	vadd.s32 $0x7FFF, v5;
	v6 =	vadd.s32 v59, v13;
	v7 =	vmax.f32 v7, $0.0e+00  }
0x122: {  	v5 =	vand.u32 $0xFFFF0000, v5;
	v6 =	vadd.s32 $0x7FFF, v6;
	v8 =	vshrl.u32 v7, $0x10  }
0x123: {  	v3 =	vadd.f32 v4, v3;
	v60 =	vmul.f32 v5, v39;
	v61 =	vand.u32 $0x1, v8  }
0x124: {  	v6 =	vand.u32 $0xFFFF0000, v6;
	v5 =	vadd.s32 v61, v7  }
0x125: {  	v62 =	vmul.f32 v6, v41;
	v3 =	vadd.f32 v60, v3;
	v5 =	vadd.s32 $0x7FFF, v5  }
0x126: {  	v5 =	vand.u32 $0xFFFF0000, v5  }
0x127: {  	v3 =	vadd.f32 v62, v3;
	v63 =	vmul.f32 v5, v42;
	_ =	sdelay $0x1  }
0x128: {  	v3 =	vadd.f32 v63, v3;
	_ =	sdelay $0x1  }
0x129: {  	v3 =	vmul.f32 v3, v12;
	_ =	sdelay $0x1  }
0x12a: {  	s3 =	simm.s32 $0x7D00;
	[tilespmem:s31+$0x0] =	vst v3  }
0x12b: {  	[spmem:s18] =	stream.linear.scatter [tilespmem:s3], [sflag:$0x1], $0x280, $0x38;
	[tilespmem:$0x15038] =	vst v63  }
0x12c: {  	_ =	swait.ge [sflag:s21], $0x280  }
0x12d: {  	[sflag:s21] =	ssyncset.done $0x0  }
0x12e: {  	[sflag:s21] =	ssyncadd.s32 $0xFFFFFD80  }
0x12f: {  	[bflag:$0x0] =	sbarrier.arrive $0xFFFF  }
0x130: {  	s31 =	rddreg [dreg:$0x3]  }
0x131: {  	[tilespmem:s0], [sflag:$0x1] =	stream.linear.gather [spmem:s31], $0x2800, $0x38;
	[tilespmem:$0x15038] =	vst v63  }
0x132: {  	_ =	swait.ge [sflag:s21], $0x2800  }
0x133: {  	[sflag:s21] =	ssyncset.done $0x0  }
0x134: {  	s24 =	simm.s32 $0x0;
	s3 =	simm.s32 $0x40;
	[sflag:s21] =	ssyncadd.s32 $0xFFFFD800  }
.LBB2_8:
0x135: {  	p1 =	sne.s32 s3, $0x9C00;
	v3 =	vld [tilespmem:s24+$0xAA00];
	_ =	sdelay $0x5  }
0x136: {  	v4 =	vld [tilespmem:s24+$0xD110];
	_ =	sdelay $0x1  }
0x137: {  	v3 =	vld.idx.msk [tilespmem:v3+s0+$0x0], $0xffff;
	_ =	sdelay $0x1  }
.Ltmp3:
0x138: {  	(pc) =	sbr.rel @p1 .LBB2_8-.Ltmp3, $2  }
0x139: {  	_ =	sdelay $0x2  }
0x13a: {  	s24 =	sshra.s32 s3, $0x2;
	s3 =	sadd.s32 $0x40, s3;
	[tilespmem:v4+s1+$0x0] =	vst.idx.add.f32.msk $0xffff, v3  }
0x13b: {  	v3 =	vld [tilespmem:s24+$0xAA00];
	_ =	sdelay $0x4  }
0x13c: {  	v4 =	vld [tilespmem:s24+$0xD110];
	_ =	sdelay $0x2  }
0x13d: {  	v3 =	vld.idx.msk [tilespmem:v3+s0+$0x0], $0xffff;
	_ =	sdelay $0x4  }
0x13e: {  	s3 =	rddreg [dreg:$0x1];
	s26 =	simm.s32 $0x12020;
	[tilespmem:v4+s1+$0x0] =	vst.idx.add.f32.msk $0xffff, v3  }
0x13f: {  	[spmem:s3] =	stream.indirect.scatter.add.f32 [tilespmem:s1], [sflag:$0x1], $0x1, s26, s22, $0xb8;
	[tilespmem:$0x15038] =	vst v63  }
0x140: {  	_ =	swait.ge [sflag:s21], $0x2800  }
0x141: {  	[sflag:s21] =	ssyncset.done $0x0  }
0x142: {  	[sflag:s21] =	ssyncadd.s32 $0xFFFFD800  }
0x143: {  	s30 =	simm.s32 $0x7F80;
	[bflag:$0x0] =	sbarrier.arrive $0xFFFF  }
0x144: {  	[tilespmem:s30], [sflag:$0x1] =	stream.linear.gather [spmem:s9], $0x280, $0x38;
	[tilespmem:$0x15038] =	vst v63  }
0x145: {  	_ =	swait.ge [sflag:s21], $0x280  }
0x146: {  	[sflag:s21] =	ssyncset.done $0x0  }
0x147: {  	s31 =	simm.s32 $0x0;
	[sflag:s21] =	ssyncadd.s32 $0xFFFFFD80  }
0x148: {  	v3 =	vld.idx.msk [tilespmem:v0+s31+$0x0 ss:$0x1], $0xffff;
	_ =	sdelay $0x1  }
0x149: {  	v63 =	vld [tilespmem:s31+$0x7F80]  }
0x14a: {  	v5 =	vld [tilespmem:$0x14B20]  }
0x14b: {  	v6 =	vld [tilespmem:s31+$0x7800]  }
0x14c: {  	v3 =	vmul.f32 $5.000000000e-01, v3  }
0x14d: {  	v7 =	vld [tilespmem:s31+$0x7A80]  }
0x14e: {  	v3 =	vadd.f32 v3, v63;
	_ =	sdelay $0x1  }
0x14f: {  	v11 =	vmul.f32 $5.000000000e-01, v5;
	v3 =	vmul.f32 v3, v6;
	_ =	sdelay $0x1  }
0x150: {  	v3 =	vadd.f32 v3, v11  }
0x151: {  	p1 =	slt.u32 s5, $0x2710  }
0x152: {  	v3 =	vpsel !p1, $0x0, v3  }
0x153: {  	s24 =	simm.s32 $0x80;
	s26 =	simm.s32 $0x10;
	s3 =	smov.u32 s5;
	[tilespmem:v7+s25+$0x0] =	vst.idx.add.f32.msk $0xffff, v3  }
.LBB2_10:
0x154: {  	p1 =	sne.s32 s24, $0x9C0;
	v3 =	vld.idx.msk [tilespmem:v0+s26+$0x0 ss:$0x1], $0xffff;
	_ =	sdelay $0x2  }
0x155: {  	v4 =	vld [tilespmem:s26+$0x7F80];
	_ =	sdelay $0x1  }
0x156: {  	v5 =	vld [tilespmem:s26+$0x7800]  }
0x157: {  	v3 =	vmul.f32 $5.000000000e-01, v3  }
0x158: {  	v6 =	vld [tilespmem:s26+$0x7A80]  }
0x159: {  	v3 =	vadd.f32 v3, v4;
	_ =	sdelay $0x1  }
0x15a: {  	v3 =	vmul.f32 v3, v5  }
.Ltmp4:
0x15b: {  	(pc) =	sbr.rel @p1 .LBB2_10-.Ltmp4, $4  }
0x15c: {  	s3 =	sadd.s32 $0x10, s3;
	v3 =	vadd.f32 v3, v11  }
0x15d: {  	p2 =	slt.u32 s3, $0x2710  }
0x15e: {  	v3 =	vpsel !p2, $0x0, v3  }
0x15f: {  	s26 =	sshra.s32 s24, $0x2;
	s24 =	sadd.s32 $0x40, s24;
	[tilespmem:v6+s25+$0x0] =	vst.idx.add.f32.msk $0xffff, v3  }
0x160: {  	_ =	sdelay $0x3  }
0x161: {  	v3 =	vld.idx.msk [tilespmem:v0+s26+$0x0 ss:$0x1], $0xffff;
	_ =	sdelay $0x1  }
0x162: {  	v4 =	vld [tilespmem:s26+$0x7F80];
	_ =	sdelay $0x1  }
0x163: {  	v5 =	vld [tilespmem:s26+$0x7800]  }
0x164: {  	v3 =	vmul.f32 $5.000000000e-01, v3  }
0x165: {  	v6 =	vld [tilespmem:s26+$0x7A80]  }
0x166: {  	v3 =	vadd.f32 v3, v4;
	_ =	sdelay $0x1  }
0x167: {  	v3 =	vmul.f32 v3, v5;
	_ =	sdelay $0x1  }
0x168: {  	s3 =	sadd.s32 $0x10, s3;
	v3 =	vadd.f32 v3, v11  }
0x169: {  	p1 =	slt.u32 s3, $0x2710  }
0x16a: {  	v3 =	vpsel !p1, $0x0, v3  }
0x16b: {  	s31 =	simm.s32 $0x80;
	[tilespmem:v6+s25+$0x0] =	vst.idx.add.f32.msk $0xffff, v3  }
0x16c: {  	[spmem:s2] =	stream.indirect.scatter.add.f32 [tilespmem:s25], [sflag:$0x1], $0x1, s28, s31, $0xb8;
	[tilespmem:$0x15038] =	vst v63  }
0x16d: {  	_ =	swait.ge [sflag:s21], $0x80  }
0x16e: {  	[sflag:s21] =	ssyncset.done $0x0  }
0x16f: {  	s24 =	simm.s32 @!p0 $0x1C01;
	s29 =	sadd.s32 $0x1, s29;
	[sflag:s21] =	ssyncadd.s32 $0xFFFFFF80  }
0x170: {  	s3 =	sshrl.u32 @!p0 s2, $0x3;
	p1 =	sne.s32 s29, s20;
	[bflag:$0x0] =	sbarrier.arrive $0xFFFF  }
0x171: {  	[hbm:s19], [sflag:s24] =	dma.local @!p0 [spmem:s3], $0x10  }
.Ltmp5:
0x172: {  	_ = 	snop;
	(pc) =	sbr.rel @p1 .LBB2_1-.Ltmp5, $4  }
0x173: {  	s3 =	simm.s32 @!p0 $0x1  }
0x174: {  	_ =	swait.ge @!p0 [sflag:s3], $0x10  }
0x175: {  	[sflag:s3] =	ssyncset.done @!p0 $0x0  }
0x176: {  	[sflag:s3] =	ssyncadd.s32 @!p0 $0xFFFFFFF0  }
0x177: {  	_ =	sfence.sel $0x180000  }
0x178: {  	[bflag:$0x0] =	sbarrier.arrive $0xFFFF  }
0x179: {  	_ =	strace $0x9000004D  }
0x17a: {  	[bflag:$0x2] =	sbarrier.arrive $0xFFFF  }
0x17b: {  	s0 =	rddreg [dreg:$0x4]  }
0x17c: {  	s0 =	sadd.s32 @!p0 $0x100000, s0  }
0x17d: {  	[sflag:s0] =	ssyncadd.tile.s32 @!p0 $0x1;
	_ =	shalt  }
.Lfunc_end2:
_tile_overlayer_lowered:
.L_overlay_start_2:
0x17e: {  	(tag) =	ssettag $0x2  }
0x17f: {  	s0 =	rddreg [dreg:$0x0];
	s2 =	stileid.u32  }
0x180: {  	s1 =	rddreg [dreg:$0x1];
	p0 =	sne.s32 s2, $0x0  }
0x181: {  	s3 =	rddreg [dreg:$0x2];
	[bflag:$0x3] =	sbarrier.arrive $0xFFFF;
	s2 =	simm.s32 @!p0 $0x1C01  }
0x182: {  	[timem:s3], [sflag:s2] =	dma.local @!p0 [hbm:s0], s1  }
0x183: {  	s0 =	simm.s32 @!p0 $0x1  }
0x184: {  	_ =	swait.ge @!p0 [sflag:s0], s1  }
0x185: {  	s1 =	ssub.s32 @!p0 $0x0, s1;
	[sflag:s0] =	ssyncset.done @!p0 $0x0  }
0x186: {  	[sflag:s0] =	ssyncadd.s32 @!p0 s1  }
0x187: {  	[bflag:$0x3] =	sbarrier.arrive $0xFFFF  }
0x188: {  	_ =	shalt  }

// kernel: kernel.6.cloned.1.call-start
scs
__scs_entry_jumppad:
0x0: {  	(pc) =	sbr.rel $0x88, $3  }
0x1: {  	(tag) =	ssettag $0x0;
	lr =	simm.s32 $0x1  }
0x2: {  	[smem:$0x3F9A] =	sst lr;
	_ =	strace $0xD0000000  }
0x3: {  	_ = 	snop  }
0x4: {  	_ = 	snop  }
0x5: {  	_ = 	snop  }
0x6: {  	_ = 	snop  }
0x7: {  	_ = 	snop  }
__scs_overlays_trampoline_lowered:
0x8: {  	[smem:$0x3FA9] =	sst s0  }
0x9: {  	[smem:$0x3FAA] =	sst s1  }
0xa: {  	[smem:$0x3FAB] =	sst s2  }
0xb: {  	[smem:$0x3FAC] =	sst s3  }
0xc: {  	[smem:$0x3FAD] =	sst s4  }
0xd: {  	[smem:$0x3FAE] =	sst s5  }
0xe: {  	[smem:$0x3FAF] =	sst s6  }
0xf: {  	[smem:$0x3FB0] =	sst s7  }
0x10: {  	[smem:$0x3FB1] =	sst s8  }
0x11: {  	[smem:$0x3FB2] =	sst s9;
	s0 =	simm.s32 @!p0 $0x0  }
0x12: {  	s1 =	sld [smem:$0x3F98];
	s0 =	simm.s32 @p0 $0x1  }
0x13: {  	[smem:$0x3FB3] =	sst s0;
	s0 =	simm.s32 @!p1 $0x0  }
0x14: {  	s2 =	sld [smem:$0x3F97];
	s0 =	simm.s32 @p1 $0x1  }
0x15: {  	[smem:$0x3FB4] =	sst s0;
	s0 =	simm.s32 @!p2 $0x0  }
0x16: {  	s3 =	sld [smem:$0x3FDB];
	s0 =	simm.s32 @p2 $0x1  }
0x17: {  	s4 =	simm.s32 $0x1BF5;
	[smem:$0x3FB6] =	sst s0  }
0x18: {  	s0 =	sld [smem:$0x3F99];
	_ =	swait.ge [sflag:s4], $0x0  }
0x19: {  	s7 =	sld [smem:$0x3F9A]  }
0x1a: {  	s8 =	sadd.s32 $0xFFFFE003, lr  }
0x1b: {  	s9 =	sadd.s32 $0xFFFFFEF7, lr;
	s5 =	simm.s32 $0xFFFFFFFF;
	p2 =	slt.u32 s8, $0xFFFFF086  }
0x1c: {  	p1 =	slt.u32 s9, $0xF7A;
	s5 =	simm.s32 @!p2 $0x0  }
0x1d: {  	s5 =	simm.s32 @p1 $0x1;
	p0 =	seq.s32 s7, s2  }
0x1e: {  	s7 =	smul.u32 @!p0 $0xF7A, s2;
	p2 =	seq.s32 @!p0 s5, $0x0  }
0x1f: {  	s9 =	smul.u32 $0xF7A, s1;
	s8 =	simm.s32 @!p0 $0x1BF5;
	p2 =	por !p2, p0  }
0x20: {  	[sflag:s8] =	ssyncset.s32 @!p0 $0xFFFFF086;
	s6 =	sadd.s32 @!p0 s3, s7;
	s7 =	simm.s32 @!p0 $0x108  }
0x21: {  	s3 =	sadd.s32 s3, s9;
	s6 =	sadd.s32 @!p0 $0x88, s6;
	s7 =	simm.s32 @p2 $0x1082  }
0x22: {  	[simem:s7], [sflag:s8] =	dma.local @!p0 [hbm:s6], $0xF7A  }
0x23: {  	s9 =	sor.u32 $0xD0000000, s2;
	s6 =	simm.s32 $0x108;
	_ =	swait.ge @!p0 [sflag:s8], $0x0  }
0x24: {  	s3 =	sadd.s32 $0x88, s3;
	s6 =	simm.s32 @!p1 $0x1082;
	[sflag:s4] =	ssyncset.s32 $0xFFFFF086  }
0x25: {  	[simem:s6], [sflag:s4] =	dma.local [hbm:s3], $0xF7A  }
0x26: {  	[smem:$0x3F9A] =	sst s1;
	(tag) =	ssettag s2;
	_ =	strace s9  }
0x27: {  	s1 =	sld [smem:$0x3FAA]  }
0x28: {  	s2 =	sld [smem:$0x3FAB]  }
0x29: {  	s4 =	sld [smem:$0x3FAD]  }
0x2a: {  	p0 =	seq.s32 s5, $0x0;
	s5 =	sld [smem:$0x3FAE]  }
0x2b: {  	s6 =	sld [smem:$0x3FAF]  }
0x2c: {  	s7 =	sld [smem:$0x3FB0]  }
0x2d: {  	s3 =	simm.s32 $0x108;
	s8 =	sld [smem:$0x3FB1]  }
0x2e: {  	s3 =	simm.s32 @!p0 $0x1082;
	s9 =	sld [smem:$0x3FB2]  }
0x2f: {  	lr =	sadd.s32 s0, s3;
	s0 =	sld [smem:$0x3FA9]  }
0x30: {  	s3 =	sld [smem:$0x3FAC]  }
0x31: {  	[smem:$0x3FB5] =	sst s10  }
0x32: {  	s10 =	sld [smem:$0x3FB3];
	_ =	sdelay $0x3  }
0x33: {  	p0 =	seq.s32 s10, $0x1;
	s10 =	sld [smem:$0x3FB5];
	_ =	sdelay $0x3  }
0x34: {  	[smem:$0x3FB5] =	sst s10  }
0x35: {  	s10 =	sld [smem:$0x3FB4];
	_ =	sdelay $0x3  }
0x36: {  	p1 =	seq.s32 s10, $0x1;
	s10 =	sld [smem:$0x3FB5];
	_ =	sdelay $0x3  }
0x37: {  	[smem:$0x3FB5] =	sst s10  }
0x38: {  	s10 =	sld [smem:$0x3FB6]  }
0x39: {  	_ = 	snop;
	(pc) =	sbr.ind lr, $3  }
0x3a: {  	_ = 	snop  }
0x3b: {  	_ = 	snop  }
0x3c: {  	p2 =	seq.s32 s10, $0x1;
	s10 =	sld [smem:$0x3FB5]  }
0x3d: {  	_ =	shalt  }
0x3e: {  	_ =	shalt  }
0x3f: {  	_ =	shalt  }
0x40: {  	_ =	shalt  }
0x41: {  	_ =	shalt  }
0x42: {  	_ =	shalt  }
0x43: {  	_ =	shalt  }
0x44: {  	_ =	shalt  }
0x45: {  	_ =	shalt  }
0x46: {  	_ =	shalt  }
0x47: {  	_ =	shalt  }
0x48: {  	_ =	shalt  }
0x49: {  	_ =	shalt  }
0x4a: {  	_ =	shalt  }
0x4b: {  	_ =	shalt  }
0x4c: {  	_ =	shalt  }
0x4d: {  	_ =	shalt  }
0x4e: {  	_ =	shalt  }
0x4f: {  	_ =	shalt  }
0x50: {  	_ =	shalt  }
0x51: {  	_ =	shalt  }
0x52: {  	_ =	shalt  }
0x53: {  	_ =	shalt  }
0x54: {  	_ =	shalt  }
0x55: {  	_ =	shalt  }
0x56: {  	_ =	shalt  }
0x57: {  	_ =	shalt  }
0x58: {  	_ =	shalt  }
0x59: {  	_ =	shalt  }
0x5a: {  	_ =	shalt  }
0x5b: {  	_ =	shalt  }
0x5c: {  	_ =	shalt  }
0x5d: {  	_ =	shalt  }
0x5e: {  	_ =	shalt  }
0x5f: {  	_ =	shalt  }
0x60: {  	_ =	shalt  }
0x61: {  	_ =	shalt  }
0x62: {  	_ =	shalt  }
0x63: {  	_ =	shalt  }
0x64: {  	_ =	shalt  }
0x65: {  	_ =	shalt  }
0x66: {  	_ =	shalt  }
0x67: {  	_ =	shalt  }
0x68: {  	_ =	shalt  }
0x69: {  	_ =	shalt  }
0x6a: {  	_ =	shalt  }
0x6b: {  	_ =	shalt  }
0x6c: {  	_ =	shalt  }
0x6d: {  	_ =	shalt  }
0x6e: {  	_ =	shalt  }
0x6f: {  	_ =	shalt  }
0x70: {  	_ =	shalt  }
0x71: {  	_ =	shalt  }
0x72: {  	_ =	shalt  }
0x73: {  	_ =	shalt  }
0x74: {  	_ =	shalt  }
0x75: {  	_ =	shalt  }
0x76: {  	_ =	shalt  }
0x77: {  	_ =	shalt  }
0x78: {  	_ =	shalt  }
0x79: {  	_ =	shalt  }
0x7a: {  	_ =	shalt  }
0x7b: {  	_ =	shalt  }
0x7c: {  	_ =	shalt  }
0x7d: {  	_ =	shalt  }
0x7e: {  	_ =	shalt  }
0x7f: {  	_ =	shalt  }
0x80: {  	_ =	shalt  }
0x81: {  	_ =	shalt  }
0x82: {  	_ =	shalt  }
0x83: {  	_ =	shalt  }
0x84: {  	_ =	shalt  }
0x85: {  	_ =	shalt  }
0x86: {  	_ =	shalt  }
0x87: {  	_ =	shalt  }
.Lfunc_end0:
.L_simem_size_0:
called_computation_lowered:
.L_overlay_start_0:
0x88: {  	s2 =	sld [smem:$0x3FD9]  }
0x89: {  	s3 =	sld [smem:$0x3FFE];
	_ =	sdelay $0x1  }
0x8a: {  	s1 =	srdreg.scid  }
0x8b: {  	s0 =	sand.u32 $0x1, s1  }
0x8c: {  	s16 =	sshll.u32 s0, $0xA;
	s2 =	sadd.s32 s3, s2  }
0x8d: {  	s2 =	sadd.s32 s2, s16  }
0x8e: {  	[smem:$0x3FC1] =	sst s2  }
0x8f: {  	_ = 	snop  }
0x90: {  	(tm) =	ssettm $0x1  }
0x91: {  	s17 =	sld [smem:$0x3FFB];
	_ =	sdelay $0x3  }
0x92: {  	_ =	strace s17  }
0x93: {  	s2 =	sld [smem:$0x3FFC];
	_ =	sdelay $0x3  }
0x94: {  	_ =	strace s2  }
0x95: {  	s2 =	sld [smem:$0x3FFD];
	_ =	sdelay $0x3  }
0x96: {  	_ =	strace s2  }
0x97: {  	_ =	strace $0x8FFFFFFF  }
0x98: {  	s18 =	sld [smem:$0x3FDB];
	_ =	sdelay $0x1  }
0x99: {  	s19 =	simm.s32 $_scs_section_size  }
0x9a: {  	s4 =	simm.s32 $_size__tile_overlayer_lowered;
	s5 =	simm.s32 $_tile_overlayer_lowered  }
0x9b: {  	s22 =	simm.s32 $0x1BFF;
	s21 =	sshll.u32 s5, $0x1;
	s2 =	sadd.s32 s19, s18  }
0x9c: {  	s6 =	simm.s32 $0x0;
	s20 =	sshll.u32 s4, $0x1;
	s4 =	sadd.s32 s21, s2  }
0x9d: {  	[timem:s6], [sflag:s22] =	dma.local [hbm:s4], s20  }
0x9e: {  	_ =	swait.ge [sflag:s22], s20  }
0x9f: {  	s3 =	ssub.s32 $0x0, s20;
	[sflag:s22] =	ssyncset.done $0x0  }
0xa0: {  	[sflag:s22] =	ssyncadd.s32 s3;
	_ =	sdelay $0x1  }
0xa1: {  	s23 =	simm.s32 $0x1B8B  }
0xa2: {  	_ =	swait.ge [sflag:s23], $0x1  }
0xa3: {  	[sflag:s23] =	ssyncset.done $0x0  }
0xa4: {  	s25 =	simm.s32 $0x1B8E;
	s24 =	sld [smem:$0x3FFE];
	[sflag:s23] =	ssyncadd.s32 $0xFFFFFFFF  }
0xa5: {  	s26 =	simm.s32 $execute0_lowered;
	[smem:$0x3FD2] =	sst s25  }
0xa6: {  	s4 =	sshll.u32 s26, $0x1;
	_ =	strace $0x80000046;
	[dreg:$0x1] =	wrdreg $0xFFFFFFFF  }
0xa7: {  	s28 =	simm.s32 $_size_execute0_lowered;
	s2 =	sadd.s32 s2, s4;
	[dreg:$0x0] =	wrdreg $0x0  }
0xa8: {  	s4 =	sshll.u32 s28, $0x1;
	[dreg:$0x2] =	wrdreg s2  }
0xa9: {  	[dreg:$0x3] =	wrdreg s4  }
0xaa: {  	[dreg:$0x4] =	wrdreg $0xC0  }
0xab: {  	_ =	task [dreg:s6], $0x5FFFF  }
0xac: {  	[dreg:$0x1] =	wrdreg $0xFFFFFFFF  }
0xad: {  	[dreg:$0x0] =	wrdreg $0x60  }
0xae: {  	[dreg:$0x2] =	wrdreg s24  }
0xaf: {  	[dreg:$0x3] =	wrdreg $0x77800  }
0xb0: {  	[dreg:$0x4] =	wrdreg $0x9  }
0xb1: {  	_ =	task.clear_ibuf [dreg:s6], $0x5FFFF;
	_ =	strace $0x90000046  }
0xb2: {  	s29 =	simm.s32 $0x9;
	_ =	strace $0x80000048  }
0xb3: {  	_ =	swait.ge [sflag:s29], $0x1  }
0xb4: {  	[sflag:s29] =	ssyncadd.s32 $0xFFFFFFFF  }
0xb5: {  	_ =	strace $0x90000048  }
0xb6: {  	_ =	sfence  }
0xb7: {  	s30 =	sld [smem:$0x0];
	_ =	sdelay $0x2  }
0xb8: {  	s31 =	sshll.u32 s1, $0xD;
	s1 =	sshrl.u32 s1, $0x2  }
0xb9: {  	s3 =	sand.u32 $0x4000, s31;
	s1 =	sadd.s32 s1, s30  }
0xba: {  	s0 =	sor.u32 s3, s0;
	s1 =	sshll.u32 s1, $0x11  }
0xbb: {  	s0 =	sor.u32 s1, s0  }
0xbc: {  	s0 =	sadd.s32 $0x8F2B, s0  }
0xbd: {  	[sflag:s0] =	ssyncadd.remote.s32 $0x1  }
0xbe: {  	_ =	sfence.sel $0xFFFF  }
0xbf: {  	[dreg:$0x0] =	wrdreg $0xFFFFFFFF;
	(pc) =	sbr.abs _section_cstart, $3  }
0xc0: {  	[dreg:$0x1] =	wrdreg $0xFFFFFFFF  }
0xc1: {  	_ =	task.clear_ibuf [dreg:s6], $0x2FFFF;
	_ =	strace $0x9FFFFFFF  }
0xc2: {  	(tm) =	ssettm $0x7FFFFFFF  }
0xc3: {  	_ =	shalt  }
tec
execute0_lowered:
.L_overlay_start_1:
0x0: {  	(tag) =	ssettag $0x1  }
0x1: {  	s4 =	rddreg [dreg:$0x0]  }
0x2: {  	s2 =	rddreg [dreg:$0x1];
	s3 =	srdreg.scid  }
0x3: {  	s0 =	rddreg [dreg:$0x2];
	s1 =	stileid.u32;
	s10 =	simm.s32 $0x2780  }
0x4: {  	s11 =	simm.s32 $0x2800;
	s12 =	simm.s32 $0x4F80;
	s15 =	simm.s32 $0x20  }
0x5: {  	s16 =	simm.s32 $0x10;
	s5 =	sand.u32 $0x1, s3;
	s7 =	smul.u32 $0x500, s1  }
0x6: {  	s3 =	simm.s32 $0x0;
	s30 =	smul.u32 $0x280, s1;
	s13 =	sshll.u32 s1, $0x6  }
0x7: {  	s6 =	sshll.u32 s5, $0x4;
	[smem:$0x7FF] =	sst s3;
	s8 =	sshll.u32 s5, $0x7  }
0x8: {  	s5 =	ssub.s32 $0x2, s5;
	s13 =	sor.u32 $0x1C01, s13;
	s6 =	sor.u32 s1, s6  }
0x9: {  	_ =	strace $0x80000047;
	s7 =	sor.u32 s8, s7;
	s31 =	sshrl.u32 s5, $0x1  }
0xa: {  	s6 =	smul.u32 $0x4E2, s6;
	s7 =	sshrl.u32 s7, $0x3;
	s9 =	ssub.s32 s5, s31  }
0xb: {  	s5 =	sadd.s32 $0x2780, s30;
	s7 =	sadd.s32 s7, s4;
	s8 =	smax.u32 s9, $0x1  }
0xc: {  	s9 =	simm.s32 $0x1;
	s6 =	sadd.s32 s6, s4;
	s4 =	sadd.s32 s30, s2  }
0xd: {  	v0 =	vimm.f32 $0.0e+00;
	v1 =	vlaneseq.u32;
	v2 =	vimm.f32 $1.000000000e+00;
	s7 =	sadd.s32 $0x14C00, s7;
	s6 =	sadd.s32 $0xAE00, s6;
	s14 =	sshrl.u32 s4, $0x3  }
.LBB2_1:
0xe: {  	s17 =	simm.s32 $0x0  }
.LBB2_2:
0xf: {  	p0 =	sne.s32 s17, $0x9FC0  }
.Ltmp0:
0x10: {  	_ = 	snop;
	(pc) =	sbr.rel @p0 .LBB2_2-.Ltmp0, $3  }
0x11: {  	_ =	sdelay $0x1  }
0x12: {  	s18 =	sshra.s32 s17, $0x2  }
0x13: {  	s17 =	sadd.s32 $0x40, s17;
	[tilespmem:s18+$0x2780] =	vst v0  }
0x14: {  	s18 =	simm.s32 $0x0  }
0x15: {  	s17 =	simm.s32 $0x4F80;
	v3 =	vor.u32 s18, v1  }
0x16: {  	s18 =	simm.s32 $0x10;
	[tilespmem:s17+$0x0] =	vst v3  }
.LBB2_4:
0x17: {  	p0 =	sne.s32 s18, $0x27F0  }
.Ltmp1:
0x18: {  	_ = 	snop;
	(pc) =	sbr.rel @p0 .LBB2_4-.Ltmp1, $3  }
0x19: {  	_ =	sdelay $0x1  }
0x1a: {  	v3 =	vor.u32 s18, v1;
	s18 =	sadd.s32 $0x10, s18;
	s17 =	sadd.s32 $0x10, s17  }
0x1b: {  	[tilespmem:s17+$0x0] =	vst v3  }
0x1c: {  	[spmem:s4] =	stream.linear.scatter [tilespmem:s5], [sflag:$0x1], $0x280, $0x38;
	[tilespmem:$0x7A00] =	vst v63  }
0x1d: {  	_ =	swait.ge [sflag:s9], $0x280  }
0x1e: {  	[sflag:s9] =	ssyncset.done $0x0  }
0x1f: {  	[sflag:s9] =	ssyncadd.s32 $0xFFFFFD80  }
0x20: {  	s17 =	simm.s32 $0x0;
	[bflag:$0x0] =	sbarrier.arrive $0xFFFF  }
0x21: {  	[tilespmem:s17], [sflag:$0x1] =	stream.linear.gather [hbm4b:s6+s17], $0x2710, $0x38;
	[tilespmem:$0x7A00] =	vst v63  }
0x22: {  	_ =	swait.ge [sflag:s9], $0x2710  }
0x23: {  	[sflag:s9] =	ssyncset.done $0x0  }
0x24: {  	s18 =	simm.s32 $0x0;
	s17 =	simm.s32 $0x40;
	[sflag:s9] =	ssyncadd.s32 $0xFFFFD8F0  }
.LBB2_6:
0x25: {  	p0 =	sne.s32 s17, $0x9C00;
	v3 =	vld [tilespmem:s18+$0x0];
	_ =	sdelay $0x3  }
.Ltmp2:
0x26: {  	(pc) =	sbr.rel @p0 .LBB2_6-.Ltmp2, $2  }
0x27: {  	_ =	sdelay $0x2  }
0x28: {  	s18 =	sshra.s32 s17, $0x2;
	s17 =	sadd.s32 $0x40, s17;
	[tilespmem:v3+s10+$0x0] =	vst.idx.add.f32.msk $0xffff, v2  }
0x29: {  	v3 =	vld [tilespmem:s18+$0x0];
	_ =	sdelay $0x7  }
0x2a: {  	[tilespmem:v3+s10+$0x0] =	vst.idx.add.f32.msk $0xffff, v2  }
0x2b: {  	[spmem:s2] =	stream.indirect.scatter.add.f32 [tilespmem:s10], [sflag:$0x1], $0x1, s12, s11, $0xb8;
	[tilespmem:$0x7A00] =	vst v63  }
0x2c: {  	_ =	swait.ge [sflag:s9], $0x2800  }
0x2d: {  	s3 =	sadd.s32 $0x1, s3;
	[sflag:s9] =	ssyncset.done $0x0  }
0x2e: {  	p0 =	sne.s32 s3, s8;
	[sflag:s9] =	ssyncadd.s32 $0xFFFFD800  }
.Ltmp3:
0x2f: {  	[bflag:$0x0] =	sbarrier.arrive $0xFFFF;
	(pc) =	sbr.rel @p0 .LBB2_1-.Ltmp3, $4  }
0x30: {  	[hbm:s7@s15], [sflag:s13] =	dma.strided [spmem:s14@s16], $0x50, s9, $0x10   }
0x31: {  	_ =	swait.ge [sflag:s9], $0x50  }
0x32: {  	[sflag:s9] =	ssyncset.done $0x0  }
0x33: {  	[sflag:s9] =	ssyncadd.s32 $0xFFFFFFB0  }
0x34: {  	_ =	sfence.sel $0x180000  }
0x35: {  	[bflag:$0x0] =	sbarrier.arrive $0xFFFF  }
0x36: {  	p0 =	sne.s32 s1, $0x0;
	_ =	strace $0x90000047  }
0x37: {  	s0 =	sadd.s32 @!p0 $0x100000, s0;
	[bflag:$0x2] =	sbarrier.arrive $0xFFFF  }
0x38: {  	[sflag:s0] =	ssyncadd.tile.s32 @!p0 $0x1;
	_ =	shalt  }
.Lfunc_end2:
_tile_overlayer_lowered:
.L_overlay_start_2:
0x39: {  	(tag) =	ssettag $0x2  }
0x3a: {  	s0 =	rddreg [dreg:$0x0];
	s2 =	stileid.u32  }
0x3b: {  	s1 =	rddreg [dreg:$0x1];
	p0 =	sne.s32 s2, $0x0  }
0x3c: {  	s3 =	rddreg [dreg:$0x2];
	[bflag:$0x3] =	sbarrier.arrive $0xFFFF;
	s2 =	simm.s32 @!p0 $0x1C01  }
0x3d: {  	[timem:s3], [sflag:s2] =	dma.local @!p0 [hbm:s0], s1  }
0x3e: {  	s0 =	simm.s32 @!p0 $0x1  }
0x3f: {  	_ =	swait.ge @!p0 [sflag:s0], s1  }
0x40: {  	s1 =	ssub.s32 @!p0 $0x0, s1;
	[sflag:s0] =	ssyncset.done @!p0 $0x0  }
0x41: {  	[sflag:s0] =	ssyncadd.s32 @!p0 s1  }
0x42: {  	[bflag:$0x3] =	sbarrier.arrive $0xFFFF  }
0x43: {  	_ =	shalt  }

// kernel: kernel.9.cloned.1.call-start
scs
__scs_entry_jumppad:
0x0: {  	(pc) =	sbr.rel $0x88, $3  }
0x1: {  	(tag) =	ssettag $0x0;
	lr =	simm.s32 $0x1  }
0x2: {  	[smem:$0x3F9A] =	sst lr;
	_ =	strace $0xD0000000  }
0x3: {  	_ = 	snop  }
0x4: {  	_ = 	snop  }
0x5: {  	_ = 	snop  }
0x6: {  	_ = 	snop  }
0x7: {  	_ = 	snop  }
__scs_overlays_trampoline_lowered:
0x8: {  	[smem:$0x3FA9] =	sst s0  }
0x9: {  	[smem:$0x3FAA] =	sst s1  }
0xa: {  	[smem:$0x3FAB] =	sst s2  }
0xb: {  	[smem:$0x3FAC] =	sst s3  }
0xc: {  	[smem:$0x3FAD] =	sst s4  }
0xd: {  	[smem:$0x3FAE] =	sst s5  }
0xe: {  	[smem:$0x3FAF] =	sst s6  }
0xf: {  	[smem:$0x3FB0] =	sst s7  }
0x10: {  	[smem:$0x3FB1] =	sst s8  }
0x11: {  	[smem:$0x3FB2] =	sst s9;
	s0 =	simm.s32 @!p0 $0x0  }
0x12: {  	s1 =	sld [smem:$0x3F98];
	s0 =	simm.s32 @p0 $0x1  }
0x13: {  	[smem:$0x3FB3] =	sst s0;
	s0 =	simm.s32 @!p1 $0x0  }
0x14: {  	s2 =	sld [smem:$0x3F97];
	s0 =	simm.s32 @p1 $0x1  }
0x15: {  	[smem:$0x3FB4] =	sst s0;
	s0 =	simm.s32 @!p2 $0x0  }
0x16: {  	s3 =	sld [smem:$0x3FDB];
	s0 =	simm.s32 @p2 $0x1  }
0x17: {  	s4 =	simm.s32 $0x1BF5;
	[smem:$0x3FB6] =	sst s0  }
0x18: {  	s0 =	sld [smem:$0x3F99];
	_ =	swait.ge [sflag:s4], $0x0  }
0x19: {  	s7 =	sld [smem:$0x3F9A]  }
0x1a: {  	s8 =	sadd.s32 $0xFFFFE003, lr  }
0x1b: {  	s9 =	sadd.s32 $0xFFFFFEF7, lr;
	s5 =	simm.s32 $0xFFFFFFFF;
	p2 =	slt.u32 s8, $0xFFFFF086  }
0x1c: {  	p1 =	slt.u32 s9, $0xF7A;
	s5 =	simm.s32 @!p2 $0x0  }
0x1d: {  	s5 =	simm.s32 @p1 $0x1;
	p0 =	seq.s32 s7, s2  }
0x1e: {  	s7 =	smul.u32 @!p0 $0xF7A, s2;
	p2 =	seq.s32 @!p0 s5, $0x0  }
0x1f: {  	s9 =	smul.u32 $0xF7A, s1;
	s8 =	simm.s32 @!p0 $0x1BF5;
	p2 =	por !p2, p0  }
0x20: {  	[sflag:s8] =	ssyncset.s32 @!p0 $0xFFFFF086;
	s6 =	sadd.s32 @!p0 s3, s7;
	s7 =	simm.s32 @!p0 $0x108  }
0x21: {  	s3 =	sadd.s32 s3, s9;
	s6 =	sadd.s32 @!p0 $0x88, s6;
	s7 =	simm.s32 @p2 $0x1082  }
0x22: {  	[simem:s7], [sflag:s8] =	dma.local @!p0 [hbm:s6], $0xF7A  }
0x23: {  	s9 =	sor.u32 $0xD0000000, s2;
	s6 =	simm.s32 $0x108;
	_ =	swait.ge @!p0 [sflag:s8], $0x0  }
0x24: {  	s3 =	sadd.s32 $0x88, s3;
	s6 =	simm.s32 @!p1 $0x1082;
	[sflag:s4] =	ssyncset.s32 $0xFFFFF086  }
0x25: {  	[simem:s6], [sflag:s4] =	dma.local [hbm:s3], $0xF7A  }
0x26: {  	[smem:$0x3F9A] =	sst s1;
	(tag) =	ssettag s2;
	_ =	strace s9  }
0x27: {  	s1 =	sld [smem:$0x3FAA]  }
0x28: {  	s2 =	sld [smem:$0x3FAB]  }
0x29: {  	s4 =	sld [smem:$0x3FAD]  }
0x2a: {  	p0 =	seq.s32 s5, $0x0;
	s5 =	sld [smem:$0x3FAE]  }
0x2b: {  	s6 =	sld [smem:$0x3FAF]  }
0x2c: {  	s7 =	sld [smem:$0x3FB0]  }
0x2d: {  	s3 =	simm.s32 $0x108;
	s8 =	sld [smem:$0x3FB1]  }
0x2e: {  	s3 =	simm.s32 @!p0 $0x1082;
	s9 =	sld [smem:$0x3FB2]  }
0x2f: {  	lr =	sadd.s32 s0, s3;
	s0 =	sld [smem:$0x3FA9]  }
0x30: {  	s3 =	sld [smem:$0x3FAC]  }
0x31: {  	[smem:$0x3FB5] =	sst s10  }
0x32: {  	s10 =	sld [smem:$0x3FB3];
	_ =	sdelay $0x3  }
0x33: {  	p0 =	seq.s32 s10, $0x1;
	s10 =	sld [smem:$0x3FB5];
	_ =	sdelay $0x3  }
0x34: {  	[smem:$0x3FB5] =	sst s10  }
0x35: {  	s10 =	sld [smem:$0x3FB4];
	_ =	sdelay $0x3  }
0x36: {  	p1 =	seq.s32 s10, $0x1;
	s10 =	sld [smem:$0x3FB5];
	_ =	sdelay $0x3  }
0x37: {  	[smem:$0x3FB5] =	sst s10  }
0x38: {  	s10 =	sld [smem:$0x3FB6]  }
0x39: {  	_ = 	snop;
	(pc) =	sbr.ind lr, $3  }
0x3a: {  	_ = 	snop  }
0x3b: {  	_ = 	snop  }
0x3c: {  	p2 =	seq.s32 s10, $0x1;
	s10 =	sld [smem:$0x3FB5]  }
0x3d: {  	_ =	shalt  }
0x3e: {  	_ =	shalt  }
0x3f: {  	_ =	shalt  }
0x40: {  	_ =	shalt  }
0x41: {  	_ =	shalt  }
0x42: {  	_ =	shalt  }
0x43: {  	_ =	shalt  }
0x44: {  	_ =	shalt  }
0x45: {  	_ =	shalt  }
0x46: {  	_ =	shalt  }
0x47: {  	_ =	shalt  }
0x48: {  	_ =	shalt  }
0x49: {  	_ =	shalt  }
0x4a: {  	_ =	shalt  }
0x4b: {  	_ =	shalt  }
0x4c: {  	_ =	shalt  }
0x4d: {  	_ =	shalt  }
0x4e: {  	_ =	shalt  }
0x4f: {  	_ =	shalt  }
0x50: {  	_ =	shalt  }
0x51: {  	_ =	shalt  }
0x52: {  	_ =	shalt  }
0x53: {  	_ =	shalt  }
0x54: {  	_ =	shalt  }
0x55: {  	_ =	shalt  }
0x56: {  	_ =	shalt  }
0x57: {  	_ =	shalt  }
0x58: {  	_ =	shalt  }
0x59: {  	_ =	shalt  }
0x5a: {  	_ =	shalt  }
0x5b: {  	_ =	shalt  }
0x5c: {  	_ =	shalt  }
0x5d: {  	_ =	shalt  }
0x5e: {  	_ =	shalt  }
0x5f: {  	_ =	shalt  }
0x60: {  	_ =	shalt  }
0x61: {  	_ =	shalt  }
0x62: {  	_ =	shalt  }
0x63: {  	_ =	shalt  }
0x64: {  	_ =	shalt  }
0x65: {  	_ =	shalt  }
0x66: {  	_ =	shalt  }
0x67: {  	_ =	shalt  }
0x68: {  	_ =	shalt  }
0x69: {  	_ =	shalt  }
0x6a: {  	_ =	shalt  }
0x6b: {  	_ =	shalt  }
0x6c: {  	_ =	shalt  }
0x6d: {  	_ =	shalt  }
0x6e: {  	_ =	shalt  }
0x6f: {  	_ =	shalt  }
0x70: {  	_ =	shalt  }
0x71: {  	_ =	shalt  }
0x72: {  	_ =	shalt  }
0x73: {  	_ =	shalt  }
0x74: {  	_ =	shalt  }
0x75: {  	_ =	shalt  }
0x76: {  	_ =	shalt  }
0x77: {  	_ =	shalt  }
0x78: {  	_ =	shalt  }
0x79: {  	_ =	shalt  }
0x7a: {  	_ =	shalt  }
0x7b: {  	_ =	shalt  }
0x7c: {  	_ =	shalt  }
0x7d: {  	_ =	shalt  }
0x7e: {  	_ =	shalt  }
0x7f: {  	_ =	shalt  }
0x80: {  	_ =	shalt  }
0x81: {  	_ =	shalt  }
0x82: {  	_ =	shalt  }
0x83: {  	_ =	shalt  }
0x84: {  	_ =	shalt  }
0x85: {  	_ =	shalt  }
0x86: {  	_ =	shalt  }
0x87: {  	_ =	shalt  }
.Lfunc_end0:
.L_simem_size_0:
called_computation.1_lowered:
.L_overlay_start_0:
0x88: {  	s2 =	sld [smem:$0x3FD9]  }
0x89: {  	s3 =	sld [smem:$0x3FFE];
	_ =	sdelay $0x1  }
0x8a: {  	s1 =	srdreg.scid  }
0x8b: {  	s0 =	sand.u32 $0x1, s1  }
0x8c: {  	s16 =	sshll.u32 s0, $0xA;
	s2 =	sadd.s32 s3, s2  }
0x8d: {  	s2 =	sadd.s32 s2, s16  }
0x8e: {  	[smem:$0x3FC1] =	sst s2  }
0x8f: {  	_ = 	snop  }
0x90: {  	(tm) =	ssettm $0x1  }
0x91: {  	s17 =	sld [smem:$0x3FFB];
	_ =	sdelay $0x3  }
0x92: {  	_ =	strace s17  }
0x93: {  	s2 =	sld [smem:$0x3FFC];
	_ =	sdelay $0x3  }
0x94: {  	_ =	strace s2  }
0x95: {  	s2 =	sld [smem:$0x3FFD];
	_ =	sdelay $0x3  }
0x96: {  	_ =	strace s2  }
0x97: {  	_ =	strace $0x8FFFFFFF  }
0x98: {  	s18 =	sld [smem:$0x3FDB];
	_ =	sdelay $0x1  }
0x99: {  	s19 =	simm.s32 $_scs_section_size  }
0x9a: {  	s4 =	simm.s32 $_size__tile_overlayer_lowered;
	s5 =	simm.s32 $_tile_overlayer_lowered  }
0x9b: {  	s22 =	simm.s32 $0x1BFF;
	s21 =	sshll.u32 s5, $0x1;
	s2 =	sadd.s32 s19, s18  }
0x9c: {  	s6 =	simm.s32 $0x0;
	s20 =	sshll.u32 s4, $0x1;
	s4 =	sadd.s32 s21, s2  }
0x9d: {  	[timem:s6], [sflag:s22] =	dma.local [hbm:s4], s20  }
0x9e: {  	_ =	swait.ge [sflag:s22], s20  }
0x9f: {  	s3 =	ssub.s32 $0x0, s20;
	[sflag:s22] =	ssyncset.done $0x0  }
0xa0: {  	[sflag:s22] =	ssyncadd.s32 s3;
	_ =	sdelay $0x1  }
0xa1: {  	s23 =	simm.s32 $0x1B8B  }
0xa2: {  	_ =	swait.ge [sflag:s23], $0x1  }
0xa3: {  	[sflag:s23] =	ssyncset.done $0x0  }
0xa4: {  	s25 =	simm.s32 $0x1B8E;
	s24 =	sld [smem:$0x3FFE];
	[sflag:s23] =	ssyncadd.s32 $0xFFFFFFFF  }
0xa5: {  	s26 =	simm.s32 $execute0_lowered;
	[smem:$0x3FD2] =	sst s25  }
0xa6: {  	s4 =	sshll.u32 s26, $0x1;
	_ =	strace $0x80000049;
	[dreg:$0x1] =	wrdreg $0xFFFFFFFF  }
0xa7: {  	s28 =	simm.s32 $_size_execute0_lowered;
	s2 =	sadd.s32 s2, s4;
	[dreg:$0x0] =	wrdreg $0x0  }
0xa8: {  	s4 =	sshll.u32 s28, $0x1;
	[dreg:$0x2] =	wrdreg s2  }
0xa9: {  	[dreg:$0x3] =	wrdreg s4  }
0xaa: {  	[dreg:$0x4] =	wrdreg $0xC0  }
0xab: {  	_ =	task [dreg:s6], $0x5FFFF  }
0xac: {  	[dreg:$0x1] =	wrdreg $0xFFFFFFFF  }
0xad: {  	[dreg:$0x0] =	wrdreg $0x60  }
0xae: {  	[dreg:$0x2] =	wrdreg s24  }
0xaf: {  	[dreg:$0x3] =	wrdreg $0x8CA00  }
0xb0: {  	[dreg:$0x4] =	wrdreg $0xB4A00  }
0xb1: {  	[dreg:$0x5] =	wrdreg $0x9  }
0xb2: {  	_ =	task.clear_ibuf [dreg:s6], $0x6FFFF;
	_ =	strace $0x90000049  }
0xb3: {  	s29 =	simm.s32 $0x9;
	_ =	strace $0x8000004B  }
0xb4: {  	_ =	swait.ge [sflag:s29], $0x1  }
0xb5: {  	[sflag:s29] =	ssyncadd.s32 $0xFFFFFFFF  }
0xb6: {  	_ =	strace $0x9000004B  }
0xb7: {  	_ =	sfence  }
0xb8: {  	s30 =	sld [smem:$0x0];
	_ =	sdelay $0x2  }
0xb9: {  	s31 =	sshll.u32 s1, $0xD;
	s1 =	sshrl.u32 s1, $0x2  }
0xba: {  	s3 =	sand.u32 $0x4000, s31;
	s1 =	sadd.s32 s1, s30  }
0xbb: {  	s0 =	sor.u32 s3, s0;
	s1 =	sshll.u32 s1, $0x11  }
0xbc: {  	s0 =	sor.u32 s1, s0  }
0xbd: {  	s0 =	sadd.s32 $0x8F2B, s0  }
0xbe: {  	[sflag:s0] =	ssyncadd.remote.s32 $0x1  }
0xbf: {  	_ =	sfence.sel $0xFFFF  }
0xc0: {  	[dreg:$0x0] =	wrdreg $0xFFFFFFFF;
	(pc) =	sbr.abs _section_cstart, $3  }
0xc1: {  	[dreg:$0x1] =	wrdreg $0xFFFFFFFF  }
0xc2: {  	_ =	task.clear_ibuf [dreg:s6], $0x2FFFF;
	_ =	strace $0x9FFFFFFF  }
0xc3: {  	(tm) =	ssettm $0x7FFFFFFF  }
tec
execute0_lowered:
.L_overlay_start_1:
0x0: {  	(tag) =	ssettag $0x1  }
0x1: {  	s0 =	rddreg [dreg:$0x0]  }
0x2: {  	s2 =	rddreg [dreg:$0x1]  }
0x3: {  	s3 =	rddreg [dreg:$0x2];
	s12 =	stileid.u32  }
0x4: {  	s1 =	srdreg.scid;
	s4 =	simm.s32 $0x0;
	s16 =	simm.s32 $0x50  }
0x5: {  	s17 =	simm.s32 $0x4E20;
	s18 =	simm.s32 $0x50A0;
	s19 =	simm.s32 $0x4E70  }
0x6: {  	s20 =	simm.s32 $0x55A0;
	s21 =	simm.s32 $0x4EC0;
	s22 =	simm.s32 $0x5AA0  }
0x7: {  	s23 =	simm.s32 $0x1;
	s24 =	simm.s32 $0x4F60;
	s25 =	simm.s32 $0x4F10  }
0x8: {  	s28 =	simm.s32 $0x2;
	s29 =	simm.s32 $0x4FB0;
	s30 =	simm.s32 $0x3  }
0x9: {  	s31 =	simm.s32 $0x5000;
	s6 =	smul.u32 $0x2800, s12;
	s1 =	sand.u32 $0x1, s1  }
0xa: {  	[smem:$0x7FF] =	sst s4;
	s26 =	sshll.u32 s12, $0x6;
	s5 =	sshll.u32 s1, $0x4  }
0xb: {  	s7 =	smul.u32 $0x28000, s1;
	_ =	strace $0x8000004A;
	s1 =	ssub.s32 $0x2, s1  }
0xc: {  	s13 =	sor.u32 $0x1C05, s26;
	s26 =	simm.s32 $0x5FA0;
	s8 =	sshrl.u32 s6, $0x3  }
0xd: {  	s5 =	sor.u32 s12, s5;
	s9 =	sshrl.u32 s1, $0x1;
	s11 =	sadd.s32 s6, s3  }
0xe: {  	s12 =	simm.s32 $0x5;
	s5 =	smul.u32 $0x4E2, s5;
	s7 =	sadd.s32 s6, s7  }
.Ltmp0:
0xf: {  	s8 =	sadd.s32 s8, s0;
	s1 =	ssub.s32 s1, s9;
	(pc) =	sbr.rel .LBB2_1-.Ltmp0, $4  }
0x10: {  	s14 =	sshrl.u32 s11, $0x3;
	s7 =	sshrl.u32 s7, $0x3;
	s10 =	sadd.s32 s5, s0  }
0x11: {  	s0 =	sadd.s32 s7, s0;
	s5 =	sadd.s32 s6, s2;
	s6 =	sadd.s32 $0x15600, s8  }
0x12: {  	s7 =	sadd.s32 $0x1000, s10;
	s8 =	sadd.s32 $0xAE00, s10;
	s9 =	sadd.s32 $0x1A600, s0  }
0x13: {  	v0 =	vimm.f32 $0.0e+00;
	s10 =	smax.u32 s1, $0x1;
	s0 =	simm.s32 $0x4;
	s1 =	simm.s32 $0x5050  }
.LBB2_6:
0x14: {  	_ =	swait.ge [sflag:s0], $0x500  }
0x15: {  	[sflag:s0] =	ssyncset.done $0x0  }
0x16: {  	[sflag:s0] =	ssyncadd.s32 $0xFFFFFB00  }
0x17: {  	[spmem:s2] =	stream.indirect.scatter.add.f32 [tilespmem:s26], [sflag:$0x5], $0x10, s1, s16, $0xb8;
	[tilespmem:$0xDCA0] =	vst v63  }
0x18: {  	_ =	swait.ge [sflag:s12], $0x500  }
0x19: {  	[sflag:s12] =	ssyncset.done $0x0  }
0x1a: {  	[sflag:s12] =	ssyncadd.s32 $0xFFFFFB00  }
0x1b: {  	_ =	swait.ge [sflag:s23], $0x500  }
0x1c: {  	[sflag:s23] =	ssyncset.done $0x0  }
0x1d: {  	[sflag:s23] =	ssyncadd.s32 $0xFFFFFB00  }
0x1e: {  	[spmem:s2] =	stream.indirect.scatter.add.f32 [tilespmem:s18], [sflag:$0x5], $0x10, s24, s16, $0xb8;
	[tilespmem:$0xDCA0] =	vst v63  }
0x1f: {  	_ =	swait.ge [sflag:s12], $0x500  }
0x20: {  	s4 =	sadd.s32 $0x1, s4;
	[sflag:s12] =	ssyncset.done $0x0  }
0x21: {  	p0 =	sne.s32 s4, s10;
	[sflag:s12] =	ssyncadd.s32 $0xFFFFFB00  }
.Ltmp1:
0x22: {  	s11 =	sshrl.u32 s5, $0x3;
	[bflag:$0x0] =	sbarrier.arrive $0xFFFF;
	(pc) =	sbr.rel @!p0 .LBB2_7-.Ltmp1, $4  }
0x23: {  	[hbm:s9], [sflag:s13] =	dma.local [spmem:s11], $0x500  }
0x24: {  	_ =	swait.ge [sflag:s12], $0x500  }
0x25: {  	[sflag:s12] =	ssyncset.done $0x0  }
0x26: {  	[sflag:s12] =	ssyncadd.s32 $0xFFFFFB00  }
.LBB2_1:
0x27: {  	s11 =	simm.s32 $0x40;
	s15 =	simm.s32 $0x0  }
.LBB2_2:
0x28: {  	p0 =	sne.s32 s11, $0x9FC0;
	[tilespmem:s15+$0x64A0] =	vst v0;
	s15 =	smov.u32 s11;
	s11 =	sadd.s32 $0x40, s11  }
.Ltmp2:
0x29: {  	(pc) =	sbr.rel @p0 .LBB2_2-.Ltmp2, $2  }
0x2a: {  	_ =	sdelay $0x2  }
0x2b: {  	s15 =	sshra.s32 s15, $0x2  }
0x2c: {  	[tilespmem:s15+$0x64A0] =	vst v0;
	s11 =	simm.s32 $0x64A0  }
0x2d: {  	[spmem:s5] =	stream.linear.scatter [tilespmem:s11], [sflag:$0x5], $0x2800, $0x38;
	[tilespmem:$0xDCA0] =	vst v63  }
0x2e: {  	_ =	swait.ge [sflag:s12], $0x2800  }
0x2f: {  	[sflag:s12] =	ssyncset.done $0x0  }
0x30: {  	[sflag:s12] =	ssyncadd.s32 $0xFFFFD800  }
0x31: {  	[spmem:s14], [sflag:s13] =	dma.local [hbm:s6], $0x500  }
0x32: {  	_ =	swait.ge [sflag:s12], $0x500  }
0x33: {  	[sflag:s12] =	ssyncset.done $0x0  }
0x34: {  	[sflag:s12] =	ssyncadd.s32 $0xFFFFFB00  }
0x35: {  	s11 =	simm.s32 $0x0;
	[bflag:$0x0] =	sbarrier.arrive $0xFFFF  }
0x36: {  	[tilespmem:s11], [sflag:$0x5] =	stream.linear.gather [hbm4b:s7+s11], $0x2710, $0x38;
	[tilespmem:$0xDCA0] =	vst v63  }
0x37: {  	_ =	swait.ge [sflag:s12], $0x2710  }
0x38: {  	[sflag:s12] =	ssyncset.done $0x0  }
0x39: {  	s15 =	simm.s32 $0x2710;
	[sflag:s12] =	ssyncadd.s32 $0xFFFFD8F0  }
0x3a: {  	[tilespmem:s15], [sflag:$0x5] =	stream.linear.gather [hbm4b:s8+s11], $0x2710, $0x38;
	[tilespmem:$0xDCA0] =	vst v63  }
0x3b: {  	_ =	swait.ge [sflag:s12], $0x2710  }
0x3c: {  	[sflag:s12] =	ssyncset.done $0x0  }
0x3d: {  	[sflag:s12] =	ssyncadd.s32 $0xFFFFD8F0  }
0x3e: {  	v1 =	vld [tilespmem:$0x0]  }
0x3f: {  	v2 =	vld [tilespmem:$0x2710]  }
0x40: {  	v3 =	vld [tilespmem:$0x10]  }
0x41: {  	v4 =	vld [tilespmem:$0x2720]  }
0x42: {  	v5 =	vld [tilespmem:$0x20]  }
0x43: {  	v54 =	vld [tilespmem:$0x40];
	[tilespmem:$0x4E20] =	vst v1  }
0x44: {  	v55 =	vld [tilespmem:$0x2750];
	[tilespmem:$0x4F60] =	vst v2  }
0x45: {  	v1 =	vld [tilespmem:$0x2730];
	[tilespmem:$0x4E30] =	vst v3  }
0x46: {  	v2 =	vld [tilespmem:$0x30];
	[tilespmem:$0x4F70] =	vst v4  }
0x47: {  	v3 =	vld [tilespmem:$0x2740];
	[tilespmem:$0x4E40] =	vst v5  }
0x48: {  	[tilespmem:$0x4E60] =	vst v54  }
0x49: {  	[tilespmem:$0x4FA0] =	vst v55  }
0x4a: {  	[tilespmem:$0x4F80] =	vst v1  }
0x4b: {  	[tilespmem:$0x4E50] =	vst v2  }
0x4c: {  	[tilespmem:$0x4F90] =	vst v3  }
0x4d: {  	[tilespmem:s18], [sflag:$0x1] =	stream.indirect.gather [spmem:s3], $0x10, s17, s16, $0xb8;
	[tilespmem:$0xDCA0] =	vst v63  }
0x4e: {  	v1 =	vld [tilespmem:$0x50]  }
0x4f: {  	v2 =	vld [tilespmem:$0x2760]  }
0x50: {  	v3 =	vld [tilespmem:$0x60]  }
0x51: {  	v56 =	vld [tilespmem:$0x2770]  }
0x52: {  	v57 =	vld [tilespmem:$0x70]  }
0x53: {  	v58 =	vld [tilespmem:$0x90];
	[tilespmem:$0x4E70] =	vst v1  }
0x54: {  	v59 =	vld [tilespmem:$0x27A0];
	[tilespmem:$0x4FB0] =	vst v2  }
0x55: {  	v1 =	vld [tilespmem:$0x2780];
	[tilespmem:$0x4E80] =	vst v3  }
0x56: {  	v2 =	vld [tilespmem:$0x80];
	[tilespmem:$0x4FC0] =	vst v56  }
0x57: {  	v3 =	vld [tilespmem:$0x2790];
	[tilespmem:$0x4E90] =	vst v57  }
0x58: {  	[tilespmem:$0x4EB0] =	vst v58  }
0x59: {  	[tilespmem:$0x4FF0] =	vst v59  }
0x5a: {  	[tilespmem:$0x4FD0] =	vst v1  }
0x5b: {  	[tilespmem:$0x4EA0] =	vst v2  }
0x5c: {  	[tilespmem:$0x4FE0] =	vst v3  }
0x5d: {  	[tilespmem:s20], [sflag:$0x2] =	stream.indirect.gather [spmem:s3], $0x10, s19, s16, $0xb8;
	[tilespmem:$0xDCA0] =	vst v63  }
0x5e: {  	v1 =	vld [tilespmem:$0xA0]  }
0x5f: {  	v2 =	vld [tilespmem:$0x27B0]  }
0x60: {  	v3 =	vld [tilespmem:$0xB0]  }
0x61: {  	v60 =	vld [tilespmem:$0x27C0]  }
0x62: {  	v61 =	vld [tilespmem:$0xC0]  }
0x63: {  	v62 =	vld [tilespmem:$0xE0];
	[tilespmem:$0x4EC0] =	vst v1  }
0x64: {  	v63 =	vld [tilespmem:$0x27F0];
	[tilespmem:$0x5000] =	vst v2  }
0x65: {  	v1 =	vld [tilespmem:$0x27D0];
	[tilespmem:$0x4ED0] =	vst v3  }
0x66: {  	v2 =	vld [tilespmem:$0xD0];
	[tilespmem:$0x5010] =	vst v60  }
0x67: {  	v3 =	vld [tilespmem:$0x27E0];
	[tilespmem:$0x4EE0] =	vst v61  }
0x68: {  	[tilespmem:$0x4F00] =	vst v62  }
0x69: {  	[tilespmem:$0x5040] =	vst v63  }
0x6a: {  	[tilespmem:$0x5020] =	vst v1  }
0x6b: {  	[tilespmem:$0x4EF0] =	vst v2  }
0x6c: {  	[tilespmem:$0x5030] =	vst v3  }
0x6d: {  	[tilespmem:s22], [sflag:$0x3] =	stream.indirect.gather [spmem:s3], $0x10, s21, s16, $0xb8;
	[tilespmem:$0xDCA0] =	vst v63  }
.LBB2_4:
0x6e: {  	_ =	swait.ge [sflag:s23], $0x500  }
0x6f: {  	[sflag:s23] =	ssyncset.done $0x0  }
0x70: {  	[sflag:s23] =	ssyncadd.s32 $0xFFFFFB00  }
0x71: {  	[spmem:s2] =	stream.indirect.scatter.add.f32 [tilespmem:s18], [sflag:$0x5], $0x10, s24, s16, $0xb8;
	[tilespmem:$0xDCA0] =	vst v63  }
0x72: {  	_ =	swait.ge [sflag:s12], $0x500  }
0x73: {  	[sflag:s12] =	ssyncset.done $0x0  }
0x74: {  	s15 =	sshra.s32 s11, $0x2;
	[sflag:s12] =	ssyncadd.s32 $0xFFFFFB00  }
0x75: {  	v1 =	vld [tilespmem:s15+$0xF0];
	_ =	sdelay $0x4  }
0x76: {  	[tilespmem:$0x4F10] =	vst v1  }
0x77: {  	v1 =	vld [tilespmem:s15+$0x2800];
	_ =	sdelay $0x4  }
0x78: {  	[tilespmem:$0x5050] =	vst v1  }
0x79: {  	v1 =	vld [tilespmem:s15+$0x100];
	_ =	sdelay $0x4  }
0x7a: {  	[tilespmem:$0x4F20] =	vst v1  }
0x7b: {  	v1 =	vld [tilespmem:s15+$0x2810];
	_ =	sdelay $0x4  }
0x7c: {  	[tilespmem:$0x5060] =	vst v1  }
0x7d: {  	v1 =	vld [tilespmem:s15+$0x110];
	_ =	sdelay $0x4  }
0x7e: {  	[tilespmem:$0x4F30] =	vst v1  }
0x7f: {  	v1 =	vld [tilespmem:s15+$0x2820];
	_ =	sdelay $0x4  }
0x80: {  	[tilespmem:$0x5070] =	vst v1  }
0x81: {  	v1 =	vld [tilespmem:s15+$0x120];
	_ =	sdelay $0x4  }
0x82: {  	[tilespmem:$0x4F40] =	vst v1  }
0x83: {  	v1 =	vld [tilespmem:s15+$0x2830];
	_ =	sdelay $0x4  }
0x84: {  	[tilespmem:$0x5080] =	vst v1  }
0x85: {  	v1 =	vld [tilespmem:s15+$0x130];
	_ =	sdelay $0x4  }
0x86: {  	[tilespmem:$0x4F50] =	vst v1  }
0x87: {  	v1 =	vld [tilespmem:s15+$0x2840];
	_ =	sdelay $0x4  }
0x88: {  	[tilespmem:$0x5090] =	vst v1  }
0x89: {  	[tilespmem:s26], [sflag:$0x4] =	stream.indirect.gather [spmem:s3], $0x10, s25, s16, $0xb8;
	[tilespmem:$0xDCA0] =	vst v63  }
0x8a: {  	_ =	swait.ge [sflag:s28], $0x500  }
0x8b: {  	[sflag:s28] =	ssyncset.done $0x0  }
0x8c: {  	[sflag:s28] =	ssyncadd.s32 $0xFFFFFB00  }
0x8d: {  	[spmem:s2] =	stream.indirect.scatter.add.f32 [tilespmem:s20], [sflag:$0x5], $0x10, s29, s16, $0xb8;
	[tilespmem:$0xDCA0] =	vst v63  }
0x8e: {  	_ =	swait.ge [sflag:s12], $0x500  }
0x8f: {  	[sflag:s12] =	ssyncset.done $0x0  }
0x90: {  	[sflag:s12] =	ssyncadd.s32 $0xFFFFFB00  }
0x91: {  	v1 =	vld [tilespmem:s15+$0x140];
	_ =	sdelay $0x4  }
0x92: {  	[tilespmem:$0x4E20] =	vst v1  }
0x93: {  	v1 =	vld [tilespmem:s15+$0x2850];
	_ =	sdelay $0x4  }
0x94: {  	[tilespmem:$0x4F60] =	vst v1  }
0x95: {  	v1 =	vld [tilespmem:s15+$0x150];
	_ =	sdelay $0x4  }
0x96: {  	[tilespmem:$0x4E30] =	vst v1  }
0x97: {  	v1 =	vld [tilespmem:s15+$0x2860];
	_ =	sdelay $0x4  }
0x98: {  	[tilespmem:$0x4F70] =	vst v1  }
0x99: {  	v1 =	vld [tilespmem:s15+$0x160];
	_ =	sdelay $0x4  }
0x9a: {  	[tilespmem:$0x4E40] =	vst v1  }
0x9b: {  	v1 =	vld [tilespmem:s15+$0x2870];
	_ =	sdelay $0x4  }
0x9c: {  	[tilespmem:$0x4F80] =	vst v1  }
0x9d: {  	v1 =	vld [tilespmem:s15+$0x170];
	_ =	sdelay $0x4  }
0x9e: {  	[tilespmem:$0x4E50] =	vst v1  }
0x9f: {  	v1 =	vld [tilespmem:s15+$0x2880];
	_ =	sdelay $0x4  }
0xa0: {  	[tilespmem:$0x4F90] =	vst v1  }
0xa1: {  	v1 =	vld [tilespmem:s15+$0x180];
	_ =	sdelay $0x4  }
0xa2: {  	[tilespmem:$0x4E60] =	vst v1  }
0xa3: {  	v1 =	vld [tilespmem:s15+$0x2890];
	_ =	sdelay $0x4  }
0xa4: {  	[tilespmem:$0x4FA0] =	vst v1  }
0xa5: {  	[tilespmem:s18], [sflag:$0x1] =	stream.indirect.gather [spmem:s3], $0x10, s17, s16, $0xb8;
	[tilespmem:$0xDCA0] =	vst v63  }
0xa6: {  	_ =	swait.ge [sflag:s30], $0x500  }
0xa7: {  	p0 =	seq.s32 s11, $0x9600;
	[sflag:s30] =	ssyncset.done $0x0  }
.Ltmp3:
0xa8: {  	[sflag:s30] =	ssyncadd.s32 $0xFFFFFB00;
	(pc) =	sbr.rel @p0 .LBB2_6-.Ltmp3, $4  }
0xa9: {  	[spmem:s2] =	stream.indirect.scatter.add.f32 [tilespmem:s22], [sflag:$0x5], $0x10, s31, s16, $0xb8;
	[tilespmem:$0xDCA0] =	vst v63  }
0xaa: {  	_ =	swait.ge [sflag:s12], $0x500  }
0xab: {  	[sflag:s12] =	ssyncset.done $0x0  }
0xac: {  	[sflag:s12] =	ssyncadd.s32 $0xFFFFFB00  }
0xad: {  	v1 =	vld [tilespmem:s15+$0x190];
	_ =	sdelay $0x4  }
0xae: {  	[tilespmem:$0x4E70] =	vst v1  }
0xaf: {  	v1 =	vld [tilespmem:s15+$0x28A0];
	_ =	sdelay $0x4  }
0xb0: {  	[tilespmem:$0x4FB0] =	vst v1  }
0xb1: {  	v1 =	vld [tilespmem:s15+$0x1A0];
	_ =	sdelay $0x4  }
0xb2: {  	[tilespmem:$0x4E80] =	vst v1  }
0xb3: {  	v1 =	vld [tilespmem:s15+$0x28B0];
	_ =	sdelay $0x4  }
0xb4: {  	[tilespmem:$0x4FC0] =	vst v1  }
0xb5: {  	v1 =	vld [tilespmem:s15+$0x1B0];
	_ =	sdelay $0x4  }
0xb6: {  	[tilespmem:$0x4E90] =	vst v1  }
0xb7: {  	v1 =	vld [tilespmem:s15+$0x28C0];
	_ =	sdelay $0x4  }
0xb8: {  	[tilespmem:$0x4FD0] =	vst v1  }
0xb9: {  	v1 =	vld [tilespmem:s15+$0x1C0];
	_ =	sdelay $0x4  }
0xba: {  	[tilespmem:$0x4EA0] =	vst v1  }
0xbb: {  	v1 =	vld [tilespmem:s15+$0x28D0];
	_ =	sdelay $0x4  }
0xbc: {  	[tilespmem:$0x4FE0] =	vst v1  }
0xbd: {  	v1 =	vld [tilespmem:s15+$0x1D0];
	_ =	sdelay $0x4  }
0xbe: {  	[tilespmem:$0x4EB0] =	vst v1  }
0xbf: {  	v1 =	vld [tilespmem:s15+$0x28E0];
	_ =	sdelay $0x4  }
0xc0: {  	[tilespmem:$0x4FF0] =	vst v1  }
0xc1: {  	[tilespmem:s20], [sflag:$0x2] =	stream.indirect.gather [spmem:s3], $0x10, s19, s16, $0xb8;
	[tilespmem:$0xDCA0] =	vst v63  }
0xc2: {  	_ =	swait.ge [sflag:s0], $0x500  }
0xc3: {  	[sflag:s0] =	ssyncset.done $0x0  }
0xc4: {  	[sflag:s0] =	ssyncadd.s32 $0xFFFFFB00  }
0xc5: {  	[spmem:s2] =	stream.indirect.scatter.add.f32 [tilespmem:s26], [sflag:$0x5], $0x10, s1, s16, $0xb8;
	[tilespmem:$0xDCA0] =	vst v63  }
0xc6: {  	_ =	swait.ge [sflag:s12], $0x500  }
0xc7: {  	[sflag:s12] =	ssyncset.done $0x0  }
0xc8: {  	[sflag:s12] =	ssyncadd.s32 $0xFFFFFB00  }
0xc9: {  	v1 =	vld [tilespmem:s15+$0x1E0];
	_ =	sdelay $0x4  }
0xca: {  	[tilespmem:$0x4EC0] =	vst v1  }
0xcb: {  	v1 =	vld [tilespmem:s15+$0x28F0];
	_ =	sdelay $0x4  }
0xcc: {  	[tilespmem:$0x5000] =	vst v1  }
0xcd: {  	v1 =	vld [tilespmem:s15+$0x1F0];
	_ =	sdelay $0x4  }
0xce: {  	[tilespmem:$0x4ED0] =	vst v1  }
0xcf: {  	v1 =	vld [tilespmem:s15+$0x2900];
	_ =	sdelay $0x4  }
0xd0: {  	[tilespmem:$0x5010] =	vst v1  }
0xd1: {  	v1 =	vld [tilespmem:s15+$0x200];
	_ =	sdelay $0x4  }
0xd2: {  	[tilespmem:$0x4EE0] =	vst v1  }
0xd3: {  	v1 =	vld [tilespmem:s15+$0x2910];
	_ =	sdelay $0x4  }
0xd4: {  	[tilespmem:$0x5020] =	vst v1  }
0xd5: {  	v1 =	vld [tilespmem:s15+$0x210];
	_ =	sdelay $0x4  }
0xd6: {  	[tilespmem:$0x4EF0] =	vst v1  }
0xd7: {  	v1 =	vld [tilespmem:s15+$0x2920];
	_ =	sdelay $0x4  }
0xd8: {  	[tilespmem:$0x5030] =	vst v1  }
0xd9: {  	v1 =	vld [tilespmem:s15+$0x220];
	_ =	sdelay $0x4  }
0xda: {  	[tilespmem:$0x4F00] =	vst v1  }
0xdb: {  	v1 =	vld [tilespmem:s15+$0x2930];
	_ =	sdelay $0x1  }
.Ltmp4:
0xdc: {  	_ = 	snop;
	(pc) =	sbr.rel .LBB2_4-.Ltmp4, $3  }
0xdd: {  	_ =	sdelay $0x1  }
0xde: {  	s11 =	sadd.s32 $0x500, s11;
	[tilespmem:$0x5040] =	vst v1  }
0xdf: {  	[tilespmem:s22], [sflag:$0x3] =	stream.indirect.gather [spmem:s3], $0x10, s21, s16, $0xb8;
	[tilespmem:$0xDCA0] =	vst v63  }
.LBB2_7:
0xe0: {  	_ =	sfence.sel $0x180000  }
0xe1: {  	[bflag:$0x0] =	sbarrier.arrive $0xFFFF  }
0xe2: {  	_ =	strace $0x9000004A  }
0xe3: {  	s0 =	stileid.u32;
	[bflag:$0x2] =	sbarrier.arrive $0xFFFF  }
0xe4: {  	p0 =	sne.s32 s0, $0x0;
	s0 =	rddreg [dreg:$0x3]  }
0xe5: {  	s0 =	sadd.s32 @!p0 $0x100000, s0  }
0xe6: {  	[sflag:s0] =	ssyncadd.tile.s32 @!p0 $0x1;
	_ =	shalt  }
.Lfunc_end2:
_tile_overlayer_lowered:
.L_overlay_start_2:
0xe7: {  	(tag) =	ssettag $0x2  }
0xe8: {  	s0 =	rddreg [dreg:$0x0];
	s2 =	stileid.u32  }
0xe9: {  	s1 =	rddreg [dreg:$0x1];
	p0 =	sne.s32 s2, $0x0  }
0xea: {  	s3 =	rddreg [dreg:$0x2];
	[bflag:$0x3] =	sbarrier.arrive $0xFFFF;
	s2 =	simm.s32 @!p0 $0x1C05  }
0xeb: {  	[timem:s3], [sflag:s2] =	dma.local @!p0 [hbm:s0], s1  }
0xec: {  	s0 =	simm.s32 @!p0 $0x5  }
0xed: {  	_ =	swait.ge @!p0 [sflag:s0], s1  }
0xee: {  	s1 =	ssub.s32 @!p0 $0x0, s1;
	[sflag:s0] =	ssyncset.done @!p0 $0x0  }
0xef: {  	[sflag:s0] =	ssyncadd.s32 @!p0 s1  }
0xf0: {  	[bflag:$0x3] =	sbarrier.arrive $0xFFFF  }
0xf1: {  	_ =	shalt  }

</sc_bundles>
